<compile_context>
chip_gen: v7x
topology: tpu7x:2x2x1
jax: 0.10.2.dev20260603
libtpu: 0.0.44.dev20260713+nightly
codegen_flags: <defaults>
</compile_context>

<pallas_src>
import functools

import jax
import jax.numpy as jnp
from jax import lax
from jax.experimental import pallas as pl
from jax.experimental.pallas import tpu as pltpu
from jax.experimental.pallas import tpu_sc as plsc

_N = 1048576
_NC = 2
_NS = 16
_NW = _NC * _NS
_EPW = _N // _NW
_CHUNK = 8192
_NCHUNK = _EPW // _CHUNK
_GSIZE = 128

_P1 = 1
_P2 = -1640531535
_P3 = 805459861

_mesh = plsc.VectorSubcoreMesh(core_axis_name="c", subcore_axis_name="s")

_in_buf = lambda: pltpu.VMEM((_CHUNK,), jnp.int32)


@functools.partial(
    pl.kernel,
    out_type=jax.ShapeDtypeStruct((_N,), jnp.float32),
    mesh=_mesh,
    scratch_types=[
        [_in_buf() for _ in range(4)],
        [_in_buf() for _ in range(4)],
        [pltpu.VMEM((_CHUNK,), jnp.int32) for _ in range(2)],
        [pltpu.VMEM((_CHUNK,), jnp.float32) for _ in range(2)],
        [pltpu.SemaphoreType.DMA for _ in range(2)],
        [pltpu.SemaphoreType.DMA for _ in range(2)],
        [pltpu.SemaphoreType.DMA for _ in range(2)],
    ],
)
def _hash_gather(index_hbm, data_hbm, out_hbm, in0, in1, idxs, vals,
                 sem_g, sem_in, sem_out):
    wid = lax.axis_index("s") * _NC + lax.axis_index("c")
    base = wid * _EPW
    insets = (in0, in1)

    def stage(ci):
        cb = base + ci * _CHUNK
        bufs = insets[ci % 2]
        for r in range(4):
            pltpu.async_copy(index_hbm.at[r, pl.ds(cb, _CHUNK)], bufs[r],
                             sem_in[ci % 2])

    def wait_stage(ci):
        cb = base + ci * _CHUNK
        bufs = insets[ci % 2]
        for r in range(4):
            pltpu.make_async_copy(index_hbm.at[r, pl.ds(cb, _CHUNK)],
                                  bufs[r], sem_in[ci % 2]).wait()

    def drain_and_flush(ci):
        b = ci % 2
        cb = base + ci * _CHUNK
        pltpu.make_async_copy(
            data_hbm.at[pl.ds(0, _CHUNK)], vals[b], sem_g[b]
        ).wait()
        pltpu.async_copy(vals[b], out_hbm.at[pl.ds(cb, _CHUNK)], sem_out[b])

    stage(0)
    for ci in range(_NCHUNK):
        b = ci % 2
        f_v, x_v, y_v, z_v = insets[b]
        idx_v, val_v = idxs[b], vals[b]
        cb = base + ci * _CHUNK

        if ci + 1 < _NCHUNK:
            stage(ci + 1)
        wait_stage(ci)
        if ci >= 2:
            pltpu.make_async_copy(
                val_v, out_hbm.at[pl.ds(cb - 2 * _CHUNK, _CHUNK)], sem_out[b]
            ).wait()

        def fire_body(g, carry):
            for u in range(_GSIZE // 16):
                s = pl.ds(g * _GSIZE + u * 16, 16)
                h = (x_v[s] ^ jnp.int32(_P1)) ^ (y_v[s] * jnp.int32(_P2)) \
                    ^ (z_v[s] * jnp.int32(_P3))
                slot = h & jnp.int32(0xFFFF)
                f = f_v[s]
                idx_v[s] = (
                    ((f >> 3) << 19)
                    | ((slot >> 7) << 10)
                    | ((f & jnp.int32(7)) << 7)
                    | (slot & jnp.int32(127))
                )
            gb = g * _GSIZE
            pltpu.async_copy(
                data_hbm.at[idx_v.at[pl.ds(gb, _GSIZE)]],
                val_v.at[pl.ds(gb, _GSIZE)],
                sem_g[b],
            )
            return carry

        lax.fori_loop(0, _CHUNK // _GSIZE, fire_body, 0)
        if ci >= 1:
            drain_and_flush(ci - 1)

    drain_and_flush(_NCHUNK - 1)
    for ci in range(_NCHUNK - 2, _NCHUNK):
        b = ci % 2
        cb = base + ci * _CHUNK
        pltpu.make_async_copy(
            vals[b], out_hbm.at[pl.ds(cb, _CHUNK)], sem_out[b]
        ).wait()


def kernel(index, data):
    data_flat = data.reshape(128, 8, 512, 128).transpose(0, 2, 1, 3).reshape(-1)
    return _hash_gather(index, data_flat)

# --- scband reference (transcript-rebuilt; emitter-appended) ---
"""Pipeline reference for scband-hash-tensor-47785806135530 (READ-ONLY COPY).

The authoritative reference and input builder live on the scoring server;
editing this copy changes nothing except your own understanding.
"""

import jax, jax.numpy as jnp
import numpy as np

N = 1048576
F = 1024
TABLE = 65536  # power of two so uint32 wraparound matches torch int64 modulo
RES = 1024
PRIMES = (1, 2654435761, 805459861)


def _spatial_hash(coords):
    # coords: uint32[3, N]; faithful to spatial_hash() for 3 spatial dims
    i = coords[0] ^ jnp.uint32(PRIMES[0])
    i = i ^ (coords[1] * jnp.uint32(PRIMES[1]))
    i = i ^ (coords[2] * jnp.uint32(PRIMES[2]))
    return i


def setup_inputs(seed: int = 0) -> dict:
    key = jax.random.key(seed)
    k1, k2 = jax.random.split(key)
    # index packed as [4, N]: row 0 = feature_i, rows 1..3 = spatial coords.
    # len(index) == 4 == ndim, matching the module's iteration over `index`.
    index = jax.random.randint(k1, (4, N), 0, RES, dtype=jnp.int32)
    # learned hash table parameter, per init_kwargs
    data = jax.random.normal(k2, (F, TABLE), dtype=jnp.float32)
    return {"index": index, "data": data}


def reference(index, data):
    feature_i = index[0]
    coords = index[1:].astype(jnp.uint32)
    h = _spatial_hash(coords)
    # TABLE = 2^16 divides 2^32, so uint32 wrap then mod equals exact int64 mod
    slot = (h % jnp.uint32(TABLE)).astype(jnp.int32)
    # gather: data[feature_i, slot] -> float32[N]
    return data[feature_i, slot]

if __name__ == "__main__":
    import jax
    _d = setup_inputs()
    print(jax.jit(kernel)(*tuple(_d.values())))

</pallas_src>

<mosaic_0001>
#map = affine_map<(d0, d1) -> (0, 0)>
#map1 = affine_map<(d0, d1) -> (0)>
module attributes {stable_mosaic.version = 14 : i64} {
  func.func @_hash_gather(%arg0: i32, %arg1: i32, %arg2: memref<4x1048576xi32, #tpu.memory_space<hbm>>, %arg3: memref<67108864xf32, #tpu.memory_space<hbm>>, %arg4: memref<1048576xf32, #tpu.memory_space<hbm>>, %arg5: memref<8192xi32, #tpu.memory_space<vmem>>, %arg6: memref<8192xi32, #tpu.memory_space<vmem>>, %arg7: memref<8192xi32, #tpu.memory_space<vmem>>, %arg8: memref<8192xi32, #tpu.memory_space<vmem>>, %arg9: memref<8192xi32, #tpu.memory_space<vmem>>, %arg10: memref<8192xi32, #tpu.memory_space<vmem>>, %arg11: memref<8192xi32, #tpu.memory_space<vmem>>, %arg12: memref<8192xi32, #tpu.memory_space<vmem>>, %arg13: memref<8192xi32, #tpu.memory_space<vmem>>, %arg14: memref<8192xi32, #tpu.memory_space<vmem>>, %arg15: memref<8192xf32, #tpu.memory_space<vmem>>, %arg16: memref<8192xf32, #tpu.memory_space<vmem>>, %arg17: memref<!tpu.dma_semaphore, #tpu.memory_space<semaphore_mem>>, %arg18: memref<!tpu.dma_semaphore, #tpu.memory_space<semaphore_mem>>, %arg19: memref<!tpu.dma_semaphore, #tpu.memory_space<semaphore_mem>>, %arg20: memref<!tpu.dma_semaphore, #tpu.memory_space<semaphore_mem>>, %arg21: memref<!tpu.dma_semaphore, #tpu.memory_space<semaphore_mem>>, %arg22: memref<!tpu.dma_semaphore, #tpu.memory_space<semaphore_mem>>) attributes {dimension_semantics = [#tpu.dimension_semantics<core_parallel>, #tpu.dimension_semantics<subcore_parallel>], iteration_bounds = array<i64: 2, 16>, scalar_prefetch = 0 : i64, scratch_operands = 18 : i64, tpu.core_type = #tpu.core_type<sc_vector_subcore>, window_params = [{transform_indices = #map}, {transform_indices = #map1}, {transform_indices = #map1}]} {
    %mul3A = arith.constant 2 : i32
    %mul3A_0 = arith.muli %arg1, %mul3A : i32
    %add3A = arith.addi %mul3A_0, %arg0 : i32
    %mul3A_1 = arith.constant 32768 : i32
    %mul3A_2 = arith.muli %add3A, %mul3A_1 : i32
    %add3A_3 = arith.constant 0 : i32
    %add3A_4 = arith.addi %mul3A_2, %add3A_3 : i32
    %dma_start3A = arith.constant 0 : i32
    %dma_start3A_5 = tpu.memref_slice %arg2[%dma_start3A, %add3A_4] : memref<4x1048576xi32, #tpu.memory_space<hbm>> -> memref<1x8192xi32, #tpu.memory_space<hbm>>
    %dma_start3A_6 = tpu.memref_squeeze %dma_start3A_5 : memref<1x8192xi32, #tpu.memory_space<hbm>> -> memref<8192xi32, #tpu.memory_space<hbm>>
    %dma_start3A_7 = tpu.memref_slice %arg2[%dma_start3A, %add3A_4] : memref<4x1048576xi32, #tpu.memory_space<hbm>> -> memref<1x8192xi32, #tpu.memory_space<hbm>>
    %dma_start3A_8 = tpu.memref_squeeze %dma_start3A_7 : memref<1x8192xi32, #tpu.memory_space<hbm>> -> memref<8192xi32, #tpu.memory_space<hbm>>
    tpu.enqueue_dma source(%dma_start3A_8 : memref<8192xi32, #tpu.memory_space<hbm>>) target(%arg5 : memref<8192xi32, #tpu.memory_space<vmem>>) target_semaphore(%arg19 : memref<!tpu.dma_semaphore, #tpu.memory_space<semaphore_mem>>)
    %dma_start3A_9 = arith.constant 1 : i32
    %dma_start3A_10 = tpu.memref_slice %arg2[%dma_start3A_9, %add3A_4] : memref<4x1048576xi32, #tpu.memory_space<hbm>> -> memref<1x8192xi32, #tpu.memory_space<hbm>>
    %dma_start3A_11 = tpu.memref_squeeze %dma_start3A_10 : memref<1x8192xi32, #tpu.memory_space<hbm>> -> memref<8192xi32, #tpu.memory_space<hbm>>
    %dma_start3A_12 = tpu.memref_slice %arg2[%dma_start3A_9, %add3A_4] : memref<4x1048576xi32, #tpu.memory_space<hbm>> -> memref<1x8192xi32, #tpu.memory_space<hbm>>
    %dma_start3A_13 = tpu.memref_squeeze %dma_start3A_12 : memref<1x8192xi32, #tpu.memory_space<hbm>> -> memref<8192xi32, #tpu.memory_space<hbm>>
    tpu.enqueue_dma source(%dma_start3A_13 : memref<8192xi32, #tpu.memory_space<hbm>>) target(%arg6 : memref<8192xi32, #tpu.memory_space<vmem>>) target_semaphore(%arg19 : memref<!tpu.dma_semaphore, #tpu.memory_space<semaphore_mem>>)
    %dma_start3A_14 = arith.constant 2 : i32
    %dma_start3A_15 = tpu.memref_slice %arg2[%dma_start3A_14, %add3A_4] : memref<4x1048576xi32, #tpu.memory_space<hbm>> -> memref<1x8192xi32, #tpu.memory_space<hbm>>
    %dma_start3A_16 = tpu.memref_squeeze %dma_start3A_15 : memref<1x8192xi32, #tpu.memory_space<hbm>> -> memref<8192xi32, #tpu.memory_space<hbm>>
    %dma_start3A_17 = tpu.memref_slice %arg2[%dma_start3A_14, %add3A_4] : memref<4x1048576xi32, #tpu.memory_space<hbm>> -> memref<1x8192xi32, #tpu.memory_space<hbm>>
    %dma_start3A_18 = tpu.memref_squeeze %dma_start3A_17 : memref<1x8192xi32, #tpu.memory_space<hbm>> -> memref<8192xi32, #tpu.memory_space<hbm>>
    tpu.enqueue_dma source(%dma_start3A_18 : memref<8192xi32, #tpu.memory_space<hbm>>) target(%arg7 : memref<8192xi32, #tpu.memory_space<vmem>>) target_semaphore(%arg19 : memref<!tpu.dma_semaphore, #tpu.memory_space<semaphore_mem>>)
    %dma_start3A_19 = arith.constant 3 : i32
    %dma_start3A_20 = tpu.memref_slice %arg2[%dma_start3A_19, %add3A_4] : memref<4x1048576xi32, #tpu.memory_space<hbm>> -> memref<1x8192xi32, #tpu.memory_space<hbm>>
    %dma_start3A_21 = tpu.memref_squeeze %dma_start3A_20 : memref<1x8192xi32, #tpu.memory_space<hbm>> -> memref<8192xi32, #tpu.memory_space<hbm>>
    %dma_start3A_22 = tpu.memref_slice %arg2[%dma_start3A_19, %add3A_4] : memref<4x1048576xi32, #tpu.memory_space<hbm>> -> memref<1x8192xi32, #tpu.memory_space<hbm>>
    %dma_start3A_23 = tpu.memref_squeeze %dma_start3A_22 : memref<1x8192xi32, #tpu.memory_space<hbm>> -> memref<8192xi32, #tpu.memory_space<hbm>>
    tpu.enqueue_dma source(%dma_start3A_23 : memref<8192xi32, #tpu.memory_space<hbm>>) target(%arg8 : memref<8192xi32, #tpu.memory_space<vmem>>) target_semaphore(%arg19 : memref<!tpu.dma_semaphore, #tpu.memory_space<semaphore_mem>>)
    %add3A_24 = arith.constant 0 : i32
    %add3A_25 = arith.addi %mul3A_2, %add3A_24 : i32
    %add3A_26 = arith.constant 8192 : i32
    %add3A_27 = arith.addi %mul3A_2, %add3A_26 : i32
    %dma_start3A_28 = arith.constant 0 : i32
    %dma_start3A_29 = tpu.memref_slice %arg2[%dma_start3A_28, %add3A_27] : memref<4x1048576xi32, #tpu.memory_space<hbm>> -> memref<1x8192xi32, #tpu.memory_space<hbm>>
    %dma_start3A_30 = tpu.memref_squeeze %dma_start3A_29 : memref<1x8192xi32, #tpu.memory_space<hbm>> -> memref<8192xi32, #tpu.memory_space<hbm>>
    %dma_start3A_31 = tpu.memref_slice %arg2[%dma_start3A_28, %add3A_27] : memref<4x1048576xi32, #tpu.memory_space<hbm>> -> memref<1x8192xi32, #tpu.memory_space<hbm>>
    %dma_start3A_32 = tpu.memref_squeeze %dma_start3A_31 : memref<1x8192xi32, #tpu.memory_space<hbm>> -> memref<8192xi32, #tpu.memory_space<hbm>>
    tpu.enqueue_dma source(%dma_start3A_32 : memref<8192xi32, #tpu.memory_space<hbm>>) target(%arg9 : memref<8192xi32, #tpu.memory_space<vmem>>) target_semaphore(%arg20 : memref<!tpu.dma_semaphore, #tpu.memory_space<semaphore_mem>>)
    %dma_start3A_33 = arith.constant 1 : i32
    %dma_start3A_34 = tpu.memref_slice %arg2[%dma_start3A_33, %add3A_27] : memref<4x1048576xi32, #tpu.memory_space<hbm>> -> memref<1x8192xi32, #tpu.memory_space<hbm>>
    %dma_start3A_35 = tpu.memref_squeeze %dma_start3A_34 : memref<1x8192xi32, #tpu.memory_space<hbm>> -> memref<8192xi32, #tpu.memory_space<hbm>>
    %dma_start3A_36 = tpu.memref_slice %arg2[%dma_start3A_33, %add3A_27] : memref<4x1048576xi32, #tpu.memory_space<hbm>> -> memref<1x8192xi32, #tpu.memory_space<hbm>>
    %dma_start3A_37 = tpu.memref_squeeze %dma_start3A_36 : memref<1x8192xi32, #tpu.memory_space<hbm>> -> memref<8192xi32, #tpu.memory_space<hbm>>
    tpu.enqueue_dma source(%dma_start3A_37 : memref<8192xi32, #tpu.memory_space<hbm>>) target(%arg10 : memref<8192xi32, #tpu.memory_space<vmem>>) target_semaphore(%arg20 : memref<!tpu.dma_semaphore, #tpu.memory_space<semaphore_mem>>)
    %dma_start3A_38 = arith.constant 2 : i32
    %dma_start3A_39 = tpu.memref_slice %arg2[%dma_start3A_38, %add3A_27] : memref<4x1048576xi32, #tpu.memory_space<hbm>> -> memref<1x8192xi32, #tpu.memory_space<hbm>>
    %dma_start3A_40 = tpu.memref_squeeze %dma_start3A_39 : memref<1x8192xi32, #tpu.memory_space<hbm>> -> memref<8192xi32, #tpu.memory_space<hbm>>
    %dma_start3A_41 = tpu.memref_slice %arg2[%dma_start3A_38, %add3A_27] : memref<4x1048576xi32, #tpu.memory_space<hbm>> -> memref<1x8192xi32, #tpu.memory_space<hbm>>
    %dma_start3A_42 = tpu.memref_squeeze %dma_start3A_41 : memref<1x8192xi32, #tpu.memory_space<hbm>> -> memref<8192xi32, #tpu.memory_space<hbm>>
    tpu.enqueue_dma source(%dma_start3A_42 : memref<8192xi32, #tpu.memory_space<hbm>>) target(%arg11 : memref<8192xi32, #tpu.memory_space<vmem>>) target_semaphore(%arg20 : memref<!tpu.dma_semaphore, #tpu.memory_space<semaphore_mem>>)
    %dma_start3A_43 = arith.constant 3 : i32
    %dma_start3A_44 = tpu.memref_slice %arg2[%dma_start3A_43, %add3A_27] : memref<4x1048576xi32, #tpu.memory_space<hbm>> -> memref<1x8192xi32, #tpu.memory_space<hbm>>
    %dma_start3A_45 = tpu.memref_squeeze %dma_start3A_44 : memref<1x8192xi32, #tpu.memory_space<hbm>> -> memref<8192xi32, #tpu.memory_space<hbm>>
    %dma_start3A_46 = tpu.memref_slice %arg2[%dma_start3A_43, %add3A_27] : memref<4x1048576xi32, #tpu.memory_space<hbm>> -> memref<1x8192xi32, #tpu.memory_space<hbm>>
    %dma_start3A_47 = tpu.memref_squeeze %dma_start3A_46 : memref<1x8192xi32, #tpu.memory_space<hbm>> -> memref<8192xi32, #tpu.memory_space<hbm>>
    tpu.enqueue_dma source(%dma_start3A_47 : memref<8192xi32, #tpu.memory_space<hbm>>) target(%arg12 : memref<8192xi32, #tpu.memory_space<vmem>>) target_semaphore(%arg20 : memref<!tpu.dma_semaphore, #tpu.memory_space<semaphore_mem>>)
    %add3A_48 = arith.constant 0 : i32
    %add3A_49 = arith.addi %mul3A_2, %add3A_48 : i32
    %dma_wait3A = arith.constant 0 : i32
    %dma_wait3A_50 = tpu.memref_slice %arg2[%dma_wait3A, %add3A_49] : memref<4x1048576xi32, #tpu.memory_space<hbm>> -> memref<1x8192xi32, #tpu.memory_space<hbm>>
    %dma_wait3A_51 = tpu.memref_squeeze %dma_wait3A_50 : memref<1x8192xi32, #tpu.memory_space<hbm>> -> memref<8192xi32, #tpu.memory_space<hbm>>
    %dma_wait3A_52 = tpu.memref_slice %arg2[%dma_wait3A, %add3A_49] : memref<4x1048576xi32, #tpu.memory_space<hbm>> -> memref<1x8192xi32, #tpu.memory_space<hbm>>
    %dma_wait3A_53 = tpu.memref_squeeze %dma_wait3A_52 : memref<1x8192xi32, #tpu.memory_space<hbm>> -> memref<8192xi32, #tpu.memory_space<hbm>>
    tpu.wait_dma2 semaphore(%arg19 : memref<!tpu.dma_semaphore, #tpu.memory_space<semaphore_mem>>) src(%dma_wait3A_53 : memref<8192xi32, #tpu.memory_space<hbm>>) dst(%arg5 : memref<8192xi32, #tpu.memory_space<vmem>>)
    %dma_wait3A_54 = arith.constant 1 : i32
    %dma_wait3A_55 = tpu.memref_slice %arg2[%dma_wait3A_54, %add3A_49] : memref<4x1048576xi32, #tpu.memory_space<hbm>> -> memref<1x8192xi32, #tpu.memory_space<hbm>>
    %dma_wait3A_56 = tpu.memref_squeeze %dma_wait3A_55 : memref<1x8192xi32, #tpu.memory_space<hbm>> -> memref<8192xi32, #tpu.memory_space<hbm>>
    %dma_wait3A_57 = tpu.memref_slice %arg2[%dma_wait3A_54, %add3A_49] : memref<4x1048576xi32, #tpu.memory_space<hbm>> -> memref<1x8192xi32, #tpu.memory_space<hbm>>
    %dma_wait3A_58 = tpu.memref_squeeze %dma_wait3A_57 : memref<1x8192xi32, #tpu.memory_space<hbm>> -> memref<8192xi32, #tpu.memory_space<hbm>>
    tpu.wait_dma2 semaphore(%arg19 : memref<!tpu.dma_semaphore, #tpu.memory_space<semaphore_mem>>) src(%dma_wait3A_58 : memref<8192xi32, #tpu.memory_space<hbm>>) dst(%arg6 : memref<8192xi32, #tpu.memory_space<vmem>>)
    %dma_wait3A_59 = arith.constant 2 : i32
    %dma_wait3A_60 = tpu.memref_slice %arg2[%dma_wait3A_59, %add3A_49] : memref<4x1048576xi32, #tpu.memory_space<hbm>> -> memref<1x8192xi32, #tpu.memory_space<hbm>>
    %dma_wait3A_61 = tpu.memref_squeeze %dma_wait3A_60 : memref<1x8192xi32, #tpu.memory_space<hbm>> -> memref<8192xi32, #tpu.memory_space<hbm>>
    %dma_wait3A_62 = tpu.memref_slice %arg2[%dma_wait3A_59, %add3A_49] : memref<4x1048576xi32, #tpu.memory_space<hbm>> -> memref<1x8192xi32, #tpu.memory_space<hbm>>
    %dma_wait3A_63 = tpu.memref_squeeze %dma_wait3A_62 : memref<1x8192xi32, #tpu.memory_space<hbm>> -> memref<8192xi32, #tpu.memory_space<hbm>>
    tpu.wait_dma2 semaphore(%arg19 : memref<!tpu.dma_semaphore, #tpu.memory_space<semaphore_mem>>) src(%dma_wait3A_63 : memref<8192xi32, #tpu.memory_space<hbm>>) dst(%arg7 : memref<8192xi32, #tpu.memory_space<vmem>>)
    %dma_wait3A_64 = arith.constant 3 : i32
    %dma_wait3A_65 = tpu.memref_slice %arg2[%dma_wait3A_64, %add3A_49] : memref<4x1048576xi32, #tpu.memory_space<hbm>> -> memref<1x8192xi32, #tpu.memory_space<hbm>>
    %dma_wait3A_66 = tpu.memref_squeeze %dma_wait3A_65 : memref<1x8192xi32, #tpu.memory_space<hbm>> -> memref<8192xi32, #tpu.memory_space<hbm>>
    %dma_wait3A_67 = tpu.memref_slice %arg2[%dma_wait3A_64, %add3A_49] : memref<4x1048576xi32, #tpu.memory_space<hbm>> -> memref<1x8192xi32, #tpu.memory_space<hbm>>
    %dma_wait3A_68 = tpu.memref_squeeze %dma_wait3A_67 : memref<1x8192xi32, #tpu.memory_space<hbm>> -> memref<8192xi32, #tpu.memory_space<hbm>>
    tpu.wait_dma2 semaphore(%arg19 : memref<!tpu.dma_semaphore, #tpu.memory_space<semaphore_mem>>) src(%dma_wait3A_68 : memref<8192xi32, #tpu.memory_space<hbm>>) dst(%arg8 : memref<8192xi32, #tpu.memory_space<vmem>>)
    %scan3A = arith.constant 0 : i32
    %scan3A_69 = arith.constant 0 : i32
    %scan3A_70 = arith.constant 64 : i32
    %scan3A_71 = arith.addi %scan3A_69, %scan3A_70 : i32
    %scan3A_72 = arith.constant 1 : i32
    scf.for %scan3A_255 = %scan3A_69 to %scan3A_71 step %scan3A_72  : i32 {
      %mul3A_256 = arith.constant 128 : i32
      %mul3A_257 = arith.muli %scan3A_255, %mul3A_256 : i32
      %add3A_258 = arith.constant 0 : i32
      %add3A_259 = arith.addi %mul3A_257, %add3A_258 : i32
      %get3A = arith.index_cast %add3A_259 : i32 to index
      %get3A_260 = tpu.vector_load %arg6[%get3A] {strides = array<i32>} : memref<8192xi32, #tpu.memory_space<vmem>>, vector<16xi32>,
      %get3A_261 = vector.shape_cast %get3A_260 : vector<16xi32> to vector<16xi32>
      %xor3A = arith.constant 1 : i32
      %xor3A_262 = vector.broadcast %xor3A : i32 to vector<16xi32>
      %xor3A_263 = arith.xori %get3A_261, %xor3A_262 : vector<16xi32>
      %get3A_264 = arith.index_cast %add3A_259 : i32 to index
      %get3A_265 = tpu.vector_load %arg7[%get3A_264] {strides = array<i32>} : memref<8192xi32, #tpu.memory_space<vmem>>, vector<16xi32>,
      %get3A_266 = vector.shape_cast %get3A_265 : vector<16xi32> to vector<16xi32>
      %mul3A_267 = arith.constant -1640531535 : i32
      %mul3A_268 = vector.broadcast %mul3A_267 : i32 to vector<16xi32>
      %mul3A_269 = arith.muli %get3A_266, %mul3A_268 : vector<16xi32>
      %xor3A_270 = arith.xori %xor3A_263, %mul3A_269 : vector<16xi32>
      %get3A_271 = arith.index_cast %add3A_259 : i32 to index
      %get3A_272 = tpu.vector_load %arg8[%get3A_271] {strides = array<i32>} : memref<8192xi32, #tpu.memory_space<vmem>>, vector<16xi32>,
      %get3A_273 = vector.shape_cast %get3A_272 : vector<16xi32> to vector<16xi32>
      %mul3A_274 = arith.constant 805459861 : i32
      %mul3A_275 = vector.broadcast %mul3A_274 : i32 to vector<16xi32>
      %mul3A_276 = arith.muli %get3A_273, %mul3A_275 : vector<16xi32>
      %xor3A_277 = arith.xori %xor3A_270, %mul3A_276 : vector<16xi32>
      %and3A = arith.constant 65535 : i32
      %and3A_278 = vector.broadcast %and3A : i32 to vector<16xi32>
      %and3A_279 = arith.andi %xor3A_277, %and3A_278 : vector<16xi32>
      %get3A_280 = arith.index_cast %add3A_259 : i32 to index
      %get3A_281 = tpu.vector_load %arg5[%get3A_280] {strides = array<i32>} : memref<8192xi32, #tpu.memory_space<vmem>>, vector<16xi32>,
      %get3A_282 = vector.shape_cast %get3A_281 : vector<16xi32> to vector<16xi32>
      %shift_right_arithmetic3A = arith.constant 3 : i32
      %shift_right_arithmetic3A_283 = vector.broadcast %shift_right_arithmetic3A : i32 to vector<16xi32>
      %shift_right_arithmetic3A_284 = arith.shrsi %get3A_282, %shift_right_arithmetic3A_283 : vector<16xi32>
      %shift_left3A = arith.constant 19 : i32
      %shift_left3A_285 = vector.broadcast %shift_left3A : i32 to vector<16xi32>
      %shift_left3A_286 = arith.shli %shift_right_arithmetic3A_284, %shift_left3A_285 : vector<16xi32>
      %shift_right_arithmetic3A_287 = arith.constant 7 : i32
      %shift_right_arithmetic3A_288 = vector.broadcast %shift_right_arithmetic3A_287 : i32 to vector<16xi32>
      %shift_right_arithmetic3A_289 = arith.shrsi %and3A_279, %shift_right_arithmetic3A_288 : vector<16xi32>
      %shift_left3A_290 = arith.constant 10 : i32
      %shift_left3A_291 = vector.broadcast %shift_left3A_290 : i32 to vector<16xi32>
      %shift_left3A_292 = arith.shli %shift_right_arithmetic3A_289, %shift_left3A_291 : vector<16xi32>
      %or3A = arith.ori %shift_left3A_286, %shift_left3A_292 : vector<16xi32>
      %and3A_293 = arith.constant 7 : i32
      %and3A_294 = vector.broadcast %and3A_293 : i32 to vector<16xi32>
      %and3A_295 = arith.andi %get3A_282, %and3A_294 : vector<16xi32>
      %shift_left3A_296 = arith.constant 7 : i32
      %shift_left3A_297 = vector.broadcast %shift_left3A_296 : i32 to vector<16xi32>
      %shift_left3A_298 = arith.shli %and3A_295, %shift_left3A_297 : vector<16xi32>
      %or3A_299 = arith.ori %or3A, %shift_left3A_298 : vector<16xi32>
      %and3A_300 = arith.constant 127 : i32
      %and3A_301 = vector.broadcast %and3A_300 : i32 to vector<16xi32>
      %and3A_302 = arith.andi %and3A_279, %and3A_301 : vector<16xi32>
      %or3A_303 = arith.ori %or3A_299, %and3A_302 : vector<16xi32>
      %swap3A = arith.index_cast %add3A_259 : i32 to index
      %swap3A_304 = tpu.vector_load %arg13[%swap3A] {strides = array<i32>} : memref<8192xi32, #tpu.memory_space<vmem>>, vector<16xi32>,
      %swap3A_305 = vector.shape_cast %swap3A_304 : vector<16xi32> to vector<16xi32>
      %swap3A_306 = vector.shape_cast %or3A_303 : vector<16xi32> to vector<16xi32>
      tpu.vector_store %arg13[%swap3A], %swap3A_306 {strides = array<i32>} : memref<8192xi32, #tpu.memory_space<vmem>>, vector<16xi32>,
      %mul3A_307 = arith.constant 128 : i32
      %mul3A_308 = arith.muli %scan3A_255, %mul3A_307 : i32
      %add3A_309 = arith.constant 16 : i32
      %add3A_310 = arith.addi %mul3A_308, %add3A_309 : i32
      %get3A_311 = arith.index_cast %add3A_310 : i32 to index
      %get3A_312 = tpu.vector_load %arg6[%get3A_311] {strides = array<i32>} : memref<8192xi32, #tpu.memory_space<vmem>>, vector<16xi32>,
      %get3A_313 = vector.shape_cast %get3A_312 : vector<16xi32> to vector<16xi32>
      %xor3A_314 = arith.constant 1 : i32
      %xor3A_315 = vector.broadcast %xor3A_314 : i32 to vector<16xi32>
      %xor3A_316 = arith.xori %get3A_313, %xor3A_315 : vector<16xi32>
      %get3A_317 = arith.index_cast %add3A_310 : i32 to index
      %get3A_318 = tpu.vector_load %arg7[%get3A_317] {strides = array<i32>} : memref<8192xi32, #tpu.memory_space<vmem>>, vector<16xi32>,
      %get3A_319 = vector.shape_cast %get3A_318 : vector<16xi32> to vector<16xi32>
      %mul3A_320 = arith.constant -1640531535 : i32
      %mul3A_321 = vector.broadcast %mul3A_320 : i32 to vector<16xi32>
      %mul3A_322 = arith.muli %get3A_319, %mul3A_321 : vector<16xi32>
      %xor3A_323 = arith.xori %xor3A_316, %mul3A_322 : vector<16xi32>
      %get3A_324 = arith.index_cast %add3A_310 : i32 to index
      %get3A_325 = tpu.vector_load %arg8[%get3A_324] {strides = array<i32>} : memref<8192xi32, #tpu.memory_space<vmem>>, vector<16xi32>,
      %get3A_326 = vector.shape_cast %get3A_325 : vector<16xi32> to vector<16xi32>
      %mul3A_327 = arith.constant 805459861 : i32
      %mul3A_328 = vector.broadcast %mul3A_327 : i32 to vector<16xi32>
      %mul3A_329 = arith.muli %get3A_326, %mul3A_328 : vector<16xi32>
      %xor3A_330 = arith.xori %xor3A_323, %mul3A_329 : vector<16xi32>
      %and3A_331 = arith.constant 65535 : i32
      %and3A_332 = vector.broadcast %and3A_331 : i32 to vector<16xi32>
      %and3A_333 = arith.andi %xor3A_330, %and3A_332 : vector<16xi32>
      %get3A_334 = arith.index_cast %add3A_310 : i32 to index
      %get3A_335 = tpu.vector_load %arg5[%get3A_334] {strides = array<i32>} : memref<8192xi32, #tpu.memory_space<vmem>>, vector<16xi32>,
      %get3A_336 = vector.shape_cast %get3A_335 : vector<16xi32> to vector<16xi32>
      %shift_right_arithmetic3A_337 = arith.constant 3 : i32
      %shift_right_arithmetic3A_338 = vector.broadcast %shift_right_arithmetic3A_337 : i32 to vector<16xi32>
      %shift_right_arithmetic3A_339 = arith.shrsi %get3A_336, %shift_right_arithmetic3A_338 : vector<16xi32>
      %shift_left3A_340 = arith.constant 19 : i32
      %shift_left3A_341 = vector.broadcast %shift_left3A_340 : i32 to vector<16xi32>
      %shift_left3A_342 = arith.shli %shift_right_arithmetic3A_339, %shift_left3A_341 : vector<16xi32>
      %shift_right_arithmetic3A_343 = arith.constant 7 : i32
      %shift_right_arithmetic3A_344 = vector.broadcast %shift_right_arithmetic3A_343 : i32 to vector<16xi32>
      %shift_right_arithmetic3A_345 = arith.shrsi %and3A_333, %shift_right_arithmetic3A_344 : vector<16xi32>
      %shift_left3A_346 = arith.constant 10 : i32
      %shift_left3A_347 = vector.broadcast %shift_left3A_346 : i32 to vector<16xi32>
      %shift_left3A_348 = arith.shli %shift_right_arithmetic3A_345, %shift_left3A_347 : vector<16xi32>
      %or3A_349 = arith.ori %shift_left3A_342, %shift_left3A_348 : vector<16xi32>
      %and3A_350 = arith.constant 7 : i32
      %and3A_351 = vector.broadcast %and3A_350 : i32 to vector<16xi32>
      %and3A_352 = arith.andi %get3A_336, %and3A_351 : vector<16xi32>
      %shift_left3A_353 = arith.constant 7 : i32
      %shift_left3A_354 = vector.broadcast %shift_left3A_353 : i32 to vector<16xi32>
      %shift_left3A_355 = arith.shli %and3A_352, %shift_left3A_354 : vector<16xi32>
      %or3A_356 = arith.ori %or3A_349, %shift_left3A_355 : vector<16xi32>
      %and3A_357 = arith.constant 127 : i32
      %and3A_358 = vector.broadcast %and3A_357 : i32 to vector<16xi32>
      %and3A_359 = arith.andi %and3A_333, %and3A_358 : vector<16xi32>
      %or3A_360 = arith.ori %or3A_356, %and3A_359 : vector<16xi32>
      %swap3A_361 = arith.index_cast %add3A_310 : i32 to index
      %swap3A_362 = tpu.vector_load %arg13[%swap3A_361] {strides = array<i32>} : memref<8192xi32, #tpu.memory_space<vmem>>, vector<16xi32>,
      %swap3A_363 = vector.shape_cast %swap3A_362 : vector<16xi32> to vector<16xi32>
      %swap3A_364 = vector.shape_cast %or3A_360 : vector<16xi32> to vector<16xi32>
      tpu.vector_store %arg13[%swap3A_361], %swap3A_364 {strides = array<i32>} : memref<8192xi32, #tpu.memory_space<vmem>>, vector<16xi32>,
      %mul3A_365 = arith.constant 128 : i32
      %mul3A_366 = arith.muli %scan3A_255, %mul3A_365 : i32
      %add3A_367 = arith.constant 32 : i32
      %add3A_368 = arith.addi %mul3A_366, %add3A_367 : i32
      %get3A_369 = arith.index_cast %add3A_368 : i32 to index
      %get3A_370 = tpu.vector_load %arg6[%get3A_369] {strides = array<i32>} : memref<8192xi32, #tpu.memory_space<vmem>>, vector<16xi32>,
      %get3A_371 = vector.shape_cast %get3A_370 : vector<16xi32> to vector<16xi32>
      %xor3A_372 = arith.constant 1 : i32
      %xor3A_373 = vector.broadcast %xor3A_372 : i32 to vector<16xi32>
      %xor3A_374 = arith.xori %get3A_371, %xor3A_373 : vector<16xi32>
      %get3A_375 = arith.index_cast %add3A_368 : i32 to index
      %get3A_376 = tpu.vector_load %arg7[%get3A_375] {strides = array<i32>} : memref<8192xi32, #tpu.memory_space<vmem>>, vector<16xi32>,
      %get3A_377 = vector.shape_cast %get3A_376 : vector<16xi32> to vector<16xi32>
      %mul3A_378 = arith.constant -1640531535 : i32
      %mul3A_379 = vector.broadcast %mul3A_378 : i32 to vector<16xi32>
      %mul3A_380 = arith.muli %get3A_377, %mul3A_379 : vector<16xi32>
      %xor3A_381 = arith.xori %xor3A_374, %mul3A_380 : vector<16xi32>
      %get3A_382 = arith.index_cast %add3A_368 : i32 to index
      %get3A_383 = tpu.vector_load %arg8[%get3A_382] {strides = array<i32>} : memref<8192xi32, #tpu.memory_space<vmem>>, vector<16xi32>,
      %get3A_384 = vector.shape_cast %get3A_383 : vector<16xi32> to vector<16xi32>
      %mul3A_385 = arith.constant 805459861 : i32
      %mul3A_386 = vector.broadcast %mul3A_385 : i32 to vector<16xi32>
      %mul3A_387 = arith.muli %get3A_384, %mul3A_386 : vector<16xi32>
      %xor3A_388 = arith.xori %xor3A_381, %mul3A_387 : vector<16xi32>
      %and3A_389 = arith.constant 65535 : i32
      %and3A_390 = vector.broadcast %and3A_389 : i32 to vector<16xi32>
      %and3A_391 = arith.andi %xor3A_388, %and3A_390 : vector<16xi32>
      %get3A_392 = arith.index_cast %add3A_368 : i32 to index
      %get3A_393 = tpu.vector_load %arg5[%get3A_392] {strides = array<i32>} : memref<8192xi32, #tpu.memory_space<vmem>>, vector<16xi32>,
      %get3A_394 = vector.shape_cast %get3A_393 : vector<16xi32> to vector<16xi32>
      %shift_right_arithmetic3A_395 = arith.constant 3 : i32
      %shift_right_arithmetic3A_396 = vector.broadcast %shift_right_arithmetic3A_395 : i32 to vector<16xi32>
      %shift_right_arithmetic3A_397 = arith.shrsi %get3A_394, %shift_right_arithmetic3A_396 : vector<16xi32>
      %shift_left3A_398 = arith.constant 19 : i32
      %shift_left3A_399 = vector.broadcast %shift_left3A_398 : i32 to vector<16xi32>
      %shift_left3A_400 = arith.shli %shift_right_arithmetic3A_397, %shift_left3A_399 : vector<16xi32>
      %shift_right_arithmetic3A_401 = arith.constant 7 : i32
      %shift_right_arithmetic3A_402 = vector.broadcast %shift_right_arithmetic3A_401 : i32 to vector<16xi32>
      %shift_right_arithmetic3A_403 = arith.shrsi %and3A_391, %shift_right_arithmetic3A_402 : vector<16xi32>
      %shift_left3A_404 = arith.constant 10 : i32
      %shift_left3A_405 = vector.broadcast %shift_left3A_404 : i32 to vector<16xi32>
      %shift_left3A_406 = arith.shli %shift_right_arithmetic3A_403, %shift_left3A_405 : vector<16xi32>
      %or3A_407 = arith.ori %shift_left3A_400, %shift_left3A_406 : vector<16xi32>
      %and3A_408 = arith.constant 7 : i32
      %and3A_409 = vector.broadcast %and3A_408 : i32 to vector<16xi32>
      %and3A_410 = arith.andi %get3A_394, %and3A_409 : vector<16xi32>
      %shift_left3A_411 = arith.constant 7 : i32
      %shift_left3A_412 = vector.broadcast %shift_left3A_411 : i32 to vector<16xi32>
      %shift_left3A_413 = arith.shli %and3A_410, %shift_left3A_412 : vector<16xi32>
      %or3A_414 = arith.ori %or3A_407, %shift_left3A_413 : vector<16xi32>
      %and3A_415 = arith.constant 127 : i32
      %and3A_416 = vector.broadcast %and3A_415 : i32 to vector<16xi32>
      %and3A_417 = arith.andi %and3A_391, %and3A_416 : vector<16xi32>
      %or3A_418 = arith.ori %or3A_414, %and3A_417 : vector<16xi32>
      %swap3A_419 = arith.index_cast %add3A_368 : i32 to index
      %swap3A_420 = tpu.vector_load %arg13[%swap3A_419] {strides = array<i32>} : memref<8192xi32, #tpu.memory_space<vmem>>, vector<16xi32>,
      %swap3A_421 = vector.shape_cast %swap3A_420 : vector<16xi32> to vector<16xi32>
      %swap3A_422 = vector.shape_cast %or3A_418 : vector<16xi32> to vector<16xi32>
      tpu.vector_store %arg13[%swap3A_419], %swap3A_422 {strides = array<i32>} : memref<8192xi32, #tpu.memory_space<vmem>>, vector<16xi32>,
      %mul3A_423 = arith.constant 128 : i32
      %mul3A_424 = arith.muli %scan3A_255, %mul3A_423 : i32
      %add3A_425 = arith.constant 48 : i32
      %add3A_426 = arith.addi %mul3A_424, %add3A_425 : i32
      %get3A_427 = arith.index_cast %add3A_426 : i32 to index
      %get3A_428 = tpu.vector_load %arg6[%get3A_427] {strides = array<i32>} : memref<8192xi32, #tpu.memory_space<vmem>>, vector<16xi32>,
      %get3A_429 = vector.shape_cast %get3A_428 : vector<16xi32> to vector<16xi32>
      %xor3A_430 = arith.constant 1 : i32
      %xor3A_431 = vector.broadcast %xor3A_430 : i32 to vector<16xi32>
      %xor3A_432 = arith.xori %get3A_429, %xor3A_431 : vector<16xi32>
      %get3A_433 = arith.index_cast %add3A_426 : i32 to index
      %get3A_434 = tpu.vector_load %arg7[%get3A_433] {strides = array<i32>} : memref<8192xi32, #tpu.memory_space<vmem>>, vector<16xi32>,
      %get3A_435 = vector.shape_cast %get3A_434 : vector<16xi32> to vector<16xi32>
      %mul3A_436 = arith.constant -1640531535 : i32
      %mul3A_437 = vector.broadcast %mul3A_436 : i32 to vector<16xi32>
      %mul3A_438 = arith.muli %get3A_435, %mul3A_437 : vector<16xi32>
      %xor3A_439 = arith.xori %xor3A_432, %mul3A_438 : vector<16xi32>
      %get3A_440 = arith.index_cast %add3A_426 : i32 to index
      %get3A_441 = tpu.vector_load %arg8[%get3A_440] {strides = array<i32>} : memref<8192xi32, #tpu.memory_space<vmem>>, vector<16xi32>,
      %get3A_442 = vector.shape_cast %get3A_441 : vector<16xi32> to vector<16xi32>
      %mul3A_443 = arith.constant 805459861 : i32
      %mul3A_444 = vector.broadcast %mul3A_443 : i32 to vector<16xi32>
      %mul3A_445 = arith.muli %get3A_442, %mul3A_444 : vector<16xi32>
      %xor3A_446 = arith.xori %xor3A_439, %mul3A_445 : vector<16xi32>
      %and3A_447 = arith.constant 65535 : i32
      %and3A_448 = vector.broadcast %and3A_447 : i32 to vector<16xi32>
      %and3A_449 = arith.andi %xor3A_446, %and3A_448 : vector<16xi32>
      %get3A_450 = arith.index_cast %add3A_426 : i32 to index
      %get3A_451 = tpu.vector_load %arg5[%get3A_450] {strides = array<i32>} : memref<8192xi32, #tpu.memory_space<vmem>>, vector<16xi32>,
      %get3A_452 = vector.shape_cast %get3A_451 : vector<16xi32> to vector<16xi32>
      %shift_right_arithmetic3A_453 = arith.constant 3 : i32
      %shift_right_arithmetic3A_454 = vector.broadcast %shift_right_arithmetic3A_453 : i32 to vector<16xi32>
      %shift_right_arithmetic3A_455 = arith.shrsi %get3A_452, %shift_right_arithmetic3A_454 : vector<16xi32>
      %shift_left3A_456 = arith.constant 19 : i32
      %shift_left3A_457 = vector.broadcast %shift_left3A_456 : i32 to vector<16xi32>
      %shift_left3A_458 = arith.shli %shift_right_arithmetic3A_455, %shift_left3A_457 : vector<16xi32>
      %shift_right_arithmetic3A_459 = arith.constant 7 : i32
      %shift_right_arithmetic3A_460 = vector.broadcast %shift_right_arithmetic3A_459 : i32 to vector<16xi32>
      %shift_right_arithmetic3A_461 = arith.shrsi %and3A_449, %shift_right_arithmetic3A_460 : vector<16xi32>
      %shift_left3A_462 = arith.constant 10 : i32
      %shift_left3A_463 = vector.broadcast %shift_left3A_462 : i32 to vector<16xi32>
      %shift_left3A_464 = arith.shli %shift_right_arithmetic3A_461, %shift_left3A_463 : vector<16xi32>
      %or3A_465 = arith.ori %shift_left3A_458, %shift_left3A_464 : vector<16xi32>
      %and3A_466 = arith.constant 7 : i32
      %and3A_467 = vector.broadcast %and3A_466 : i32 to vector<16xi32>
      %and3A_468 = arith.andi %get3A_452, %and3A_467 : vector<16xi32>
      %shift_left3A_469 = arith.constant 7 : i32
      %shift_left3A_470 = vector.broadcast %shift_left3A_469 : i32 to vector<16xi32>
      %shift_left3A_471 = arith.shli %and3A_468, %shift_left3A_470 : vector<16xi32>
      %or3A_472 = arith.ori %or3A_465, %shift_left3A_471 : vector<16xi32>
      %and3A_473 = arith.constant 127 : i32
      %and3A_474 = vector.broadcast %and3A_473 : i32 to vector<16xi32>
      %and3A_475 = arith.andi %and3A_449, %and3A_474 : vector<16xi32>
      %or3A_476 = arith.ori %or3A_472, %and3A_475 : vector<16xi32>
      %swap3A_477 = arith.index_cast %add3A_426 : i32 to index
      %swap3A_478 = tpu.vector_load %arg13[%swap3A_477] {strides = array<i32>} : memref<8192xi32, #tpu.memory_space<vmem>>, vector<16xi32>,
      %swap3A_479 = vector.shape_cast %swap3A_478 : vector<16xi32> to vector<16xi32>
      %swap3A_480 = vector.shape_cast %or3A_476 : vector<16xi32> to vector<16xi32>
      tpu.vector_store %arg13[%swap3A_477], %swap3A_480 {strides = array<i32>} : memref<8192xi32, #tpu.memory_space<vmem>>, vector<16xi32>,
      %mul3A_481 = arith.constant 128 : i32
      %mul3A_482 = arith.muli %scan3A_255, %mul3A_481 : i32
      %add3A_483 = arith.constant 64 : i32
      %add3A_484 = arith.addi %mul3A_482, %add3A_483 : i32
      %get3A_485 = arith.index_cast %add3A_484 : i32 to index
      %get3A_486 = tpu.vector_load %arg6[%get3A_485] {strides = array<i32>} : memref<8192xi32, #tpu.memory_space<vmem>>, vector<16xi32>,
      %get3A_487 = vector.shape_cast %get3A_486 : vector<16xi32> to vector<16xi32>
      %xor3A_488 = arith.constant 1 : i32
      %xor3A_489 = vector.broadcast %xor3A_488 : i32 to vector<16xi32>
      %xor3A_490 = arith.xori %get3A_487, %xor3A_489 : vector<16xi32>
      %get3A_491 = arith.index_cast %add3A_484 : i32 to index
      %get3A_492 = tpu.vector_load %arg7[%get3A_491] {strides = array<i32>} : memref<8192xi32, #tpu.memory_space<vmem>>, vector<16xi32>,
      %get3A_493 = vector.shape_cast %get3A_492 : vector<16xi32> to vector<16xi32>
      %mul3A_494 = arith.constant -1640531535 : i32
      %mul3A_495 = vector.broadcast %mul3A_494 : i32 to vector<16xi32>
      %mul3A_496 = arith.muli %get3A_493, %mul3A_495 : vector<16xi32>
      %xor3A_497 = arith.xori %xor3A_490, %mul3A_496 : vector<16xi32>
      %get3A_498 = arith.index_cast %add3A_484 : i32 to index
      %get3A_499 = tpu.vector_load %arg8[%get3A_498] {strides = array<i32>} : memref<8192xi32, #tpu.memory_space<vmem>>, vector<16xi32>,
      %get3A_500 = vector.shape_cast %get3A_499 : vector<16xi32> to vector<16xi32>
      %mul3A_501 = arith.constant 805459861 : i32
      %mul3A_502 = vector.broadcast %mul3A_501 : i32 to vector<16xi32>
      %mul3A_503 = arith.muli %get3A_500, %mul3A_502 : vector<16xi32>
      %xor3A_504 = arith.xori %xor3A_497, %mul3A_503 : vector<16xi32>
      %and3A_505 = arith.constant 65535 : i32
      %and3A_506 = vector.broadcast %and3A_505 : i32 to vector<16xi32>
      %and3A_507 = arith.andi %xor3A_504, %and3A_506 : vector<16xi32>
      %get3A_508 = arith.index_cast %add3A_484 : i32 to index
      %get3A_509 = tpu.vector_load %arg5[%get3A_508] {strides = array<i32>} : memref<8192xi32, #tpu.memory_space<vmem>>, vector<16xi32>,
      %get3A_510 = vector.shape_cast %get3A_509 : vector<16xi32> to vector<16xi32>
      %shift_right_arithmetic3A_511 = arith.constant 3 : i32
      %shift_right_arithmetic3A_512 = vector.broadcast %shift_right_arithmetic3A_511 : i32 to vector<16xi32>
      %shift_right_arithmetic3A_513 = arith.shrsi %get3A_510, %shift_right_arithmetic3A_512 : vector<16xi32>
      %shift_left3A_514 = arith.constant 19 : i32
      %shift_left3A_515 = vector.broadcast %shift_left3A_514 : i32 to vector<16xi32>
      %shift_left3A_516 = arith.shli %shift_right_arithmetic3A_513, %shift_left3A_515 : vector<16xi32>
      %shift_right_arithmetic3A_517 = arith.constant 7 : i32
      %shift_right_arithmetic3A_518 = vector.broadcast %shift_right_arithmetic3A_517 : i32 to vector<16xi32>
      %shift_right_arithmetic3A_519 = arith.shrsi %and3A_507, %shift_right_arithmetic3A_518 : vector<16xi32>
      %shift_left3A_520 = arith.constant 10 : i32
      %shift_left3A_521 = vector.broadcast %shift_left3A_520 : i32 to vector<16xi32>
      %shift_left3A_522 = arith.shli %shift_right_arithmetic3A_519, %shift_left3A_521 : vector<16xi32>
      %or3A_523 = arith.ori %shift_left3A_516, %shift_left3A_522 : vector<16xi32>
      %and3A_524 = arith.constant 7 : i32
      %and3A_525 = vector.broadcast %and3A_524 : i32 to vector<16xi32>
      %and3A_526 = arith.andi %get3A_510, %and3A_525 : vector<16xi32>
      %shift_left3A_527 = arith.constant 7 : i32
      %shift_left3A_528 = vector.broadcast %shift_left3A_527 : i32 to vector<16xi32>
      %shift_left3A_529 = arith.shli %and3A_526, %shift_left3A_528 : vector<16xi32>
      %or3A_530 = arith.ori %or3A_523, %shift_left3A_529 : vector<16xi32>
      %and3A_531 = arith.constant 127 : i32
      %and3A_532 = vector.broadcast %and3A_531 : i32 to vector<16xi32>
      %and3A_533 = arith.andi %and3A_507, %and3A_532 : vector<16xi32>
      %or3A_534 = arith.ori %or3A_530, %and3A_533 : vector<16xi32>
      %swap3A_535 = arith.index_cast %add3A_484 : i32 to index
      %swap3A_536 = tpu.vector_load %arg13[%swap3A_535] {strides = array<i32>} : memref<8192xi32, #tpu.memory_space<vmem>>, vector<16xi32>,
      %swap3A_537 = vector.shape_cast %swap3A_536 : vector<16xi32> to vector<16xi32>
      %swap3A_538 = vector.shape_cast %or3A_534 : vector<16xi32> to vector<16xi32>
      tpu.vector_store %arg13[%swap3A_535], %swap3A_538 {strides = array<i32>} : memref<8192xi32, #tpu.memory_space<vmem>>, vector<16xi32>,
      %mul3A_539 = arith.constant 128 : i32
      %mul3A_540 = arith.muli %scan3A_255, %mul3A_539 : i32
      %add3A_541 = arith.constant 80 : i32
      %add3A_542 = arith.addi %mul3A_540, %add3A_541 : i32
      %get3A_543 = arith.index_cast %add3A_542 : i32 to index
      %get3A_544 = tpu.vector_load %arg6[%get3A_543] {strides = array<i32>} : memref<8192xi32, #tpu.memory_space<vmem>>, vector<16xi32>,
      %get3A_545 = vector.shape_cast %get3A_544 : vector<16xi32> to vector<16xi32>
      %xor3A_546 = arith.constant 1 : i32
      %xor3A_547 = vector.broadcast %xor3A_546 : i32 to vector<16xi32>
      %xor3A_548 = arith.xori %get3A_545, %xor3A_547 : vector<16xi32>
      %get3A_549 = arith.index_cast %add3A_542 : i32 to index
      %get3A_550 = tpu.vector_load %arg7[%get3A_549] {strides = array<i32>} : memref<8192xi32, #tpu.memory_space<vmem>>, vector<16xi32>,
      %get3A_551 = vector.shape_cast %get3A_550 : vector<16xi32> to vector<16xi32>
      %mul3A_552 = arith.constant -1640531535 : i32
      %mul3A_553 = vector.broadcast %mul3A_552 : i32 to vector<16xi32>
      %mul3A_554 = arith.muli %get3A_551, %mul3A_553 : vector<16xi32>
      %xor3A_555 = arith.xori %xor3A_548, %mul3A_554 : vector<16xi32>
      %get3A_556 = arith.index_cast %add3A_542 : i32 to index
      %get3A_557 = tpu.vector_load %arg8[%get3A_556] {strides = array<i32>} : memref<8192xi32, #tpu.memory_space<vmem>>, vector<16xi32>,
      %get3A_558 = vector.shape_cast %get3A_557 : vector<16xi32> to vector<16xi32>
      %mul3A_559 = arith.constant 805459861 : i32
      %mul3A_560 = vector.broadcast %mul3A_559 : i32 to vector<16xi32>
      %mul3A_561 = arith.muli %get3A_558, %mul3A_560 : vector<16xi32>
      %xor3A_562 = arith.xori %xor3A_555, %mul3A_561 : vector<16xi32>
      %and3A_563 = arith.constant 65535 : i32
      %and3A_564 = vector.broadcast %and3A_563 : i32 to vector<16xi32>
      %and3A_565 = arith.andi %xor3A_562, %and3A_564 : vector<16xi32>
      %get3A_566 = arith.index_cast %add3A_542 : i32 to index
      %get3A_567 = tpu.vector_load %arg5[%get3A_566] {strides = array<i32>} : memref<8192xi32, #tpu.memory_space<vmem>>, vector<16xi32>,
      %get3A_568 = vector.shape_cast %get3A_567 : vector<16xi32> to vector<16xi32>
      %shift_right_arithmetic3A_569 = arith.constant 3 : i32
      %shift_right_arithmetic3A_570 = vector.broadcast %shift_right_arithmetic3A_569 : i32 to vector<16xi32>
      %shift_right_arithmetic3A_571 = arith.shrsi %get3A_568, %shift_right_arithmetic3A_570 : vector<16xi32>
      %shift_left3A_572 = arith.constant 19 : i32
      %shift_left3A_573 = vector.broadcast %shift_left3A_572 : i32 to vector<16xi32>
      %shift_left3A_574 = arith.shli %shift_right_arithmetic3A_571, %shift_left3A_573 : vector<16xi32>
      %shift_right_arithmetic3A_575 = arith.constant 7 : i32
      %shift_right_arithmetic3A_576 = vector.broadcast %shift_right_arithmetic3A_575 : i32 to vector<16xi32>
      %shift_right_arithmetic3A_577 = arith.shrsi %and3A_565, %shift_right_arithmetic3A_576 : vector<16xi32>
      %shift_left3A_578 = arith.constant 10 : i32
      %shift_left3A_579 = vector.broadcast %shift_left3A_578 : i32 to vector<16xi32>
      %shift_left3A_580 = arith.shli %shift_right_arithmetic3A_577, %shift_left3A_579 : vector<16xi32>
      %or3A_581 = arith.ori %shift_left3A_574, %shift_left3A_580 : vector<16xi32>
      %and3A_582 = arith.constant 7 : i32
      %and3A_583 = vector.broadcast %and3A_582 : i32 to vector<16xi32>
      %and3A_584 = arith.andi %get3A_568, %and3A_583 : vector<16xi32>
      %shift_left3A_585 = arith.constant 7 : i32
      %shift_left3A_586 = vector.broadcast %shift_left3A_585 : i32 to vector<16xi32>
      %shift_left3A_587 = arith.shli %and3A_584, %shift_left3A_586 : vector<16xi32>
      %or3A_588 = arith.ori %or3A_581, %shift_left3A_587 : vector<16xi32>
      %and3A_589 = arith.constant 127 : i32
      %and3A_590 = vector.broadcast %and3A_589 : i32 to vector<16xi32>
      %and3A_591 = arith.andi %and3A_565, %and3A_590 : vector<16xi32>
      %or3A_592 = arith.ori %or3A_588, %and3A_591 : vector<16xi32>
      %swap3A_593 = arith.index_cast %add3A_542 : i32 to index
      %swap3A_594 = tpu.vector_load %arg13[%swap3A_593] {strides = array<i32>} : memref<8192xi32, #tpu.memory_space<vmem>>, vector<16xi32>,
      %swap3A_595 = vector.shape_cast %swap3A_594 : vector<16xi32> to vector<16xi32>
      %swap3A_596 = vector.shape_cast %or3A_592 : vector<16xi32> to vector<16xi32>
      tpu.vector_store %arg13[%swap3A_593], %swap3A_596 {strides = array<i32>} : memref<8192xi32, #tpu.memory_space<vmem>>, vector<16xi32>,
      %mul3A_597 = arith.constant 128 : i32
      %mul3A_598 = arith.muli %scan3A_255, %mul3A_597 : i32
      %add3A_599 = arith.constant 96 : i32
      %add3A_600 = arith.addi %mul3A_598, %add3A_599 : i32
      %get3A_601 = arith.index_cast %add3A_600 : i32 to index
      %get3A_602 = tpu.vector_load %arg6[%get3A_601] {strides = array<i32>} : memref<8192xi32, #tpu.memory_space<vmem>>, vector<16xi32>,
      %get3A_603 = vector.shape_cast %get3A_602 : vector<16xi32> to vector<16xi32>
      %xor3A_604 = arith.constant 1 : i32
      %xor3A_605 = vector.broadcast %xor3A_604 : i32 to vector<16xi32>
      %xor3A_606 = arith.xori %get3A_603, %xor3A_605 : vector<16xi32>
      %get3A_607 = arith.index_cast %add3A_600 : i32 to index
      %get3A_608 = tpu.vector_load %arg7[%get3A_607] {strides = array<i32>} : memref<8192xi32, #tpu.memory_space<vmem>>, vector<16xi32>,
      %get3A_609 = vector.shape_cast %get3A_608 : vector<16xi32> to vector<16xi32>
      %mul3A_610 = arith.constant -1640531535 : i32
      %mul3A_611 = vector.broadcast %mul3A_610 : i32 to vector<16xi32>
      %mul3A_612 = arith.muli %get3A_609, %mul3A_611 : vector<16xi32>
      %xor3A_613 = arith.xori %xor3A_606, %mul3A_612 : vector<16xi32>
      %get3A_614 = arith.index_cast %add3A_600 : i32 to index
      %get3A_615 = tpu.vector_load %arg8[%get3A_614] {strides = array<i32>} : memref<8192xi32, #tpu.memory_space<vmem>>, vector<16xi32>,
      %get3A_616 = vector.shape_cast %get3A_615 : vector<16xi32> to vector<16xi32>
      %mul3A_617 = arith.constant 805459861 : i32
      %mul3A_618 = vector.broadcast %mul3A_617 : i32 to vector<16xi32>
      %mul3A_619 = arith.muli %get3A_616, %mul3A_618 : vector<16xi32>
      %xor3A_620 = arith.xori %xor3A_613, %mul3A_619 : vector<16xi32>
      %and3A_621 = arith.constant 65535 : i32
      %and3A_622 = vector.broadcast %and3A_621 : i32 to vector<16xi32>
      %and3A_623 = arith.andi %xor3A_620, %and3A_622 : vector<16xi32>
      %get3A_624 = arith.index_cast %add3A_600 : i32 to index
      %get3A_625 = tpu.vector_load %arg5[%get3A_624] {strides = array<i32>} : memref<8192xi32, #tpu.memory_space<vmem>>, vector<16xi32>,
      %get3A_626 = vector.shape_cast %get3A_625 : vector<16xi32> to vector<16xi32>
      %shift_right_arithmetic3A_627 = arith.constant 3 : i32
      %shift_right_arithmetic3A_628 = vector.broadcast %shift_right_arithmetic3A_627 : i32 to vector<16xi32>
      %shift_right_arithmetic3A_629 = arith.shrsi %get3A_626, %shift_right_arithmetic3A_628 : vector<16xi32>
      %shift_left3A_630 = arith.constant 19 : i32
      %shift_left3A_631 = vector.broadcast %shift_left3A_630 : i32 to vector<16xi32>
      %shift_left3A_632 = arith.shli %shift_right_arithmetic3A_629, %shift_left3A_631 : vector<16xi32>
      %shift_right_arithmetic3A_633 = arith.constant 7 : i32
      %shift_right_arithmetic3A_634 = vector.broadcast %shift_right_arithmetic3A_633 : i32 to vector<16xi32>
      %shift_right_arithmetic3A_635 = arith.shrsi %and3A_623, %shift_right_arithmetic3A_634 : vector<16xi32>
      %shift_left3A_636 = arith.constant 10 : i32
      %shift_left3A_637 = vector.broadcast %shift_left3A_636 : i32 to vector<16xi32>
      %shift_left3A_638 = arith.shli %shift_right_arithmetic3A_635, %shift_left3A_637 : vector<16xi32>
      %or3A_639 = arith.ori %shift_left3A_632, %shift_left3A_638 : vector<16xi32>
      %and3A_640 = arith.constant 7 : i32
      %and3A_641 = vector.broadcast %and3A_640 : i32 to vector<16xi32>
      %and3A_642 = arith.andi %get3A_626, %and3A_641 : vector<16xi32>
      %shift_left3A_643 = arith.constant 7 : i32
      %shift_left3A_644 = vector.broadcast %shift_left3A_643 : i32 to vector<16xi32>
      %shift_left3A_645 = arith.shli %and3A_642, %shift_left3A_644 : vector<16xi32>
      %or3A_646 = arith.ori %or3A_639, %shift_left3A_645 : vector<16xi32>
      %and3A_647 = arith.constant 127 : i32
      %and3A_648 = vector.broadcast %and3A_647 : i32 to vector<16xi32>
      %and3A_649 = arith.andi %and3A_623, %and3A_648 : vector<16xi32>
      %or3A_650 = arith.ori %or3A_646, %and3A_649 : vector<16xi32>
      %swap3A_651 = arith.index_cast %add3A_600 : i32 to index
      %swap3A_652 = tpu.vector_load %arg13[%swap3A_651] {strides = array<i32>} : memref<8192xi32, #tpu.memory_space<vmem>>, vector<16xi32>,
      %swap3A_653 = vector.shape_cast %swap3A_652 : vector<16xi32> to vector<16xi32>
      %swap3A_654 = vector.shape_cast %or3A_650 : vector<16xi32> to vector<16xi32>
      tpu.vector_store %arg13[%swap3A_651], %swap3A_654 {strides = array<i32>} : memref<8192xi32, #tpu.memory_space<vmem>>, vector<16xi32>,
      %mul3A_655 = arith.constant 128 : i32
      %mul3A_656 = arith.muli %scan3A_255, %mul3A_655 : i32
      %add3A_657 = arith.constant 112 : i32
      %add3A_658 = arith.addi %mul3A_656, %add3A_657 : i32
      %get3A_659 = arith.index_cast %add3A_658 : i32 to index
      %get3A_660 = tpu.vector_load %arg6[%get3A_659] {strides = array<i32>} : memref<8192xi32, #tpu.memory_space<vmem>>, vector<16xi32>,
      %get3A_661 = vector.shape_cast %get3A_660 : vector<16xi32> to vector<16xi32>
      %xor3A_662 = arith.constant 1 : i32
      %xor3A_663 = vector.broadcast %xor3A_662 : i32 to vector<16xi32>
      %xor3A_664 = arith.xori %get3A_661, %xor3A_663 : vector<16xi32>
      %get3A_665 = arith.index_cast %add3A_658 : i32 to index
      %get3A_666 = tpu.vector_load %arg7[%get3A_665] {strides = array<i32>} : memref<8192xi32, #tpu.memory_space<vmem>>, vector<16xi32>,
      %get3A_667 = vector.shape_cast %get3A_666 : vector<16xi32> to vector<16xi32>
      %mul3A_668 = arith.constant -1640531535 : i32
      %mul3A_669 = vector.broadcast %mul3A_668 : i32 to vector<16xi32>
      %mul3A_670 = arith.muli %get3A_667, %mul3A_669 : vector<16xi32>
      %xor3A_671 = arith.xori %xor3A_664, %mul3A_670 : vector<16xi32>
      %get3A_672 = arith.index_cast %add3A_658 : i32 to index
      %get3A_673 = tpu.vector_load %arg8[%get3A_672] {strides = array<i32>} : memref<8192xi32, #tpu.memory_space<vmem>>, vector<16xi32>,
      %get3A_674 = vector.shape_cast %get3A_673 : vector<16xi32> to vector<16xi32>
      %mul3A_675 = arith.constant 805459861 : i32
      %mul3A_676 = vector.broadcast %mul3A_675 : i32 to vector<16xi32>
      %mul3A_677 = arith.muli %get3A_674, %mul3A_676 : vector<16xi32>
      %xor3A_678 = arith.xori %xor3A_671, %mul3A_677 : vector<16xi32>
      %and3A_679 = arith.constant 65535 : i32
      %and3A_680 = vector.broadcast %and3A_679 : i32 to vector<16xi32>
      %and3A_681 = arith.andi %xor3A_678, %and3A_680 : vector<16xi32>
      %get3A_682 = arith.index_cast %add3A_658 : i32 to index
      %get3A_683 = tpu.vector_load %arg5[%get3A_682] {strides = array<i32>} : memref<8192xi32, #tpu.memory_space<vmem>>, vector<16xi32>,
      %get3A_684 = vector.shape_cast %get3A_683 : vector<16xi32> to vector<16xi32>
      %shift_right_arithmetic3A_685 = arith.constant 3 : i32
      %shift_right_arithmetic3A_686 = vector.broadcast %shift_right_arithmetic3A_685 : i32 to vector<16xi32>
      %shift_right_arithmetic3A_687 = arith.shrsi %get3A_684, %shift_right_arithmetic3A_686 : vector<16xi32>
      %shift_left3A_688 = arith.constant 19 : i32
      %shift_left3A_689 = vector.broadcast %shift_left3A_688 : i32 to vector<16xi32>
      %shift_left3A_690 = arith.shli %shift_right_arithmetic3A_687, %shift_left3A_689 : vector<16xi32>
      %shift_right_arithmetic3A_691 = arith.constant 7 : i32
      %shift_right_arithmetic3A_692 = vector.broadcast %shift_right_arithmetic3A_691 : i32 to vector<16xi32>
      %shift_right_arithmetic3A_693 = arith.shrsi %and3A_681, %shift_right_arithmetic3A_692 : vector<16xi32>
      %shift_left3A_694 = arith.constant 10 : i32
      %shift_left3A_695 = vector.broadcast %shift_left3A_694 : i32 to vector<16xi32>
      %shift_left3A_696 = arith.shli %shift_right_arithmetic3A_693, %shift_left3A_695 : vector<16xi32>
      %or3A_697 = arith.ori %shift_left3A_690, %shift_left3A_696 : vector<16xi32>
      %and3A_698 = arith.constant 7 : i32
      %and3A_699 = vector.broadcast %and3A_698 : i32 to vector<16xi32>
      %and3A_700 = arith.andi %get3A_684, %and3A_699 : vector<16xi32>
      %shift_left3A_701 = arith.constant 7 : i32
      %shift_left3A_702 = vector.broadcast %shift_left3A_701 : i32 to vector<16xi32>
      %shift_left3A_703 = arith.shli %and3A_700, %shift_left3A_702 : vector<16xi32>
      %or3A_704 = arith.ori %or3A_697, %shift_left3A_703 : vector<16xi32>
      %and3A_705 = arith.constant 127 : i32
      %and3A_706 = vector.broadcast %and3A_705 : i32 to vector<16xi32>
      %and3A_707 = arith.andi %and3A_681, %and3A_706 : vector<16xi32>
      %or3A_708 = arith.ori %or3A_704, %and3A_707 : vector<16xi32>
      %swap3A_709 = arith.index_cast %add3A_658 : i32 to index
      %swap3A_710 = tpu.vector_load %arg13[%swap3A_709] {strides = array<i32>} : memref<8192xi32, #tpu.memory_space<vmem>>, vector<16xi32>,
      %swap3A_711 = vector.shape_cast %swap3A_710 : vector<16xi32> to vector<16xi32>
      %swap3A_712 = vector.shape_cast %or3A_708 : vector<16xi32> to vector<16xi32>
      tpu.vector_store %arg13[%swap3A_709], %swap3A_712 {strides = array<i32>} : memref<8192xi32, #tpu.memory_space<vmem>>, vector<16xi32>,
      %mul3A_713 = arith.constant 128 : i32
      %mul3A_714 = arith.muli %scan3A_255, %mul3A_713 : i32
      %dma_start3A_715 = tpu.memref_slice %arg15[%mul3A_714] : memref<8192xf32, #tpu.memory_space<vmem>> -> memref<128xf32, #tpu.memory_space<vmem>>
      %dma_start3A_716 = tpu.memref_slice %arg13[%mul3A_714] : memref<8192xi32, #tpu.memory_space<vmem>> -> memref<128xi32, #tpu.memory_space<vmem>>
      %dma_start3A_717 = arith.constant 0 : i32
      %dma_start3A_718 = tpu.memref_slice %arg3[%dma_start3A_717] : memref<67108864xf32, #tpu.memory_space<hbm>> -> memref<67108864xf32, #tpu.memory_space<hbm>>
      tpu.enqueue_indirect_dma source(%dma_start3A_718 : memref<67108864xf32, #tpu.memory_space<hbm>>) target(%dma_start3A_715 : memref<128xf32, #tpu.memory_space<vmem>>) offsets(%dma_start3A_716 : memref<128xi32, #tpu.memory_space<vmem>>) semaphore(%arg17 : memref<!tpu.dma_semaphore, #tpu.memory_space<semaphore_mem>>)
    }
    %scan3A_73 = arith.constant 64 : i32
    %add3A_74 = arith.constant 8192 : i32
    %add3A_75 = arith.addi %mul3A_2, %add3A_74 : i32
    %add3A_76 = arith.constant 16384 : i32
    %add3A_77 = arith.addi %mul3A_2, %add3A_76 : i32
    %dma_start3A_78 = arith.constant 0 : i32
    %dma_start3A_79 = tpu.memref_slice %arg2[%dma_start3A_78, %add3A_77] : memref<4x1048576xi32, #tpu.memory_space<hbm>> -> memref<1x8192xi32, #tpu.memory_space<hbm>>
    %dma_start3A_80 = tpu.memref_squeeze %dma_start3A_79 : memref<1x8192xi32, #tpu.memory_space<hbm>> -> memref<8192xi32, #tpu.memory_space<hbm>>
    %dma_start3A_81 = tpu.memref_slice %arg2[%dma_start3A_78, %add3A_77] : memref<4x1048576xi32, #tpu.memory_space<hbm>> -> memref<1x8192xi32, #tpu.memory_space<hbm>>
    %dma_start3A_82 = tpu.memref_squeeze %dma_start3A_81 : memref<1x8192xi32, #tpu.memory_space<hbm>> -> memref<8192xi32, #tpu.memory_space<hbm>>
    tpu.enqueue_dma source(%dma_start3A_82 : memref<8192xi32, #tpu.memory_space<hbm>>) target(%arg5 : memref<8192xi32, #tpu.memory_space<vmem>>) target_semaphore(%arg19 : memref<!tpu.dma_semaphore, #tpu.memory_space<semaphore_mem>>)
    %dma_start3A_83 = arith.constant 1 : i32
    %dma_start3A_84 = tpu.memref_slice %arg2[%dma_start3A_83, %add3A_77] : memref<4x1048576xi32, #tpu.memory_space<hbm>> -> memref<1x8192xi32, #tpu.memory_space<hbm>>
    %dma_start3A_85 = tpu.memref_squeeze %dma_start3A_84 : memref<1x8192xi32, #tpu.memory_space<hbm>> -> memref<8192xi32, #tpu.memory_space<hbm>>
    %dma_start3A_86 = tpu.memref_slice %arg2[%dma_start3A_83, %add3A_77] : memref<4x1048576xi32, #tpu.memory_space<hbm>> -> memref<1x8192xi32, #tpu.memory_space<hbm>>
    %dma_start3A_87 = tpu.memref_squeeze %dma_start3A_86 : memref<1x8192xi32, #tpu.memory_space<hbm>> -> memref<8192xi32, #tpu.memory_space<hbm>>
    tpu.enqueue_dma source(%dma_start3A_87 : memref<8192xi32, #tpu.memory_space<hbm>>) target(%arg6 : memref<8192xi32, #tpu.memory_space<vmem>>) target_semaphore(%arg19 : memref<!tpu.dma_semaphore, #tpu.memory_space<semaphore_mem>>)
    %dma_start3A_88 = arith.constant 2 : i32
    %dma_start3A_89 = tpu.memref_slice %arg2[%dma_start3A_88, %add3A_77] : memref<4x1048576xi32, #tpu.memory_space<hbm>> -> memref<1x8192xi32, #tpu.memory_space<hbm>>
    %dma_start3A_90 = tpu.memref_squeeze %dma_start3A_89 : memref<1x8192xi32, #tpu.memory_space<hbm>> -> memref<8192xi32, #tpu.memory_space<hbm>>
    %dma_start3A_91 = tpu.memref_slice %arg2[%dma_start3A_88, %add3A_77] : memref<4x1048576xi32, #tpu.memory_space<hbm>> -> memref<1x8192xi32, #tpu.memory_space<hbm>>
    %dma_start3A_92 = tpu.memref_squeeze %dma_start3A_91 : memref<1x8192xi32, #tpu.memory_space<hbm>> -> memref<8192xi32, #tpu.memory_space<hbm>>
    tpu.enqueue_dma source(%dma_start3A_92 : memref<8192xi32, #tpu.memory_space<hbm>>) target(%arg7 : memref<8192xi32, #tpu.memory_space<vmem>>) target_semaphore(%arg19 : memref<!tpu.dma_semaphore, #tpu.memory_space<semaphore_mem>>)
    %dma_start3A_93 = arith.constant 3 : i32
    %dma_start3A_94 = tpu.memref_slice %arg2[%dma_start3A_93, %add3A_77] : memref<4x1048576xi32, #tpu.memory_space<hbm>> -> memref<1x8192xi32, #tpu.memory_space<hbm>>
    %dma_start3A_95 = tpu.memref_squeeze %dma_start3A_94 : memref<1x8192xi32, #tpu.memory_space<hbm>> -> memref<8192xi32, #tpu.memory_space<hbm>>
    %dma_start3A_96 = tpu.memref_slice %arg2[%dma_start3A_93, %add3A_77] : memref<4x1048576xi32, #tpu.memory_space<hbm>> -> memref<1x8192xi32, #tpu.memory_space<hbm>>
    %dma_start3A_97 = tpu.memref_squeeze %dma_start3A_96 : memref<1x8192xi32, #tpu.memory_space<hbm>> -> memref<8192xi32, #tpu.memory_space<hbm>>
    tpu.enqueue_dma source(%dma_start3A_97 : memref<8192xi32, #tpu.memory_space<hbm>>) target(%arg8 : memref<8192xi32, #tpu.memory_space<vmem>>) target_semaphore(%arg19 : memref<!tpu.dma_semaphore, #tpu.memory_space<semaphore_mem>>)
    %add3A_98 = arith.constant 8192 : i32
    %add3A_99 = arith.addi %mul3A_2, %add3A_98 : i32
    %dma_wait3A_100 = arith.constant 0 : i32
    %dma_wait3A_101 = tpu.memref_slice %arg2[%dma_wait3A_100, %add3A_99] : memref<4x1048576xi32, #tpu.memory_space<hbm>> -> memref<1x8192xi32, #tpu.memory_space<hbm>>
    %dma_wait3A_102 = tpu.memref_squeeze %dma_wait3A_101 : memref<1x8192xi32, #tpu.memory_space<hbm>> -> memref<8192xi32, #tpu.memory_space<hbm>>
    %dma_wait3A_103 = tpu.memref_slice %arg2[%dma_wait3A_100, %add3A_99] : memref<4x1048576xi32, #tpu.memory_space<hbm>> -> memref<1x8192xi32, #tpu.memory_space<hbm>>
    %dma_wait3A_104 = tpu.memref_squeeze %dma_wait3A_103 : memref<1x8192xi32, #tpu.memory_space<hbm>> -> memref<8192xi32, #tpu.memory_space<hbm>>
    tpu.wait_dma2 semaphore(%arg20 : memref<!tpu.dma_semaphore, #tpu.memory_space<semaphore_mem>>) src(%dma_wait3A_104 : memref<8192xi32, #tpu.memory_space<hbm>>) dst(%arg9 : memref<8192xi32, #tpu.memory_space<vmem>>)
    %dma_wait3A_105 = arith.constant 1 : i32
    %dma_wait3A_106 = tpu.memref_slice %arg2[%dma_wait3A_105, %add3A_99] : memref<4x1048576xi32, #tpu.memory_space<hbm>> -> memref<1x8192xi32, #tpu.memory_space<hbm>>
    %dma_wait3A_107 = tpu.memref_squeeze %dma_wait3A_106 : memref<1x8192xi32, #tpu.memory_space<hbm>> -> memref<8192xi32, #tpu.memory_space<hbm>>
    %dma_wait3A_108 = tpu.memref_slice %arg2[%dma_wait3A_105, %add3A_99] : memref<4x1048576xi32, #tpu.memory_space<hbm>> -> memref<1x8192xi32, #tpu.memory_space<hbm>>
    %dma_wait3A_109 = tpu.memref_squeeze %dma_wait3A_108 : memref<1x8192xi32, #tpu.memory_space<hbm>> -> memref<8192xi32, #tpu.memory_space<hbm>>
    tpu.wait_dma2 semaphore(%arg20 : memref<!tpu.dma_semaphore, #tpu.memory_space<semaphore_mem>>) src(%dma_wait3A_109 : memref<8192xi32, #tpu.memory_space<hbm>>) dst(%arg10 : memref<8192xi32, #tpu.memory_space<vmem>>)
    %dma_wait3A_110 = arith.constant 2 : i32
    %dma_wait3A_111 = tpu.memref_slice %arg2[%dma_wait3A_110, %add3A_99] : memref<4x1048576xi32, #tpu.memory_space<hbm>> -> memref<1x8192xi32, #tpu.memory_space<hbm>>
    %dma_wait3A_112 = tpu.memref_squeeze %dma_wait3A_111 : memref<1x8192xi32, #tpu.memory_space<hbm>> -> memref<8192xi32, #tpu.memory_space<hbm>>
    %dma_wait3A_113 = tpu.memref_slice %arg2[%dma_wait3A_110, %add3A_99] : memref<4x1048576xi32, #tpu.memory_space<hbm>> -> memref<1x8192xi32, #tpu.memory_space<hbm>>
    %dma_wait3A_114 = tpu.memref_squeeze %dma_wait3A_113 : memref<1x8192xi32, #tpu.memory_space<hbm>> -> memref<8192xi32, #tpu.memory_space<hbm>>
    tpu.wait_dma2 semaphore(%arg20 : memref<!tpu.dma_semaphore, #tpu.memory_space<semaphore_mem>>) src(%dma_wait3A_114 : memref<8192xi32, #tpu.memory_space<hbm>>) dst(%arg11 : memref<8192xi32, #tpu.memory_space<vmem>>)
    %dma_wait3A_115 = arith.constant 3 : i32
    %dma_wait3A_116 = tpu.memref_slice %arg2[%dma_wait3A_115, %add3A_99] : memref<4x1048576xi32, #tpu.memory_space<hbm>> -> memref<1x8192xi32, #tpu.memory_space<hbm>>
    %dma_wait3A_117 = tpu.memref_squeeze %dma_wait3A_116 : memref<1x8192xi32, #tpu.memory_space<hbm>> -> memref<8192xi32, #tpu.memory_space<hbm>>
    %dma_wait3A_118 = tpu.memref_slice %arg2[%dma_wait3A_115, %add3A_99] : memref<4x1048576xi32, #tpu.memory_space<hbm>> -> memref<1x8192xi32, #tpu.memory_space<hbm>>
    %dma_wait3A_119 = tpu.memref_squeeze %dma_wait3A_118 : memref<1x8192xi32, #tpu.memory_space<hbm>> -> memref<8192xi32, #tpu.memory_space<hbm>>
    tpu.wait_dma2 semaphore(%arg20 : memref<!tpu.dma_semaphore, #tpu.memory_space<semaphore_mem>>) src(%dma_wait3A_119 : memref<8192xi32, #tpu.memory_space<hbm>>) dst(%arg12 : memref<8192xi32, #tpu.memory_space<vmem>>)
    %scan3A_120 = arith.constant 0 : i32
    %scan3A_121 = arith.constant 0 : i32
    %scan3A_122 = arith.constant 64 : i32
    %scan3A_123 = arith.addi %scan3A_121, %scan3A_122 : i32
    %scan3A_124 = arith.constant 1 : i32
    scf.for %scan3A_255 = %scan3A_121 to %scan3A_123 step %scan3A_124  : i32 {
      %mul3A_256 = arith.constant 128 : i32
      %mul3A_257 = arith.muli %scan3A_255, %mul3A_256 : i32
      %add3A_258 = arith.constant 0 : i32
      %add3A_259 = arith.addi %mul3A_257, %add3A_258 : i32
      %get3A = arith.index_cast %add3A_259 : i32 to index
      %get3A_260 = tpu.vector_load %arg10[%get3A] {strides = array<i32>} : memref<8192xi32, #tpu.memory_space<vmem>>, vector<16xi32>,
      %get3A_261 = vector.shape_cast %get3A_260 : vector<16xi32> to vector<16xi32>
      %xor3A = arith.constant 1 : i32
      %xor3A_262 = vector.broadcast %xor3A : i32 to vector<16xi32>
      %xor3A_263 = arith.xori %get3A_261, %xor3A_262 : vector<16xi32>
      %get3A_264 = arith.index_cast %add3A_259 : i32 to index
      %get3A_265 = tpu.vector_load %arg11[%get3A_264] {strides = array<i32>} : memref<8192xi32, #tpu.memory_space<vmem>>, vector<16xi32>,
      %get3A_266 = vector.shape_cast %get3A_265 : vector<16xi32> to vector<16xi32>
      %mul3A_267 = arith.constant -1640531535 : i32
      %mul3A_268 = vector.broadcast %mul3A_267 : i32 to vector<16xi32>
      %mul3A_269 = arith.muli %get3A_266, %mul3A_268 : vector<16xi32>
      %xor3A_270 = arith.xori %xor3A_263, %mul3A_269 : vector<16xi32>
      %get3A_271 = arith.index_cast %add3A_259 : i32 to index
      %get3A_272 = tpu.vector_load %arg12[%get3A_271] {strides = array<i32>} : memref<8192xi32, #tpu.memory_space<vmem>>, vector<16xi32>,
      %get3A_273 = vector.shape_cast %get3A_272 : vector<16xi32> to vector<16xi32>
      %mul3A_274 = arith.constant 805459861 : i32
      %mul3A_275 = vector.broadcast %mul3A_274 : i32 to vector<16xi32>
      %mul3A_276 = arith.muli %get3A_273, %mul3A_275 : vector<16xi32>
      %xor3A_277 = arith.xori %xor3A_270, %mul3A_276 : vector<16xi32>
      %and3A = arith.constant 65535 : i32
      %and3A_278 = vector.broadcast %and3A : i32 to vector<16xi32>
      %and3A_279 = arith.andi %xor3A_277, %and3A_278 : vector<16xi32>
      %get3A_280 = arith.index_cast %add3A_259 : i32 to index
      %get3A_281 = tpu.vector_load %arg9[%get3A_280] {strides = array<i32>} : memref<8192xi32, #tpu.memory_space<vmem>>, vector<16xi32>,
      %get3A_282 = vector.shape_cast %get3A_281 : vector<16xi32> to vector<16xi32>
      %shift_right_arithmetic3A = arith.constant 3 : i32
      %shift_right_arithmetic3A_283 = vector.broadcast %shift_right_arithmetic3A : i32 to vector<16xi32>
      %shift_right_arithmetic3A_284 = arith.shrsi %get3A_282, %shift_right_arithmetic3A_283 : vector<16xi32>
      %shift_left3A = arith.constant 19 : i32
      %shift_left3A_285 = vector.broadcast %shift_left3A : i32 to vector<16xi32>
      %shift_left3A_286 = arith.shli %shift_right_arithmetic3A_284, %shift_left3A_285 : vector<16xi32>
      %shift_right_arithmetic3A_287 = arith.constant 7 : i32
      %shift_right_arithmetic3A_288 = vector.broadcast %shift_right_arithmetic3A_287 : i32 to vector<16xi32>
      %shift_right_arithmetic3A_289 = arith.shrsi %and3A_279, %shift_right_arithmetic3A_288 : vector<16xi32>
      %shift_left3A_290 = arith.constant 10 : i32
      %shift_left3A_291 = vector.broadcast %shift_left3A_290 : i32 to vector<16xi32>
      %shift_left3A_292 = arith.shli %shift_right_arithmetic3A_289, %shift_left3A_291 : vector<16xi32>
      %or3A = arith.ori %shift_left3A_286, %shift_left3A_292 : vector<16xi32>
      %and3A_293 = arith.constant 7 : i32
      %and3A_294 = vector.broadcast %and3A_293 : i32 to vector<16xi32>
      %and3A_295 = arith.andi %get3A_282, %and3A_294 : vector<16xi32>
      %shift_left3A_296 = arith.constant 7 : i32
      %shift_left3A_297 = vector.broadcast %shift_left3A_296 : i32 to vector<16xi32>
      %shift_left3A_298 = arith.shli %and3A_295, %shift_left3A_297 : vector<16xi32>
      %or3A_299 = arith.ori %or3A, %shift_left3A_298 : vector<16xi32>
      %and3A_300 = arith.constant 127 : i32
      %and3A_301 = vector.broadcast %and3A_300 : i32 to vector<16xi32>
      %and3A_302 = arith.andi %and3A_279, %and3A_301 : vector<16xi32>
      %or3A_303 = arith.ori %or3A_299, %and3A_302 : vector<16xi32>
      %swap3A = arith.index_cast %add3A_259 : i32 to index
      %swap3A_304 = tpu.vector_load %arg14[%swap3A] {strides = array<i32>} : memref<8192xi32, #tpu.memory_space<vmem>>, vector<16xi32>,
      %swap3A_305 = vector.shape_cast %swap3A_304 : vector<16xi32> to vector<16xi32>
      %swap3A_306 = vector.shape_cast %or3A_303 : vector<16xi32> to vector<16xi32>
      tpu.vector_store %arg14[%swap3A], %swap3A_306 {strides = array<i32>} : memref<8192xi32, #tpu.memory_space<vmem>>, vector<16xi32>,
      %mul3A_307 = arith.constant 128 : i32
      %mul3A_308 = arith.muli %scan3A_255, %mul3A_307 : i32
      %add3A_309 = arith.constant 16 : i32
      %add3A_310 = arith.addi %mul3A_308, %add3A_309 : i32
      %get3A_311 = arith.index_cast %add3A_310 : i32 to index
      %get3A_312 = tpu.vector_load %arg10[%get3A_311] {strides = array<i32>} : memref<8192xi32, #tpu.memory_space<vmem>>, vector<16xi32>,
      %get3A_313 = vector.shape_cast %get3A_312 : vector<16xi32> to vector<16xi32>
      %xor3A_314 = arith.constant 1 : i32
      %xor3A_315 = vector.broadcast %xor3A_314 : i32 to vector<16xi32>
      %xor3A_316 = arith.xori %get3A_313, %xor3A_315 : vector<16xi32>
      %get3A_317 = arith.index_cast %add3A_310 : i32 to index
      %get3A_318 = tpu.vector_load %arg11[%get3A_317] {strides = array<i32>} : memref<8192xi32, #tpu.memory_space<vmem>>, vector<16xi32>,
      %get3A_319 = vector.shape_cast %get3A_318 : vector<16xi32> to vector<16xi32>
      %mul3A_320 = arith.constant -1640531535 : i32
      %mul3A_321 = vector.broadcast %mul3A_320 : i32 to vector<16xi32>
      %mul3A_322 = arith.muli %get3A_319, %mul3A_321 : vector<16xi32>
      %xor3A_323 = arith.xori %xor3A_316, %mul3A_322 : vector<16xi32>
      %get3A_324 = arith.index_cast %add3A_310 : i32 to index
      %get3A_325 = tpu.vector_load %arg12[%get3A_324] {strides = array<i32>} : memref<8192xi32, #tpu.memory_space<vmem>>, vector<16xi32>,
      %get3A_326 = vector.shape_cast %get3A_325 : vector<16xi32> to vector<16xi32>
      %mul3A_327 = arith.constant 805459861 : i32
      %mul3A_328 = vector.broadcast %mul3A_327 : i32 to vector<16xi32>
      %mul3A_329 = arith.muli %get3A_326, %mul3A_328 : vector<16xi32>
      %xor3A_330 = arith.xori %xor3A_323, %mul3A_329 : vector<16xi32>
      %and3A_331 = arith.constant 65535 : i32
      %and3A_332 = vector.broadcast %and3A_331 : i32 to vector<16xi32>
      %and3A_333 = arith.andi %xor3A_330, %and3A_332 : vector<16xi32>
      %get3A_334 = arith.index_cast %add3A_310 : i32 to index
      %get3A_335 = tpu.vector_load %arg9[%get3A_334] {strides = array<i32>} : memref<8192xi32, #tpu.memory_space<vmem>>, vector<16xi32>,
      %get3A_336 = vector.shape_cast %get3A_335 : vector<16xi32> to vector<16xi32>
      %shift_right_arithmetic3A_337 = arith.constant 3 : i32
      %shift_right_arithmetic3A_338 = vector.broadcast %shift_right_arithmetic3A_337 : i32 to vector<16xi32>
      %shift_right_arithmetic3A_339 = arith.shrsi %get3A_336, %shift_right_arithmetic3A_338 : vector<16xi32>
      %shift_left3A_340 = arith.constant 19 : i32
      %shift_left3A_341 = vector.broadcast %shift_left3A_340 : i32 to vector<16xi32>
      %shift_left3A_342 = arith.shli %shift_right_arithmetic3A_339, %shift_left3A_341 : vector<16xi32>
      %shift_right_arithmetic3A_343 = arith.constant 7 : i32
      %shift_right_arithmetic3A_344 = vector.broadcast %shift_right_arithmetic3A_343 : i32 to vector<16xi32>
      %shift_right_arithmetic3A_345 = arith.shrsi %and3A_333, %shift_right_arithmetic3A_344 : vector<16xi32>
      %shift_left3A_346 = arith.constant 10 : i32
      %shift_left3A_347 = vector.broadcast %shift_left3A_346 : i32 to vector<16xi32>
      %shift_left3A_348 = arith.shli %shift_right_arithmetic3A_345, %shift_left3A_347 : vector<16xi32>
      %or3A_349 = arith.ori %shift_left3A_342, %shift_left3A_348 : vector<16xi32>
      %and3A_350 = arith.constant 7 : i32
      %and3A_351 = vector.broadcast %and3A_350 : i32 to vector<16xi32>
      %and3A_352 = arith.andi %get3A_336, %and3A_351 : vector<16xi32>
      %shift_left3A_353 = arith.constant 7 : i32
      %shift_left3A_354 = vector.broadcast %shift_left3A_353 : i32 to vector<16xi32>
      %shift_left3A_355 = arith.shli %and3A_352, %shift_left3A_354 : vector<16xi32>
      %or3A_356 = arith.ori %or3A_349, %shift_left3A_355 : vector<16xi32>
      %and3A_357 = arith.constant 127 : i32
      %and3A_358 = vector.broadcast %and3A_357 : i32 to vector<16xi32>
      %and3A_359 = arith.andi %and3A_333, %and3A_358 : vector<16xi32>
      %or3A_360 = arith.ori %or3A_356, %and3A_359 : vector<16xi32>
      %swap3A_361 = arith.index_cast %add3A_310 : i32 to index
      %swap3A_362 = tpu.vector_load %arg14[%swap3A_361] {strides = array<i32>} : memref<8192xi32, #tpu.memory_space<vmem>>, vector<16xi32>,
      %swap3A_363 = vector.shape_cast %swap3A_362 : vector<16xi32> to vector<16xi32>
      %swap3A_364 = vector.shape_cast %or3A_360 : vector<16xi32> to vector<16xi32>
      tpu.vector_store %arg14[%swap3A_361], %swap3A_364 {strides = array<i32>} : memref<8192xi32, #tpu.memory_space<vmem>>, vector<16xi32>,
      %mul3A_365 = arith.constant 128 : i32
      %mul3A_366 = arith.muli %scan3A_255, %mul3A_365 : i32
      %add3A_367 = arith.constant 32 : i32
      %add3A_368 = arith.addi %mul3A_366, %add3A_367 : i32
      %get3A_369 = arith.index_cast %add3A_368 : i32 to index
      %get3A_370 = tpu.vector_load %arg10[%get3A_369] {strides = array<i32>} : memref<8192xi32, #tpu.memory_space<vmem>>, vector<16xi32>,
      %get3A_371 = vector.shape_cast %get3A_370 : vector<16xi32> to vector<16xi32>
      %xor3A_372 = arith.constant 1 : i32
      %xor3A_373 = vector.broadcast %xor3A_372 : i32 to vector<16xi32>
      %xor3A_374 = arith.xori %get3A_371, %xor3A_373 : vector<16xi32>
      %get3A_375 = arith.index_cast %add3A_368 : i32 to index
      %get3A_376 = tpu.vector_load %arg11[%get3A_375] {strides = array<i32>} : memref<8192xi32, #tpu.memory_space<vmem>>, vector<16xi32>,
      %get3A_377 = vector.shape_cast %get3A_376 : vector<16xi32> to vector<16xi32>
      %mul3A_378 = arith.constant -1640531535 : i32
      %mul3A_379 = vector.broadcast %mul3A_378 : i32 to vector<16xi32>
      %mul3A_380 = arith.muli %get3A_377, %mul3A_379 : vector<16xi32>
      %xor3A_381 = arith.xori %xor3A_374, %mul3A_380 : vector<16xi32>
      %get3A_382 = arith.index_cast %add3A_368 : i32 to index
      %get3A_383 = tpu.vector_load %arg12[%get3A_382] {strides = array<i32>} : memref<8192xi32, #tpu.memory_space<vmem>>, vector<16xi32>,
      %get3A_384 = vector.shape_cast %get3A_383 : vector<16xi32> to vector<16xi32>
      %mul3A_385 = arith.constant 805459861 : i32
      %mul3A_386 = vector.broadcast %mul3A_385 : i32 to vector<16xi32>
      %mul3A_387 = arith.muli %get3A_384, %mul3A_386 : vector<16xi32>
      %xor3A_388 = arith.xori %xor3A_381, %mul3A_387 : vector<16xi32>
      %and3A_389 = arith.constant 65535 : i32
      %and3A_390 = vector.broadcast %and3A_389 : i32 to vector<16xi32>
      %and3A_391 = arith.andi %xor3A_388, %and3A_390 : vector<16xi32>
      %get3A_392 = arith.index_cast %add3A_368 : i32 to index
      %get3A_393 = tpu.vector_load %arg9[%get3A_392] {strides = array<i32>} : memref<8192xi32, #tpu.memory_space<vmem>>, vector<16xi32>,
      %get3A_394 = vector.shape_cast %get3A_393 : vector<16xi32> to vector<16xi32>
      %shift_right_arithmetic3A_395 = arith.constant 3 : i32
      %shift_right_arithmetic3A_396 = vector.broadcast %shift_right_arithmetic3A_395 : i32 to vector<16xi32>
      %shift_right_arithmetic3A_397 = arith.shrsi %get3A_394, %shift_right_arithmetic3A_396 : vector<16xi32>
      %shift_left3A_398 = arith.constant 19 : i32
      %shift_left3A_399 = vector.broadcast %shift_left3A_398 : i32 to vector<16xi32>
      %shift_left3A_400 = arith.shli %shift_right_arithmetic3A_397, %shift_left3A_399 : vector<16xi32>
      %shift_right_arithmetic3A_401 = arith.constant 7 : i32
      %shift_right_arithmetic3A_402 = vector.broadcast %shift_right_arithmetic3A_401 : i32 to vector<16xi32>
      %shift_right_arithmetic3A_403 = arith.shrsi %and3A_391, %shift_right_arithmetic3A_402 : vector<16xi32>
      %shift_left3A_404 = arith.constant 10 : i32
      %shift_left3A_405 = vector.broadcast %shift_left3A_404 : i32 to vector<16xi32>
      %shift_left3A_406 = arith.shli %shift_right_arithmetic3A_403, %shift_left3A_405 : vector<16xi32>
      %or3A_407 = arith.ori %shift_left3A_400, %shift_left3A_406 : vector<16xi32>
      %and3A_408 = arith.constant 7 : i32
      %and3A_409 = vector.broadcast %and3A_408 : i32 to vector<16xi32>
      %and3A_410 = arith.andi %get3A_394, %and3A_409 : vector<16xi32>
      %shift_left3A_411 = arith.constant 7 : i32
      %shift_left3A_412 = vector.broadcast %shift_left3A_411 : i32 to vector<16xi32>
      %shift_left3A_413 = arith.shli %and3A_410, %shift_left3A_412 : vector<16xi32>
      %or3A_414 = arith.ori %or3A_407, %shift_left3A_413 : vector<16xi32>
      %and3A_415 = arith.constant 127 : i32
      %and3A_416 = vector.broadcast %and3A_415 : i32 to vector<16xi32>
      %and3A_417 = arith.andi %and3A_391, %and3A_416 : vector<16xi32>
      %or3A_418 = arith.ori %or3A_414, %and3A_417 : vector<16xi32>
      %swap3A_419 = arith.index_cast %add3A_368 : i32 to index
      %swap3A_420 = tpu.vector_load %arg14[%swap3A_419] {strides = array<i32>} : memref<8192xi32, #tpu.memory_space<vmem>>, vector<16xi32>,
      %swap3A_421 = vector.shape_cast %swap3A_420 : vector<16xi32> to vector<16xi32>
      %swap3A_422 = vector.shape_cast %or3A_418 : vector<16xi32> to vector<16xi32>
      tpu.vector_store %arg14[%swap3A_419], %swap3A_422 {strides = array<i32>} : memref<8192xi32, #tpu.memory_space<vmem>>, vector<16xi32>,
      %mul3A_423 = arith.constant 128 : i32
      %mul3A_424 = arith.muli %scan3A_255, %mul3A_423 : i32
      %add3A_425 = arith.constant 48 : i32
      %add3A_426 = arith.addi %mul3A_424, %add3A_425 : i32
      %get3A_427 = arith.index_cast %add3A_426 : i32 to index
      %get3A_428 = tpu.vector_load %arg10[%get3A_427] {strides = array<i32>} : memref<8192xi32, #tpu.memory_space<vmem>>, vector<16xi32>,
      %get3A_429 = vector.shape_cast %get3A_428 : vector<16xi32> to vector<16xi32>
      %xor3A_430 = arith.constant 1 : i32
      %xor3A_431 = vector.broadcast %xor3A_430 : i32 to vector<16xi32>
      %xor3A_432 = arith.xori %get3A_429, %xor3A_431 : vector<16xi32>
      %get3A_433 = arith.index_cast %add3A_426 : i32 to index
      %get3A_434 = tpu.vector_load %arg11[%get3A_433] {strides = array<i32>} : memref<8192xi32, #tpu.memory_space<vmem>>, vector<16xi32>,
      %get3A_435 = vector.shape_cast %get3A_434 : vector<16xi32> to vector<16xi32>
      %mul3A_436 = arith.constant -1640531535 : i32
      %mul3A_437 = vector.broadcast %mul3A_436 : i32 to vector<16xi32>
      %mul3A_438 = arith.muli %get3A_435, %mul3A_437 : vector<16xi32>
      %xor3A_439 = arith.xori %xor3A_432, %mul3A_438 : vector<16xi32>
      %get3A_440 = arith.index_cast %add3A_426 : i32 to index
      %get3A_441 = tpu.vector_load %arg12[%get3A_440] {strides = array<i32>} : memref<8192xi32, #tpu.memory_space<vmem>>, vector<16xi32>,
      %get3A_442 = vector.shape_cast %get3A_441 : vector<16xi32> to vector<16xi32>
      %mul3A_443 = arith.constant 805459861 : i32
      %mul3A_444 = vector.broadcast %mul3A_443 : i32 to vector<16xi32>
      %mul3A_445 = arith.muli %get3A_442, %mul3A_444 : vector<16xi32>
      %xor3A_446 = arith.xori %xor3A_439, %mul3A_445 : vector<16xi32>
      %and3A_447 = arith.constant 65535 : i32
      %and3A_448 = vector.broadcast %and3A_447 : i32 to vector<16xi32>
      %and3A_449 = arith.andi %xor3A_446, %and3A_448 : vector<16xi32>
      %get3A_450 = arith.index_cast %add3A_426 : i32 to index
      %get3A_451 = tpu.vector_load %arg9[%get3A_450] {strides = array<i32>} : memref<8192xi32, #tpu.memory_space<vmem>>, vector<16xi32>,
      %get3A_452 = vector.shape_cast %get3A_451 : vector<16xi32> to vector<16xi32>
      %shift_right_arithmetic3A_453 = arith.constant 3 : i32
      %shift_right_arithmetic3A_454 = vector.broadcast %shift_right_arithmetic3A_453 : i32 to vector<16xi32>
      %shift_right_arithmetic3A_455 = arith.shrsi %get3A_452, %shift_right_arithmetic3A_454 : vector<16xi32>
      %shift_left3A_456 = arith.constant 19 : i32
      %shift_left3A_457 = vector.broadcast %shift_left3A_456 : i32 to vector<16xi32>
      %shift_left3A_458 = arith.shli %shift_right_arithmetic3A_455, %shift_left3A_457 : vector<16xi32>
      %shift_right_arithmetic3A_459 = arith.constant 7 : i32
      %shift_right_arithmetic3A_460 = vector.broadcast %shift_right_arithmetic3A_459 : i32 to vector<16xi32>
      %shift_right_arithmetic3A_461 = arith.shrsi %and3A_449, %shift_right_arithmetic3A_460 : vector<16xi32>
      %shift_left3A_462 = arith.constant 10 : i32
      %shift_left3A_463 = vector.broadcast %shift_left3A_462 : i32 to vector<16xi32>
      %shift_left3A_464 = arith.shli %shift_right_arithmetic3A_461, %shift_left3A_463 : vector<16xi32>
      %or3A_465 = arith.ori %shift_left3A_458, %shift_left3A_464 : vector<16xi32>
      %and3A_466 = arith.constant 7 : i32
      %and3A_467 = vector.broadcast %and3A_466 : i32 to vector<16xi32>
      %and3A_468 = arith.andi %get3A_452, %and3A_467 : vector<16xi32>
      %shift_left3A_469 = arith.constant 7 : i32
      %shift_left3A_470 = vector.broadcast %shift_left3A_469 : i32 to vector<16xi32>
      %shift_left3A_471 = arith.shli %and3A_468, %shift_left3A_470 : vector<16xi32>
      %or3A_472 = arith.ori %or3A_465, %shift_left3A_471 : vector<16xi32>
      %and3A_473 = arith.constant 127 : i32
      %and3A_474 = vector.broadcast %and3A_473 : i32 to vector<16xi32>
      %and3A_475 = arith.andi %and3A_449, %and3A_474 : vector<16xi32>
      %or3A_476 = arith.ori %or3A_472, %and3A_475 : vector<16xi32>
      %swap3A_477 = arith.index_cast %add3A_426 : i32 to index
      %swap3A_478 = tpu.vector_load %arg14[%swap3A_477] {strides = array<i32>} : memref<8192xi32, #tpu.memory_space<vmem>>, vector<16xi32>,
      %swap3A_479 = vector.shape_cast %swap3A_478 : vector<16xi32> to vector<16xi32>
      %swap3A_480 = vector.shape_cast %or3A_476 : vector<16xi32> to vector<16xi32>
      tpu.vector_store %arg14[%swap3A_477], %swap3A_480 {strides = array<i32>} : memref<8192xi32, #tpu.memory_space<vmem>>, vector<16xi32>,
      %mul3A_481 = arith.constant 128 : i32
      %mul3A_482 = arith.muli %scan3A_255, %mul3A_481 : i32
      %add3A_483 = arith.constant 64 : i32
      %add3A_484 = arith.addi %mul3A_482, %add3A_483 : i32
      %get3A_485 = arith.index_cast %add3A_484 : i32 to index
      %get3A_486 = tpu.vector_load %arg10[%get3A_485] {strides = array<i32>} : memref<8192xi32, #tpu.memory_space<vmem>>, vector<16xi32>,
      %get3A_487 = vector.shape_cast %get3A_486 : vector<16xi32> to vector<16xi32>
      %xor3A_488 = arith.constant 1 : i32
      %xor3A_489 = vector.broadcast %xor3A_488 : i32 to vector<16xi32>
      %xor3A_490 = arith.xori %get3A_487, %xor3A_489 : vector<16xi32>
      %get3A_491 = arith.index_cast %add3A_484 : i32 to index
      %get3A_492 = tpu.vector_load %arg11[%get3A_491] {strides = array<i32>} : memref<8192xi32, #tpu.memory_space<vmem>>, vector<16xi32>,
      %get3A_493 = vector.shape_cast %get3A_492 : vector<16xi32> to vector<16xi32>
      %mul3A_494 = arith.constant -1640531535 : i32
      %mul3A_495 = vector.broadcast %mul3A_494 : i32 to vector<16xi32>
      %mul3A_496 = arith.muli %get3A_493, %mul3A_495 : vector<16xi32>
      %xor3A_497 = arith.xori %xor3A_490, %mul3A_496 : vector<16xi32>
      %get3A_498 = arith.index_cast %add3A_484 : i32 to index
      %get3A_499 = tpu.vector_load %arg12[%get3A_498] {strides = array<i32>} : memref<8192xi32, #tpu.memory_space<vmem>>, vector<16xi32>,
      %get3A_500 = vector.shape_cast %get3A_499 : vector<16xi32> to vector<16xi32>
      %mul3A_501 = arith.constant 805459861 : i32
      %mul3A_502 = vector.broadcast %mul3A_501 : i32 to vector<16xi32>
      %mul3A_503 = arith.muli %get3A_500, %mul3A_502 : vector<16xi32>
      %xor3A_504 = arith.xori %xor3A_497, %mul3A_503 : vector<16xi32>
      %and3A_505 = arith.constant 65535 : i32
      %and3A_506 = vector.broadcast %and3A_505 : i32 to vector<16xi32>
      %and3A_507 = arith.andi %xor3A_504, %and3A_506 : vector<16xi32>
      %get3A_508 = arith.index_cast %add3A_484 : i32 to index
      %get3A_509 = tpu.vector_load %arg9[%get3A_508] {strides = array<i32>} : memref<8192xi32, #tpu.memory_space<vmem>>, vector<16xi32>,
      %get3A_510 = vector.shape_cast %get3A_509 : vector<16xi32> to vector<16xi32>
      %shift_right_arithmetic3A_511 = arith.constant 3 : i32
      %shift_right_arithmetic3A_512 = vector.broadcast %shift_right_arithmetic3A_511 : i32 to vector<16xi32>
      %shift_right_arithmetic3A_513 = arith.shrsi %get3A_510, %shift_right_arithmetic3A_512 : vector<16xi32>
      %shift_left3A_514 = arith.constant 19 : i32
      %shift_left3A_515 = vector.broadcast %shift_left3A_514 : i32 to vector<16xi32>
      %shift_left3A_516 = arith.shli %shift_right_arithmetic3A_513, %shift_left3A_515 : vector<16xi32>
      %shift_right_arithmetic3A_517 = arith.constant 7 : i32
      %shift_right_arithmetic3A_518 = vector.broadcast %shift_right_arithmetic3A_517 : i32 to vector<16xi32>
      %shift_right_arithmetic3A_519 = arith.shrsi %and3A_507, %shift_right_arithmetic3A_518 : vector<16xi32>
      %shift_left3A_520 = arith.constant 10 : i32
      %shift_left3A_521 = vector.broadcast %shift_left3A_520 : i32 to vector<16xi32>
      %shift_left3A_522 = arith.shli %shift_right_arithmetic3A_519, %shift_left3A_521 : vector<16xi32>
      %or3A_523 = arith.ori %shift_left3A_516, %shift_left3A_522 : vector<16xi32>
      %and3A_524 = arith.constant 7 : i32
      %and3A_525 = vector.broadcast %and3A_524 : i32 to vector<16xi32>
      %and3A_526 = arith.andi %get3A_510, %and3A_525 : vector<16xi32>
      %shift_left3A_527 = arith.constant 7 : i32
      %shift_left3A_528 = vector.broadcast %shift_left3A_527 : i32 to vector<16xi32>
      %shift_left3A_529 = arith.shli %and3A_526, %shift_left3A_528 : vector<16xi32>
      %or3A_530 = arith.ori %or3A_523, %shift_left3A_529 : vector<16xi32>
      %and3A_531 = arith.constant 127 : i32
      %and3A_532 = vector.broadcast %and3A_531 : i32 to vector<16xi32>
      %and3A_533 = arith.andi %and3A_507, %and3A_532 : vector<16xi32>
      %or3A_534 = arith.ori %or3A_530, %and3A_533 : vector<16xi32>
      %swap3A_535 = arith.index_cast %add3A_484 : i32 to index
      %swap3A_536 = tpu.vector_load %arg14[%swap3A_535] {strides = array<i32>} : memref<8192xi32, #tpu.memory_space<vmem>>, vector<16xi32>,
      %swap3A_537 = vector.shape_cast %swap3A_536 : vector<16xi32> to vector<16xi32>
      %swap3A_538 = vector.shape_cast %or3A_534 : vector<16xi32> to vector<16xi32>
      tpu.vector_store %arg14[%swap3A_535], %swap3A_538 {strides = array<i32>} : memref<8192xi32, #tpu.memory_space<vmem>>, vector<16xi32>,
      %mul3A_539 = arith.constant 128 : i32
      %mul3A_540 = arith.muli %scan3A_255, %mul3A_539 : i32
      %add3A_541 = arith.constant 80 : i32
      %add3A_542 = arith.addi %mul3A_540, %add3A_541 : i32
      %get3A_543 = arith.index_cast %add3A_542 : i32 to index
      %get3A_544 = tpu.vector_load %arg10[%get3A_543] {strides = array<i32>} : memref<8192xi32, #tpu.memory_space<vmem>>, vector<16xi32>,
      %get3A_545 = vector.shape_cast %get3A_544 : vector<16xi32> to vector<16xi32>
      %xor3A_546 = arith.constant 1 : i32
      %xor3A_547 = vector.broadcast %xor3A_546 : i32 to vector<16xi32>
      %xor3A_548 = arith.xori %get3A_545, %xor3A_547 : vector<16xi32>
      %get3A_549 = arith.index_cast %add3A_542 : i32 to index
      %get3A_550 = tpu.vector_load %arg11[%get3A_549] {strides = array<i32>} : memref<8192xi32, #tpu.memory_space<vmem>>, vector<16xi32>,
      %get3A_551 = vector.shape_cast %get3A_550 : vector<16xi32> to vector<16xi32>
      %mul3A_552 = arith.constant -1640531535 : i32
      %mul3A_553 = vector.broadcast %mul3A_552 : i32 to vector<16xi32>
      %mul3A_554 = arith.muli %get3A_551, %mul3A_553 : vector<16xi32>
      %xor3A_555 = arith.xori %xor3A_548, %mul3A_554 : vector<16xi32>
      %get3A_556 = arith.index_cast %add3A_542 : i32 to index
      %get3A_557 = tpu.vector_load %arg12[%get3A_556] {strides = array<i32>} : memref<8192xi32, #tpu.memory_space<vmem>>, vector<16xi32>,
      %get3A_558 = vector.shape_cast %get3A_557 : vector<16xi32> to vector<16xi32>
      %mul3A_559 = arith.constant 805459861 : i32
      %mul3A_560 = vector.broadcast %mul3A_559 : i32 to vector<16xi32>
      %mul3A_561 = arith.muli %get3A_558, %mul3A_560 : vector<16xi32>
      %xor3A_562 = arith.xori %xor3A_555, %mul3A_561 : vector<16xi32>
      %and3A_563 = arith.constant 65535 : i32
      %and3A_564 = vector.broadcast %and3A_563 : i32 to vector<16xi32>
      %and3A_565 = arith.andi %xor3A_562, %and3A_564 : vector<16xi32>
      %get3A_566 = arith.index_cast %add3A_542 : i32 to index
      %get3A_567 = tpu.vector_load %arg9[%get3A_566] {strides = array<i32>} : memref<8192xi32, #tpu.memory_space<vmem>>, vector<16xi32>,
      %get3A_568 = vector.shape_cast %get3A_567 : vector<16xi32> to vector<16xi32>
      %shift_right_arithmetic3A_569 = arith.constant 3 : i32
      %shift_right_arithmetic3A_570 = vector.broadcast %shift_right_arithmetic3A_569 : i32 to vector<16xi32>
      %shift_right_arithmetic3A_571 = arith.shrsi %get3A_568, %shift_right_arithmetic3A_570 : vector<16xi32>
      %shift_left3A_572 = arith.constant 19 : i32
      %shift_left3A_573 = vector.broadcast %shift_left3A_572 : i32 to vector<16xi32>
      %shift_left3A_574 = arith.shli %shift_right_arithmetic3A_571, %shift_left3A_573 : vector<16xi32>
      %shift_right_arithmetic3A_575 = arith.constant 7 : i32
      %shift_right_arithmetic3A_576 = vector.broadcast %shift_right_arithmetic3A_575 : i32 to vector<16xi32>
      %shift_right_arithmetic3A_577 = arith.shrsi %and3A_565, %shift_right_arithmetic3A_576 : vector<16xi32>
      %shift_left3A_578 = arith.constant 10 : i32
      %shift_left3A_579 = vector.broadcast %shift_left3A_578 : i32 to vector<16xi32>
      %shift_left3A_580 = arith.shli %shift_right_arithmetic3A_577, %shift_left3A_579 : vector<16xi32>
      %or3A_581 = arith.ori %shift_left3A_574, %shift_left3A_580 : vector<16xi32>
      %and3A_582 = arith.constant 7 : i32
      %and3A_583 = vector.broadcast %and3A_582 : i32 to vector<16xi32>
      %and3A_584 = arith.andi %get3A_568, %and3A_583 : vector<16xi32>
      %shift_left3A_585 = arith.constant 7 : i32
      %shift_left3A_586 = vector.broadcast %shift_left3A_585 : i32 to vector<16xi32>
      %shift_left3A_587 = arith.shli %and3A_584, %shift_left3A_586 : vector<16xi32>
      %or3A_588 = arith.ori %or3A_581, %shift_left3A_587 : vector<16xi32>
      %and3A_589 = arith.constant 127 : i32
      %and3A_590 = vector.broadcast %and3A_589 : i32 to vector<16xi32>
      %and3A_591 = arith.andi %and3A_565, %and3A_590 : vector<16xi32>
      %or3A_592 = arith.ori %or3A_588, %and3A_591 : vector<16xi32>
      %swap3A_593 = arith.index_cast %add3A_542 : i32 to index
      %swap3A_594 = tpu.vector_load %arg14[%swap3A_593] {strides = array<i32>} : memref<8192xi32, #tpu.memory_space<vmem>>, vector<16xi32>,
      %swap3A_595 = vector.shape_cast %swap3A_594 : vector<16xi32> to vector<16xi32>
      %swap3A_596 = vector.shape_cast %or3A_592 : vector<16xi32> to vector<16xi32>
      tpu.vector_store %arg14[%swap3A_593], %swap3A_596 {strides = array<i32>} : memref<8192xi32, #tpu.memory_space<vmem>>, vector<16xi32>,
      %mul3A_597 = arith.constant 128 : i32
      %mul3A_598 = arith.muli %scan3A_255, %mul3A_597 : i32
      %add3A_599 = arith.constant 96 : i32
      %add3A_600 = arith.addi %mul3A_598, %add3A_599 : i32
      %get3A_601 = arith.index_cast %add3A_600 : i32 to index
      %get3A_602 = tpu.vector_load %arg10[%get3A_601] {strides = array<i32>} : memref<8192xi32, #tpu.memory_space<vmem>>, vector<16xi32>,
      %get3A_603 = vector.shape_cast %get3A_602 : vector<16xi32> to vector<16xi32>
      %xor3A_604 = arith.constant 1 : i32
      %xor3A_605 = vector.broadcast %xor3A_604 : i32 to vector<16xi32>
      %xor3A_606 = arith.xori %get3A_603, %xor3A_605 : vector<16xi32>
      %get3A_607 = arith.index_cast %add3A_600 : i32 to index
      %get3A_608 = tpu.vector_load %arg11[%get3A_607] {strides = array<i32>} : memref<8192xi32, #tpu.memory_space<vmem>>, vector<16xi32>,
      %get3A_609 = vector.shape_cast %get3A_608 : vector<16xi32> to vector<16xi32>
      %mul3A_610 = arith.constant -1640531535 : i32
      %mul3A_611 = vector.broadcast %mul3A_610 : i32 to vector<16xi32>
      %mul3A_612 = arith.muli %get3A_609, %mul3A_611 : vector<16xi32>
      %xor3A_613 = arith.xori %xor3A_606, %mul3A_612 : vector<16xi32>
      %get3A_614 = arith.index_cast %add3A_600 : i32 to index
      %get3A_615 = tpu.vector_load %arg12[%get3A_614] {strides = array<i32>} : memref<8192xi32, #tpu.memory_space<vmem>>, vector<16xi32>,
      %get3A_616 = vector.shape_cast %get3A_615 : vector<16xi32> to vector<16xi32>
      %mul3A_617 = arith.constant 805459861 : i32
      %mul3A_618 = vector.broadcast %mul3A_617 : i32 to vector<16xi32>
      %mul3A_619 = arith.muli %get3A_616, %mul3A_618 : vector<16xi32>
      %xor3A_620 = arith.xori %xor3A_613, %mul3A_619 : vector<16xi32>
      %and3A_621 = arith.constant 65535 : i32
      %and3A_622 = vector.broadcast %and3A_621 : i32 to vector<16xi32>
      %and3A_623 = arith.andi %xor3A_620, %and3A_622 : vector<16xi32>
      %get3A_624 = arith.index_cast %add3A_600 : i32 to index
      %get3A_625 = tpu.vector_load %arg9[%get3A_624] {strides = array<i32>} : memref<8192xi32, #tpu.memory_space<vmem>>, vector<16xi32>,
      %get3A_626 = vector.shape_cast %get3A_625 : vector<16xi32> to vector<16xi32>
      %shift_right_arithmetic3A_627 = arith.constant 3 : i32
      %shift_right_arithmetic3A_628 = vector.broadcast %shift_right_arithmetic3A_627 : i32 to vector<16xi32>
      %shift_right_arithmetic3A_629 = arith.shrsi %get3A_626, %shift_right_arithmetic3A_628 : vector<16xi32>
      %shift_left3A_630 = arith.constant 19 : i32
      %shift_left3A_631 = vector.broadcast %shift_left3A_630 : i32 to vector<16xi32>
      %shift_left3A_632 = arith.shli %shift_right_arithmetic3A_629, %shift_left3A_631 : vector<16xi32>
      %shift_right_arithmetic3A_633 = arith.constant 7 : i32
      %shift_right_arithmetic3A_634 = vector.broadcast %shift_right_arithmetic3A_633 : i32 to vector<16xi32>
      %shift_right_arithmetic3A_635 = arith.shrsi %and3A_623, %shift_right_arithmetic3A_634 : vector<16xi32>
      %shift_left3A_636 = arith.constant 10 : i32
      %shift_left3A_637 = vector.broadcast %shift_left3A_636 : i32 to vector<16xi32>
      %shift_left3A_638 = arith.shli %shift_right_arithmetic3A_635, %shift_left3A_637 : vector<16xi32>
      %or3A_639 = arith.ori %shift_left3A_632, %shift_left3A_638 : vector<16xi32>
      %and3A_640 = arith.constant 7 : i32
      %and3A_641 = vector.broadcast %and3A_640 : i32 to vector<16xi32>
      %and3A_642 = arith.andi %get3A_626, %and3A_641 : vector<16xi32>
      %shift_left3A_643 = arith.constant 7 : i32
      %shift_left3A_644 = vector.broadcast %shift_left3A_643 : i32 to vector<16xi32>
      %shift_left3A_645 = arith.shli %and3A_642, %shift_left3A_644 : vector<16xi32>
      %or3A_646 = arith.ori %or3A_639, %shift_left3A_645 : vector<16xi32>
      %and3A_647 = arith.constant 127 : i32
      %and3A_648 = vector.broadcast %and3A_647 : i32 to vector<16xi32>
      %and3A_649 = arith.andi %and3A_623, %and3A_648 : vector<16xi32>
      %or3A_650 = arith.ori %or3A_646, %and3A_649 : vector<16xi32>
      %swap3A_651 = arith.index_cast %add3A_600 : i32 to index
      %swap3A_652 = tpu.vector_load %arg14[%swap3A_651] {strides = array<i32>} : memref<8192xi32, #tpu.memory_space<vmem>>, vector<16xi32>,
      %swap3A_653 = vector.shape_cast %swap3A_652 : vector<16xi32> to vector<16xi32>
      %swap3A_654 = vector.shape_cast %or3A_650 : vector<16xi32> to vector<16xi32>
      tpu.vector_store %arg14[%swap3A_651], %swap3A_654 {strides = array<i32>} : memref<8192xi32, #tpu.memory_space<vmem>>, vector<16xi32>,
      %mul3A_655 = arith.constant 128 : i32
      %mul3A_656 = arith.muli %scan3A_255, %mul3A_655 : i32
      %add3A_657 = arith.constant 112 : i32
      %add3A_658 = arith.addi %mul3A_656, %add3A_657 : i32
      %get3A_659 = arith.index_cast %add3A_658 : i32 to index
      %get3A_660 = tpu.vector_load %arg10[%get3A_659] {strides = array<i32>} : memref<8192xi32, #tpu.memory_space<vmem>>, vector<16xi32>,
      %get3A_661 = vector.shape_cast %get3A_660 : vector<16xi32> to vector<16xi32>
      %xor3A_662 = arith.constant 1 : i32
      %xor3A_663 = vector.broadcast %xor3A_662 : i32 to vector<16xi32>
      %xor3A_664 = arith.xori %get3A_661, %xor3A_663 : vector<16xi32>
      %get3A_665 = arith.index_cast %add3A_658 : i32 to index
      %get3A_666 = tpu.vector_load %arg11[%get3A_665] {strides = array<i32>} : memref<8192xi32, #tpu.memory_space<vmem>>, vector<16xi32>,
      %get3A_667 = vector.shape_cast %get3A_666 : vector<16xi32> to vector<16xi32>
      %mul3A_668 = arith.constant -1640531535 : i32
      %mul3A_669 = vector.broadcast %mul3A_668 : i32 to vector<16xi32>
      %mul3A_670 = arith.muli %get3A_667, %mul3A_669 : vector<16xi32>
      %xor3A_671 = arith.xori %xor3A_664, %mul3A_670 : vector<16xi32>
      %get3A_672 = arith.index_cast %add3A_658 : i32 to index
      %get3A_673 = tpu.vector_load %arg12[%get3A_672] {strides = array<i32>} : memref<8192xi32, #tpu.memory_space<vmem>>, vector<16xi32>,
      %get3A_674 = vector.shape_cast %get3A_673 : vector<16xi32> to vector<16xi32>
      %mul3A_675 = arith.constant 805459861 : i32
      %mul3A_676 = vector.broadcast %mul3A_675 : i32 to vector<16xi32>
      %mul3A_677 = arith.muli %get3A_674, %mul3A_676 : vector<16xi32>
      %xor3A_678 = arith.xori %xor3A_671, %mul3A_677 : vector<16xi32>
      %and3A_679 = arith.constant 65535 : i32
      %and3A_680 = vector.broadcast %and3A_679 : i32 to vector<16xi32>
      %and3A_681 = arith.andi %xor3A_678, %and3A_680 : vector<16xi32>
      %get3A_682 = arith.index_cast %add3A_658 : i32 to index
      %get3A_683 = tpu.vector_load %arg9[%get3A_682] {strides = array<i32>} : memref<8192xi32, #tpu.memory_space<vmem>>, vector<16xi32>,
      %get3A_684 = vector.shape_cast %get3A_683 : vector<16xi32> to vector<16xi32>
      %shift_right_arithmetic3A_685 = arith.constant 3 : i32
      %shift_right_arithmetic3A_686 = vector.broadcast %shift_right_arithmetic3A_685 : i32 to vector<16xi32>
      %shift_right_arithmetic3A_687 = arith.shrsi %get3A_684, %shift_right_arithmetic3A_686 : vector<16xi32>
      %shift_left3A_688 = arith.constant 19 : i32
      %shift_left3A_689 = vector.broadcast %shift_left3A_688 : i32 to vector<16xi32>
      %shift_left3A_690 = arith.shli %shift_right_arithmetic3A_687, %shift_left3A_689 : vector<16xi32>
      %shift_right_arithmetic3A_691 = arith.constant 7 : i32
      %shift_right_arithmetic3A_692 = vector.broadcast %shift_right_arithmetic3A_691 : i32 to vector<16xi32>
      %shift_right_arithmetic3A_693 = arith.shrsi %and3A_681, %shift_right_arithmetic3A_692 : vector<16xi32>
      %shift_left3A_694 = arith.constant 10 : i32
      %shift_left3A_695 = vector.broadcast %shift_left3A_694 : i32 to vector<16xi32>
      %shift_left3A_696 = arith.shli %shift_right_arithmetic3A_693, %shift_left3A_695 : vector<16xi32>
      %or3A_697 = arith.ori %shift_left3A_690, %shift_left3A_696 : vector<16xi32>
      %and3A_698 = arith.constant 7 : i32
      %and3A_699 = vector.broadcast %and3A_698 : i32 to vector<16xi32>
      %and3A_700 = arith.andi %get3A_684, %and3A_699 : vector<16xi32>
      %shift_left3A_701 = arith.constant 7 : i32
      %shift_left3A_702 = vector.broadcast %shift_left3A_701 : i32 to vector<16xi32>
      %shift_left3A_703 = arith.shli %and3A_700, %shift_left3A_702 : vector<16xi32>
      %or3A_704 = arith.ori %or3A_697, %shift_left3A_703 : vector<16xi32>
      %and3A_705 = arith.constant 127 : i32
      %and3A_706 = vector.broadcast %and3A_705 : i32 to vector<16xi32>
      %and3A_707 = arith.andi %and3A_681, %and3A_706 : vector<16xi32>
      %or3A_708 = arith.ori %or3A_704, %and3A_707 : vector<16xi32>
      %swap3A_709 = arith.index_cast %add3A_658 : i32 to index
      %swap3A_710 = tpu.vector_load %arg14[%swap3A_709] {strides = array<i32>} : memref<8192xi32, #tpu.memory_space<vmem>>, vector<16xi32>,
      %swap3A_711 = vector.shape_cast %swap3A_710 : vector<16xi32> to vector<16xi32>
      %swap3A_712 = vector.shape_cast %or3A_708 : vector<16xi32> to vector<16xi32>
      tpu.vector_store %arg14[%swap3A_709], %swap3A_712 {strides = array<i32>} : memref<8192xi32, #tpu.memory_space<vmem>>, vector<16xi32>,
      %mul3A_713 = arith.constant 128 : i32
      %mul3A_714 = arith.muli %scan3A_255, %mul3A_713 : i32
      %dma_start3A_715 = tpu.memref_slice %arg16[%mul3A_714] : memref<8192xf32, #tpu.memory_space<vmem>> -> memref<128xf32, #tpu.memory_space<vmem>>
      %dma_start3A_716 = tpu.memref_slice %arg14[%mul3A_714] : memref<8192xi32, #tpu.memory_space<vmem>> -> memref<128xi32, #tpu.memory_space<vmem>>
      %dma_start3A_717 = arith.constant 0 : i32
      %dma_start3A_718 = tpu.memref_slice %arg3[%dma_start3A_717] : memref<67108864xf32, #tpu.memory_space<hbm>> -> memref<67108864xf32, #tpu.memory_space<hbm>>
      tpu.enqueue_indirect_dma source(%dma_start3A_718 : memref<67108864xf32, #tpu.memory_space<hbm>>) target(%dma_start3A_715 : memref<128xf32, #tpu.memory_space<vmem>>) offsets(%dma_start3A_716 : memref<128xi32, #tpu.memory_space<vmem>>) semaphore(%arg18 : memref<!tpu.dma_semaphore, #tpu.memory_space<semaphore_mem>>)
    }
    %scan3A_125 = arith.constant 64 : i32
    %add3A_126 = arith.constant 0 : i32
    %add3A_127 = arith.addi %mul3A_2, %add3A_126 : i32
    %dma_wait3A_128 = arith.constant 0 : i32
    %dma_wait3A_129 = tpu.memref_slice %arg3[%dma_wait3A_128] : memref<67108864xf32, #tpu.memory_space<hbm>> -> memref<8192xf32, #tpu.memory_space<hbm>>
    %dma_wait3A_130 = arith.constant 0 : i32
    %dma_wait3A_131 = tpu.memref_slice %arg3[%dma_wait3A_130] : memref<67108864xf32, #tpu.memory_space<hbm>> -> memref<8192xf32, #tpu.memory_space<hbm>>
    tpu.wait_dma2 semaphore(%arg17 : memref<!tpu.dma_semaphore, #tpu.memory_space<semaphore_mem>>) src(%dma_wait3A_131 : memref<8192xf32, #tpu.memory_space<hbm>>) dst(%arg15 : memref<8192xf32, #tpu.memory_space<vmem>>)
    %dma_start3A_132 = tpu.memref_slice %arg4[%add3A_127] : memref<1048576xf32, #tpu.memory_space<hbm>> -> memref<8192xf32, #tpu.memory_space<hbm>>
    %dma_start3A_133 = tpu.memref_slice %arg4[%add3A_127] : memref<1048576xf32, #tpu.memory_space<hbm>> -> memref<8192xf32, #tpu.memory_space<hbm>>
    tpu.enqueue_dma source(%arg15 : memref<8192xf32, #tpu.memory_space<vmem>>) target(%dma_start3A_133 : memref<8192xf32, #tpu.memory_space<hbm>>) target_semaphore(%arg21 : memref<!tpu.dma_semaphore, #tpu.memory_space<semaphore_mem>>)
    %add3A_134 = arith.constant 16384 : i32
    %add3A_135 = arith.addi %mul3A_2, %add3A_134 : i32
    %add3A_136 = arith.constant 24576 : i32
    %add3A_137 = arith.addi %mul3A_2, %add3A_136 : i32
    %dma_start3A_138 = arith.constant 0 : i32
    %dma_start3A_139 = tpu.memref_slice %arg2[%dma_start3A_138, %add3A_137] : memref<4x1048576xi32, #tpu.memory_space<hbm>> -> memref<1x8192xi32, #tpu.memory_space<hbm>>
    %dma_start3A_140 = tpu.memref_squeeze %dma_start3A_139 : memref<1x8192xi32, #tpu.memory_space<hbm>> -> memref<8192xi32, #tpu.memory_space<hbm>>
    %dma_start3A_141 = tpu.memref_slice %arg2[%dma_start3A_138, %add3A_137] : memref<4x1048576xi32, #tpu.memory_space<hbm>> -> memref<1x8192xi32, #tpu.memory_space<hbm>>
    %dma_start3A_142 = tpu.memref_squeeze %dma_start3A_141 : memref<1x8192xi32, #tpu.memory_space<hbm>> -> memref<8192xi32, #tpu.memory_space<hbm>>
    tpu.enqueue_dma source(%dma_start3A_142 : memref<8192xi32, #tpu.memory_space<hbm>>) target(%arg9 : memref<8192xi32, #tpu.memory_space<vmem>>) target_semaphore(%arg20 : memref<!tpu.dma_semaphore, #tpu.memory_space<semaphore_mem>>)
    %dma_start3A_143 = arith.constant 1 : i32
    %dma_start3A_144 = tpu.memref_slice %arg2[%dma_start3A_143, %add3A_137] : memref<4x1048576xi32, #tpu.memory_space<hbm>> -> memref<1x8192xi32, #tpu.memory_space<hbm>>
    %dma_start3A_145 = tpu.memref_squeeze %dma_start3A_144 : memref<1x8192xi32, #tpu.memory_space<hbm>> -> memref<8192xi32, #tpu.memory_space<hbm>>
    %dma_start3A_146 = tpu.memref_slice %arg2[%dma_start3A_143, %add3A_137] : memref<4x1048576xi32, #tpu.memory_space<hbm>> -> memref<1x8192xi32, #tpu.memory_space<hbm>>
    %dma_start3A_147 = tpu.memref_squeeze %dma_start3A_146 : memref<1x8192xi32, #tpu.memory_space<hbm>> -> memref<8192xi32, #tpu.memory_space<hbm>>
    tpu.enqueue_dma source(%dma_start3A_147 : memref<8192xi32, #tpu.memory_space<hbm>>) target(%arg10 : memref<8192xi32, #tpu.memory_space<vmem>>) target_semaphore(%arg20 : memref<!tpu.dma_semaphore, #tpu.memory_space<semaphore_mem>>)
    %dma_start3A_148 = arith.constant 2 : i32
    %dma_start3A_149 = tpu.memref_slice %arg2[%dma_start3A_148, %add3A_137] : memref<4x1048576xi32, #tpu.memory_space<hbm>> -> memref<1x8192xi32, #tpu.memory_space<hbm>>
    %dma_start3A_150 = tpu.memref_squeeze %dma_start3A_149 : memref<1x8192xi32, #tpu.memory_space<hbm>> -> memref<8192xi32, #tpu.memory_space<hbm>>
    %dma_start3A_151 = tpu.memref_slice %arg2[%dma_start3A_148, %add3A_137] : memref<4x1048576xi32, #tpu.memory_space<hbm>> -> memref<1x8192xi32, #tpu.memory_space<hbm>>
    %dma_start3A_152 = tpu.memref_squeeze %dma_start3A_151 : memref<1x8192xi32, #tpu.memory_space<hbm>> -> memref<8192xi32, #tpu.memory_space<hbm>>
    tpu.enqueue_dma source(%dma_start3A_152 : memref<8192xi32, #tpu.memory_space<hbm>>) target(%arg11 : memref<8192xi32, #tpu.memory_space<vmem>>) target_semaphore(%arg20 : memref<!tpu.dma_semaphore, #tpu.memory_space<semaphore_mem>>)
    %dma_start3A_153 = arith.constant 3 : i32
    %dma_start3A_154 = tpu.memref_slice %arg2[%dma_start3A_153, %add3A_137] : memref<4x1048576xi32, #tpu.memory_space<hbm>> -> memref<1x8192xi32, #tpu.memory_space<hbm>>
    %dma_start3A_155 = tpu.memref_squeeze %dma_start3A_154 : memref<1x8192xi32, #tpu.memory_space<hbm>> -> memref<8192xi32, #tpu.memory_space<hbm>>
    %dma_start3A_156 = tpu.memref_slice %arg2[%dma_start3A_153, %add3A_137] : memref<4x1048576xi32, #tpu.memory_space<hbm>> -> memref<1x8192xi32, #tpu.memory_space<hbm>>
    %dma_start3A_157 = tpu.memref_squeeze %dma_start3A_156 : memref<1x8192xi32, #tpu.memory_space<hbm>> -> memref<8192xi32, #tpu.memory_space<hbm>>
    tpu.enqueue_dma source(%dma_start3A_157 : memref<8192xi32, #tpu.memory_space<hbm>>) target(%arg12 : memref<8192xi32, #tpu.memory_space<vmem>>) target_semaphore(%arg20 : memref<!tpu.dma_semaphore, #tpu.memory_space<semaphore_mem>>)
    %add3A_158 = arith.constant 16384 : i32
    %add3A_159 = arith.addi %mul3A_2, %add3A_158 : i32
    %dma_wait3A_160 = arith.constant 0 : i32
    %dma_wait3A_161 = tpu.memref_slice %arg2[%dma_wait3A_160, %add3A_159] : memref<4x1048576xi32, #tpu.memory_space<hbm>> -> memref<1x8192xi32, #tpu.memory_space<hbm>>
    %dma_wait3A_162 = tpu.memref_squeeze %dma_wait3A_161 : memref<1x8192xi32, #tpu.memory_space<hbm>> -> memref<8192xi32, #tpu.memory_space<hbm>>
    %dma_wait3A_163 = tpu.memref_slice %arg2[%dma_wait3A_160, %add3A_159] : memref<4x1048576xi32, #tpu.memory_space<hbm>> -> memref<1x8192xi32, #tpu.memory_space<hbm>>
    %dma_wait3A_164 = tpu.memref_squeeze %dma_wait3A_163 : memref<1x8192xi32, #tpu.memory_space<hbm>> -> memref<8192xi32, #tpu.memory_space<hbm>>
    tpu.wait_dma2 semaphore(%arg19 : memref<!tpu.dma_semaphore, #tpu.memory_space<semaphore_mem>>) src(%dma_wait3A_164 : memref<8192xi32, #tpu.memory_space<hbm>>) dst(%arg5 : memref<8192xi32, #tpu.memory_space<vmem>>)
    %dma_wait3A_165 = arith.constant 1 : i32
    %dma_wait3A_166 = tpu.memref_slice %arg2[%dma_wait3A_165, %add3A_159] : memref<4x1048576xi32, #tpu.memory_space<hbm>> -> memref<1x8192xi32, #tpu.memory_space<hbm>>
    %dma_wait3A_167 = tpu.memref_squeeze %dma_wait3A_166 : memref<1x8192xi32, #tpu.memory_space<hbm>> -> memref<8192xi32, #tpu.memory_space<hbm>>
    %dma_wait3A_168 = tpu.memref_slice %arg2[%dma_wait3A_165, %add3A_159] : memref<4x1048576xi32, #tpu.memory_space<hbm>> -> memref<1x8192xi32, #tpu.memory_space<hbm>>
    %dma_wait3A_169 = tpu.memref_squeeze %dma_wait3A_168 : memref<1x8192xi32, #tpu.memory_space<hbm>> -> memref<8192xi32, #tpu.memory_space<hbm>>
    tpu.wait_dma2 semaphore(%arg19 : memref<!tpu.dma_semaphore, #tpu.memory_space<semaphore_mem>>) src(%dma_wait3A_169 : memref<8192xi32, #tpu.memory_space<hbm>>) dst(%arg6 : memref<8192xi32, #tpu.memory_space<vmem>>)
    %dma_wait3A_170 = arith.constant 2 : i32
    %dma_wait3A_171 = tpu.memref_slice %arg2[%dma_wait3A_170, %add3A_159] : memref<4x1048576xi32, #tpu.memory_space<hbm>> -> memref<1x8192xi32, #tpu.memory_space<hbm>>
    %dma_wait3A_172 = tpu.memref_squeeze %dma_wait3A_171 : memref<1x8192xi32, #tpu.memory_space<hbm>> -> memref<8192xi32, #tpu.memory_space<hbm>>
    %dma_wait3A_173 = tpu.memref_slice %arg2[%dma_wait3A_170, %add3A_159] : memref<4x1048576xi32, #tpu.memory_space<hbm>> -> memref<1x8192xi32, #tpu.memory_space<hbm>>
    %dma_wait3A_174 = tpu.memref_squeeze %dma_wait3A_173 : memref<1x8192xi32, #tpu.memory_space<hbm>> -> memref<8192xi32, #tpu.memory_space<hbm>>
    tpu.wait_dma2 semaphore(%arg19 : memref<!tpu.dma_semaphore, #tpu.memory_space<semaphore_mem>>) src(%dma_wait3A_174 : memref<8192xi32, #tpu.memory_space<hbm>>) dst(%arg7 : memref<8192xi32, #tpu.memory_space<vmem>>)
    %dma_wait3A_175 = arith.constant 3 : i32
    %dma_wait3A_176 = tpu.memref_slice %arg2[%dma_wait3A_175, %add3A_159] : memref<4x1048576xi32, #tpu.memory_space<hbm>> -> memref<1x8192xi32, #tpu.memory_space<hbm>>
    %dma_wait3A_177 = tpu.memref_squeeze %dma_wait3A_176 : memref<1x8192xi32, #tpu.memory_space<hbm>> -> memref<8192xi32, #tpu.memory_space<hbm>>
    %dma_wait3A_178 = tpu.memref_slice %arg2[%dma_wait3A_175, %add3A_159] : memref<4x1048576xi32, #tpu.memory_space<hbm>> -> memref<1x8192xi32, #tpu.memory_space<hbm>>
    %dma_wait3A_179 = tpu.memref_squeeze %dma_wait3A_178 : memref<1x8192xi32, #tpu.memory_space<hbm>> -> memref<8192xi32, #tpu.memory_space<hbm>>
    tpu.wait_dma2 semaphore(%arg19 : memref<!tpu.dma_semaphore, #tpu.memory_space<semaphore_mem>>) src(%dma_wait3A_179 : memref<8192xi32, #tpu.memory_space<hbm>>) dst(%arg8 : memref<8192xi32, #tpu.memory_space<vmem>>)
    %sub3A = arith.constant 16384 : i32
    %sub3A_180 = arith.subi %add3A_135, %sub3A : i32
    %dma_wait3A_181 = tpu.memref_slice %arg4[%sub3A_180] : memref<1048576xf32, #tpu.memory_space<hbm>> -> memref<8192xf32, #tpu.memory_space<hbm>>
    %dma_wait3A_182 = tpu.memref_slice %arg4[%sub3A_180] : memref<1048576xf32, #tpu.memory_space<hbm>> -> memref<8192xf32, #tpu.memory_space<hbm>>
    tpu.wait_dma2 semaphore(%arg21 : memref<!tpu.dma_semaphore, #tpu.memory_space<semaphore_mem>>) src(%arg15 : memref<8192xf32, #tpu.memory_space<vmem>>) dst(%dma_wait3A_182 : memref<8192xf32, #tpu.memory_space<hbm>>)
    %scan3A_183 = arith.constant 0 : i32
    %scan3A_184 = arith.constant 0 : i32
    %scan3A_185 = arith.constant 64 : i32
    %scan3A_186 = arith.addi %scan3A_184, %scan3A_185 : i32
    %scan3A_187 = arith.constant 1 : i32
    scf.for %scan3A_255 = %scan3A_184 to %scan3A_186 step %scan3A_187  : i32 {
      %mul3A_256 = arith.constant 128 : i32
      %mul3A_257 = arith.muli %scan3A_255, %mul3A_256 : i32
      %add3A_258 = arith.constant 0 : i32
      %add3A_259 = arith.addi %mul3A_257, %add3A_258 : i32
      %get3A = arith.index_cast %add3A_259 : i32 to index
      %get3A_260 = tpu.vector_load %arg6[%get3A] {strides = array<i32>} : memref<8192xi32, #tpu.memory_space<vmem>>, vector<16xi32>,
      %get3A_261 = vector.shape_cast %get3A_260 : vector<16xi32> to vector<16xi32>
      %xor3A = arith.constant 1 : i32
      %xor3A_262 = vector.broadcast %xor3A : i32 to vector<16xi32>
      %xor3A_263 = arith.xori %get3A_261, %xor3A_262 : vector<16xi32>
      %get3A_264 = arith.index_cast %add3A_259 : i32 to index
      %get3A_265 = tpu.vector_load %arg7[%get3A_264] {strides = array<i32>} : memref<8192xi32, #tpu.memory_space<vmem>>, vector<16xi32>,
      %get3A_266 = vector.shape_cast %get3A_265 : vector<16xi32> to vector<16xi32>
      %mul3A_267 = arith.constant -1640531535 : i32
      %mul3A_268 = vector.broadcast %mul3A_267 : i32 to vector<16xi32>
      %mul3A_269 = arith.muli %get3A_266, %mul3A_268 : vector<16xi32>
      %xor3A_270 = arith.xori %xor3A_263, %mul3A_269 : vector<16xi32>
      %get3A_271 = arith.index_cast %add3A_259 : i32 to index
      %get3A_272 = tpu.vector_load %arg8[%get3A_271] {strides = array<i32>} : memref<8192xi32, #tpu.memory_space<vmem>>, vector<16xi32>,
      %get3A_273 = vector.shape_cast %get3A_272 : vector<16xi32> to vector<16xi32>
      %mul3A_274 = arith.constant 805459861 : i32
      %mul3A_275 = vector.broadcast %mul3A_274 : i32 to vector<16xi32>
      %mul3A_276 = arith.muli %get3A_273, %mul3A_275 : vector<16xi32>
      %xor3A_277 = arith.xori %xor3A_270, %mul3A_276 : vector<16xi32>
      %and3A = arith.constant 65535 : i32
      %and3A_278 = vector.broadcast %and3A : i32 to vector<16xi32>
      %and3A_279 = arith.andi %xor3A_277, %and3A_278 : vector<16xi32>
      %get3A_280 = arith.index_cast %add3A_259 : i32 to index
      %get3A_281 = tpu.vector_load %arg5[%get3A_280] {strides = array<i32>} : memref<8192xi32, #tpu.memory_space<vmem>>, vector<16xi32>,
      %get3A_282 = vector.shape_cast %get3A_281 : vector<16xi32> to vector<16xi32>
      %shift_right_arithmetic3A = arith.constant 3 : i32
      %shift_right_arithmetic3A_283 = vector.broadcast %shift_right_arithmetic3A : i32 to vector<16xi32>
      %shift_right_arithmetic3A_284 = arith.shrsi %get3A_282, %shift_right_arithmetic3A_283 : vector<16xi32>
      %shift_left3A = arith.constant 19 : i32
      %shift_left3A_285 = vector.broadcast %shift_left3A : i32 to vector<16xi32>
      %shift_left3A_286 = arith.shli %shift_right_arithmetic3A_284, %shift_left3A_285 : vector<16xi32>
      %shift_right_arithmetic3A_287 = arith.constant 7 : i32
      %shift_right_arithmetic3A_288 = vector.broadcast %shift_right_arithmetic3A_287 : i32 to vector<16xi32>
      %shift_right_arithmetic3A_289 = arith.shrsi %and3A_279, %shift_right_arithmetic3A_288 : vector<16xi32>
      %shift_left3A_290 = arith.constant 10 : i32
      %shift_left3A_291 = vector.broadcast %shift_left3A_290 : i32 to vector<16xi32>
      %shift_left3A_292 = arith.shli %shift_right_arithmetic3A_289, %shift_left3A_291 : vector<16xi32>
      %or3A = arith.ori %shift_left3A_286, %shift_left3A_292 : vector<16xi32>
      %and3A_293 = arith.constant 7 : i32
      %and3A_294 = vector.broadcast %and3A_293 : i32 to vector<16xi32>
      %and3A_295 = arith.andi %get3A_282, %and3A_294 : vector<16xi32>
      %shift_left3A_296 = arith.constant 7 : i32
      %shift_left3A_297 = vector.broadcast %shift_left3A_296 : i32 to vector<16xi32>
      %shift_left3A_298 = arith.shli %and3A_295, %shift_left3A_297 : vector<16xi32>
      %or3A_299 = arith.ori %or3A, %shift_left3A_298 : vector<16xi32>
      %and3A_300 = arith.constant 127 : i32
      %and3A_301 = vector.broadcast %and3A_300 : i32 to vector<16xi32>
      %and3A_302 = arith.andi %and3A_279, %and3A_301 : vector<16xi32>
      %or3A_303 = arith.ori %or3A_299, %and3A_302 : vector<16xi32>
      %swap3A = arith.index_cast %add3A_259 : i32 to index
      %swap3A_304 = tpu.vector_load %arg13[%swap3A] {strides = array<i32>} : memref<8192xi32, #tpu.memory_space<vmem>>, vector<16xi32>,
      %swap3A_305 = vector.shape_cast %swap3A_304 : vector<16xi32> to vector<16xi32>
      %swap3A_306 = vector.shape_cast %or3A_303 : vector<16xi32> to vector<16xi32>
      tpu.vector_store %arg13[%swap3A], %swap3A_306 {strides = array<i32>} : memref<8192xi32, #tpu.memory_space<vmem>>, vector<16xi32>,
      %mul3A_307 = arith.constant 128 : i32
      %mul3A_308 = arith.muli %scan3A_255, %mul3A_307 : i32
      %add3A_309 = arith.constant 16 : i32
      %add3A_310 = arith.addi %mul3A_308, %add3A_309 : i32
      %get3A_311 = arith.index_cast %add3A_310 : i32 to index
      %get3A_312 = tpu.vector_load %arg6[%get3A_311] {strides = array<i32>} : memref<8192xi32, #tpu.memory_space<vmem>>, vector<16xi32>,
      %get3A_313 = vector.shape_cast %get3A_312 : vector<16xi32> to vector<16xi32>
      %xor3A_314 = arith.constant 1 : i32
      %xor3A_315 = vector.broadcast %xor3A_314 : i32 to vector<16xi32>
      %xor3A_316 = arith.xori %get3A_313, %xor3A_315 : vector<16xi32>
      %get3A_317 = arith.index_cast %add3A_310 : i32 to index
      %get3A_318 = tpu.vector_load %arg7[%get3A_317] {strides = array<i32>} : memref<8192xi32, #tpu.memory_space<vmem>>, vector<16xi32>,
      %get3A_319 = vector.shape_cast %get3A_318 : vector<16xi32> to vector<16xi32>
      %mul3A_320 = arith.constant -1640531535 : i32
      %mul3A_321 = vector.broadcast %mul3A_320 : i32 to vector<16xi32>
      %mul3A_322 = arith.muli %get3A_319, %mul3A_321 : vector<16xi32>
      %xor3A_323 = arith.xori %xor3A_316, %mul3A_322 : vector<16xi32>
      %get3A_324 = arith.index_cast %add3A_310 : i32 to index
      %get3A_325 = tpu.vector_load %arg8[%get3A_324] {strides = array<i32>} : memref<8192xi32, #tpu.memory_space<vmem>>, vector<16xi32>,
      %get3A_326 = vector.shape_cast %get3A_325 : vector<16xi32> to vector<16xi32>
      %mul3A_327 = arith.constant 805459861 : i32
      %mul3A_328 = vector.broadcast %mul3A_327 : i32 to vector<16xi32>
      %mul3A_329 = arith.muli %get3A_326, %mul3A_328 : vector<16xi32>
      %xor3A_330 = arith.xori %xor3A_323, %mul3A_329 : vector<16xi32>
      %and3A_331 = arith.constant 65535 : i32
      %and3A_332 = vector.broadcast %and3A_331 : i32 to vector<16xi32>
      %and3A_333 = arith.andi %xor3A_330, %and3A_332 : vector<16xi32>
      %get3A_334 = arith.index_cast %add3A_310 : i32 to index
      %get3A_335 = tpu.vector_load %arg5[%get3A_334] {strides = array<i32>} : memref<8192xi32, #tpu.memory_space<vmem>>, vector<16xi32>,
      %get3A_336 = vector.shape_cast %get3A_335 : vector<16xi32> to vector<16xi32>
      %shift_right_arithmetic3A_337 = arith.constant 3 : i32
      %shift_right_arithmetic3A_338 = vector.broadcast %shift_right_arithmetic3A_337 : i32 to vector<16xi32>
      %shift_right_arithmetic3A_339 = arith.shrsi %get3A_336, %shift_right_arithmetic3A_338 : vector<16xi32>
      %shift_left3A_340 = arith.constant 19 : i32
      %shift_left3A_341 = vector.broadcast %shift_left3A_340 : i32 to vector<16xi32>
      %shift_left3A_342 = arith.shli %shift_right_arithmetic3A_339, %shift_left3A_341 : vector<16xi32>
      %shift_right_arithmetic3A_343 = arith.constant 7 : i32
      %shift_right_arithmetic3A_344 = vector.broadcast %shift_right_arithmetic3A_343 : i32 to vector<16xi32>
      %shift_right_arithmetic3A_345 = arith.shrsi %and3A_333, %shift_right_arithmetic3A_344 : vector<16xi32>
      %shift_left3A_346 = arith.constant 10 : i32
      %shift_left3A_347 = vector.broadcast %shift_left3A_346 : i32 to vector<16xi32>
      %shift_left3A_348 = arith.shli %shift_right_arithmetic3A_345, %shift_left3A_347 : vector<16xi32>
      %or3A_349 = arith.ori %shift_left3A_342, %shift_left3A_348 : vector<16xi32>
      %and3A_350 = arith.constant 7 : i32
      %and3A_351 = vector.broadcast %and3A_350 : i32 to vector<16xi32>
      %and3A_352 = arith.andi %get3A_336, %and3A_351 : vector<16xi32>
      %shift_left3A_353 = arith.constant 7 : i32
      %shift_left3A_354 = vector.broadcast %shift_left3A_353 : i32 to vector<16xi32>
      %shift_left3A_355 = arith.shli %and3A_352, %shift_left3A_354 : vector<16xi32>
      %or3A_356 = arith.ori %or3A_349, %shift_left3A_355 : vector<16xi32>
      %and3A_357 = arith.constant 127 : i32
      %and3A_358 = vector.broadcast %and3A_357 : i32 to vector<16xi32>
      %and3A_359 = arith.andi %and3A_333, %and3A_358 : vector<16xi32>
      %or3A_360 = arith.ori %or3A_356, %and3A_359 : vector<16xi32>
      %swap3A_361 = arith.index_cast %add3A_310 : i32 to index
      %swap3A_362 = tpu.vector_load %arg13[%swap3A_361] {strides = array<i32>} : memref<8192xi32, #tpu.memory_space<vmem>>, vector<16xi32>,
      %swap3A_363 = vector.shape_cast %swap3A_362 : vector<16xi32> to vector<16xi32>
      %swap3A_364 = vector.shape_cast %or3A_360 : vector<16xi32> to vector<16xi32>
      tpu.vector_store %arg13[%swap3A_361], %swap3A_364 {strides = array<i32>} : memref<8192xi32, #tpu.memory_space<vmem>>, vector<16xi32>,
      %mul3A_365 = arith.constant 128 : i32
      %mul3A_366 = arith.muli %scan3A_255, %mul3A_365 : i32
      %add3A_367 = arith.constant 32 : i32
      %add3A_368 = arith.addi %mul3A_366, %add3A_367 : i32
      %get3A_369 = arith.index_cast %add3A_368 : i32 to index
      %get3A_370 = tpu.vector_load %arg6[%get3A_369] {strides = array<i32>} : memref<8192xi32, #tpu.memory_space<vmem>>, vector<16xi32>,
      %get3A_371 = vector.shape_cast %get3A_370 : vector<16xi32> to vector<16xi32>
      %xor3A_372 = arith.constant 1 : i32
      %xor3A_373 = vector.broadcast %xor3A_372 : i32 to vector<16xi32>
      %xor3A_374 = arith.xori %get3A_371, %xor3A_373 : vector<16xi32>
      %get3A_375 = arith.index_cast %add3A_368 : i32 to index
      %get3A_376 = tpu.vector_load %arg7[%get3A_375] {strides = array<i32>} : memref<8192xi32, #tpu.memory_space<vmem>>, vector<16xi32>,
      %get3A_377 = vector.shape_cast %get3A_376 : vector<16xi32> to vector<16xi32>
      %mul3A_378 = arith.constant -1640531535 : i32
      %mul3A_379 = vector.broadcast %mul3A_378 : i32 to vector<16xi32>
      %mul3A_380 = arith.muli %get3A_377, %mul3A_379 : vector<16xi32>
      %xor3A_381 = arith.xori %xor3A_374, %mul3A_380 : vector<16xi32>
      %get3A_382 = arith.index_cast %add3A_368 : i32 to index
      %get3A_383 = tpu.vector_load %arg8[%get3A_382] {strides = array<i32>} : memref<8192xi32, #tpu.memory_space<vmem>>, vector<16xi32>,
      %get3A_384 = vector.shape_cast %get3A_383 : vector<16xi32> to vector<16xi32>
      %mul3A_385 = arith.constant 805459861 : i32
      %mul3A_386 = vector.broadcast %mul3A_385 : i32 to vector<16xi32>
      %mul3A_387 = arith.muli %get3A_384, %mul3A_386 : vector<16xi32>
      %xor3A_388 = arith.xori %xor3A_381, %mul3A_387 : vector<16xi32>
      %and3A_389 = arith.constant 65535 : i32
      %and3A_390 = vector.broadcast %and3A_389 : i32 to vector<16xi32>
      %and3A_391 = arith.andi %xor3A_388, %and3A_390 : vector<16xi32>
      %get3A_392 = arith.index_cast %add3A_368 : i32 to index
      %get3A_393 = tpu.vector_load %arg5[%get3A_392] {strides = array<i32>} : memref<8192xi32, #tpu.memory_space<vmem>>, vector<16xi32>,
      %get3A_394 = vector.shape_cast %get3A_393 : vector<16xi32> to vector<16xi32>
      %shift_right_arithmetic3A_395 = arith.constant 3 : i32
      %shift_right_arithmetic3A_396 = vector.broadcast %shift_right_arithmetic3A_395 : i32 to vector<16xi32>
      %shift_right_arithmetic3A_397 = arith.shrsi %get3A_394, %shift_right_arithmetic3A_396 : vector<16xi32>
      %shift_left3A_398 = arith.constant 19 : i32
      %shift_left3A_399 = vector.broadcast %shift_left3A_398 : i32 to vector<16xi32>
      %shift_left3A_400 = arith.shli %shift_right_arithmetic3A_397, %shift_left3A_399 : vector<16xi32>
      %shift_right_arithmetic3A_401 = arith.constant 7 : i32
      %shift_right_arithmetic3A_402 = vector.broadcast %shift_right_arithmetic3A_401 : i32 to vector<16xi32>
      %shift_right_arithmetic3A_403 = arith.shrsi %and3A_391, %shift_right_arithmetic3A_402 : vector<16xi32>
      %shift_left3A_404 = arith.constant 10 : i32
      %shift_left3A_405 = vector.broadcast %shift_left3A_404 : i32 to vector<16xi32>
      %shift_left3A_406 = arith.shli %shift_right_arithmetic3A_403, %shift_left3A_405 : vector<16xi32>
      %or3A_407 = arith.ori %shift_left3A_400, %shift_left3A_406 : vector<16xi32>
      %and3A_408 = arith.constant 7 : i32
      %and3A_409 = vector.broadcast %and3A_408 : i32 to vector<16xi32>
      %and3A_410 = arith.andi %get3A_394, %and3A_409 : vector<16xi32>
      %shift_left3A_411 = arith.constant 7 : i32
      %shift_left3A_412 = vector.broadcast %shift_left3A_411 : i32 to vector<16xi32>
      %shift_left3A_413 = arith.shli %and3A_410, %shift_left3A_412 : vector<16xi32>
      %or3A_414 = arith.ori %or3A_407, %shift_left3A_413 : vector<16xi32>
      %and3A_415 = arith.constant 127 : i32
      %and3A_416 = vector.broadcast %and3A_415 : i32 to vector<16xi32>
      %and3A_417 = arith.andi %and3A_391, %and3A_416 : vector<16xi32>
      %or3A_418 = arith.ori %or3A_414, %and3A_417 : vector<16xi32>
      %swap3A_419 = arith.index_cast %add3A_368 : i32 to index
      %swap3A_420 = tpu.vector_load %arg13[%swap3A_419] {strides = array<i32>} : memref<8192xi32, #tpu.memory_space<vmem>>, vector<16xi32>,
      %swap3A_421 = vector.shape_cast %swap3A_420 : vector<16xi32> to vector<16xi32>
      %swap3A_422 = vector.shape_cast %or3A_418 : vector<16xi32> to vector<16xi32>
      tpu.vector_store %arg13[%swap3A_419], %swap3A_422 {strides = array<i32>} : memref<8192xi32, #tpu.memory_space<vmem>>, vector<16xi32>,
      %mul3A_423 = arith.constant 128 : i32
      %mul3A_424 = arith.muli %scan3A_255, %mul3A_423 : i32
      %add3A_425 = arith.constant 48 : i32
      %add3A_426 = arith.addi %mul3A_424, %add3A_425 : i32
      %get3A_427 = arith.index_cast %add3A_426 : i32 to index
      %get3A_428 = tpu.vector_load %arg6[%get3A_427] {strides = array<i32>} : memref<8192xi32, #tpu.memory_space<vmem>>, vector<16xi32>,
      %get3A_429 = vector.shape_cast %get3A_428 : vector<16xi32> to vector<16xi32>
      %xor3A_430 = arith.constant 1 : i32
      %xor3A_431 = vector.broadcast %xor3A_430 : i32 to vector<16xi32>
      %xor3A_432 = arith.xori %get3A_429, %xor3A_431 : vector<16xi32>
      %get3A_433 = arith.index_cast %add3A_426 : i32 to index
      %get3A_434 = tpu.vector_load %arg7[%get3A_433] {strides = array<i32>} : memref<8192xi32, #tpu.memory_space<vmem>>, vector<16xi32>,
      %get3A_435 = vector.shape_cast %get3A_434 : vector<16xi32> to vector<16xi32>
      %mul3A_436 = arith.constant -1640531535 : i32
      %mul3A_437 = vector.broadcast %mul3A_436 : i32 to vector<16xi32>
      %mul3A_438 = arith.muli %get3A_435, %mul3A_437 : vector<16xi32>
      %xor3A_439 = arith.xori %xor3A_432, %mul3A_438 : vector<16xi32>
      %get3A_440 = arith.index_cast %add3A_426 : i32 to index
      %get3A_441 = tpu.vector_load %arg8[%get3A_440] {strides = array<i32>} : memref<8192xi32, #tpu.memory_space<vmem>>, vector<16xi32>,
      %get3A_442 = vector.shape_cast %get3A_441 : vector<16xi32> to vector<16xi32>
      %mul3A_443 = arith.constant 805459861 : i32
      %mul3A_444 = vector.broadcast %mul3A_443 : i32 to vector<16xi32>
      %mul3A_445 = arith.muli %get3A_442, %mul3A_444 : vector<16xi32>
      %xor3A_446 = arith.xori %xor3A_439, %mul3A_445 : vector<16xi32>
      %and3A_447 = arith.constant 65535 : i32
      %and3A_448 = vector.broadcast %and3A_447 : i32 to vector<16xi32>
      %and3A_449 = arith.andi %xor3A_446, %and3A_448 : vector<16xi32>
      %get3A_450 = arith.index_cast %add3A_426 : i32 to index
      %get3A_451 = tpu.vector_load %arg5[%get3A_450] {strides = array<i32>} : memref<8192xi32, #tpu.memory_space<vmem>>, vector<16xi32>,
      %get3A_452 = vector.shape_cast %get3A_451 : vector<16xi32> to vector<16xi32>
      %shift_right_arithmetic3A_453 = arith.constant 3 : i32
      %shift_right_arithmetic3A_454 = vector.broadcast %shift_right_arithmetic3A_453 : i32 to vector<16xi32>
      %shift_right_arithmetic3A_455 = arith.shrsi %get3A_452, %shift_right_arithmetic3A_454 : vector<16xi32>
      %shift_left3A_456 = arith.constant 19 : i32
      %shift_left3A_457 = vector.broadcast %shift_left3A_456 : i32 to vector<16xi32>
      %shift_left3A_458 = arith.shli %shift_right_arithmetic3A_455, %shift_left3A_457 : vector<16xi32>
      %shift_right_arithmetic3A_459 = arith.constant 7 : i32
      %shift_right_arithmetic3A_460 = vector.broadcast %shift_right_arithmetic3A_459 : i32 to vector<16xi32>
      %shift_right_arithmetic3A_461 = arith.shrsi %and3A_449, %shift_right_arithmetic3A_460 : vector<16xi32>
      %shift_left3A_462 = arith.constant 10 : i32
      %shift_left3A_463 = vector.broadcast %shift_left3A_462 : i32 to vector<16xi32>
      %shift_left3A_464 = arith.shli %shift_right_arithmetic3A_461, %shift_left3A_463 : vector<16xi32>
      %or3A_465 = arith.ori %shift_left3A_458, %shift_left3A_464 : vector<16xi32>
      %and3A_466 = arith.constant 7 : i32
      %and3A_467 = vector.broadcast %and3A_466 : i32 to vector<16xi32>
      %and3A_468 = arith.andi %get3A_452, %and3A_467 : vector<16xi32>
      %shift_left3A_469 = arith.constant 7 : i32
      %shift_left3A_470 = vector.broadcast %shift_left3A_469 : i32 to vector<16xi32>
      %shift_left3A_471 = arith.shli %and3A_468, %shift_left3A_470 : vector<16xi32>
      %or3A_472 = arith.ori %or3A_465, %shift_left3A_471 : vector<16xi32>
      %and3A_473 = arith.constant 127 : i32
      %and3A_474 = vector.broadcast %and3A_473 : i32 to vector<16xi32>
      %and3A_475 = arith.andi %and3A_449, %and3A_474 : vector<16xi32>
      %or3A_476 = arith.ori %or3A_472, %and3A_475 : vector<16xi32>
      %swap3A_477 = arith.index_cast %add3A_426 : i32 to index
      %swap3A_478 = tpu.vector_load %arg13[%swap3A_477] {strides = array<i32>} : memref<8192xi32, #tpu.memory_space<vmem>>, vector<16xi32>,
      %swap3A_479 = vector.shape_cast %swap3A_478 : vector<16xi32> to vector<16xi32>
      %swap3A_480 = vector.shape_cast %or3A_476 : vector<16xi32> to vector<16xi32>
      tpu.vector_store %arg13[%swap3A_477], %swap3A_480 {strides = array<i32>} : memref<8192xi32, #tpu.memory_space<vmem>>, vector<16xi32>,
      %mul3A_481 = arith.constant 128 : i32
      %mul3A_482 = arith.muli %scan3A_255, %mul3A_481 : i32
      %add3A_483 = arith.constant 64 : i32
      %add3A_484 = arith.addi %mul3A_482, %add3A_483 : i32
      %get3A_485 = arith.index_cast %add3A_484 : i32 to index
      %get3A_486 = tpu.vector_load %arg6[%get3A_485] {strides = array<i32>} : memref<8192xi32, #tpu.memory_space<vmem>>, vector<16xi32>,
      %get3A_487 = vector.shape_cast %get3A_486 : vector<16xi32> to vector<16xi32>
      %xor3A_488 = arith.constant 1 : i32
      %xor3A_489 = vector.broadcast %xor3A_488 : i32 to vector<16xi32>
      %xor3A_490 = arith.xori %get3A_487, %xor3A_489 : vector<16xi32>
      %get3A_491 = arith.index_cast %add3A_484 : i32 to index
      %get3A_492 = tpu.vector_load %arg7[%get3A_491] {strides = array<i32>} : memref<8192xi32, #tpu.memory_space<vmem>>, vector<16xi32>,
      %get3A_493 = vector.shape_cast %get3A_492 : vector<16xi32> to vector<16xi32>
      %mul3A_494 = arith.constant -1640531535 : i32
      %mul3A_495 = vector.broadcast %mul3A_494 : i32 to vector<16xi32>
      %mul3A_496 = arith.muli %get3A_493, %mul3A_495 : vector<16xi32>
      %xor3A_497 = arith.xori %xor3A_490, %mul3A_496 : vector<16xi32>
      %get3A_498 = arith.index_cast %add3A_484 : i32 to index
      %get3A_499 = tpu.vector_load %arg8[%get3A_498] {strides = array<i32>} : memref<8192xi32, #tpu.memory_space<vmem>>, vector<16xi32>,
      %get3A_500 = vector.shape_cast %get3A_499 : vector<16xi32> to vector<16xi32>
      %mul3A_501 = arith.constant 805459861 : i32
      %mul3A_502 = vector.broadcast %mul3A_501 : i32 to vector<16xi32>
      %mul3A_503 = arith.muli %get3A_500, %mul3A_502 : vector<16xi32>
      %xor3A_504 = arith.xori %xor3A_497, %mul3A_503 : vector<16xi32>
      %and3A_505 = arith.constant 65535 : i32
      %and3A_506 = vector.broadcast %and3A_505 : i32 to vector<16xi32>
      %and3A_507 = arith.andi %xor3A_504, %and3A_506 : vector<16xi32>
      %get3A_508 = arith.index_cast %add3A_484 : i32 to index
      %get3A_509 = tpu.vector_load %arg5[%get3A_508] {strides = array<i32>} : memref<8192xi32, #tpu.memory_space<vmem>>, vector<16xi32>,
      %get3A_510 = vector.shape_cast %get3A_509 : vector<16xi32> to vector<16xi32>
      %shift_right_arithmetic3A_511 = arith.constant 3 : i32
      %shift_right_arithmetic3A_512 = vector.broadcast %shift_right_arithmetic3A_511 : i32 to vector<16xi32>
      %shift_right_arithmetic3A_513 = arith.shrsi %get3A_510, %shift_right_arithmetic3A_512 : vector<16xi32>
      %shift_left3A_514 = arith.constant 19 : i32
      %shift_left3A_515 = vector.broadcast %shift_left3A_514 : i32 to vector<16xi32>
      %shift_left3A_516 = arith.shli %shift_right_arithmetic3A_513, %shift_left3A_515 : vector<16xi32>
      %shift_right_arithmetic3A_517 = arith.constant 7 : i32
      %shift_right_arithmetic3A_518 = vector.broadcast %shift_right_arithmetic3A_517 : i32 to vector<16xi32>
      %shift_right_arithmetic3A_519 = arith.shrsi %and3A_507, %shift_right_arithmetic3A_518 : vector<16xi32>
      %shift_left3A_520 = arith.constant 10 : i32
      %shift_left3A_521 = vector.broadcast %shift_left3A_520 : i32 to vector<16xi32>
      %shift_left3A_522 = arith.shli %shift_right_arithmetic3A_519, %shift_left3A_521 : vector<16xi32>
      %or3A_523 = arith.ori %shift_left3A_516, %shift_left3A_522 : vector<16xi32>
      %and3A_524 = arith.constant 7 : i32
      %and3A_525 = vector.broadcast %and3A_524 : i32 to vector<16xi32>
      %and3A_526 = arith.andi %get3A_510, %and3A_525 : vector<16xi32>
      %shift_left3A_527 = arith.constant 7 : i32
      %shift_left3A_528 = vector.broadcast %shift_left3A_527 : i32 to vector<16xi32>
      %shift_left3A_529 = arith.shli %and3A_526, %shift_left3A_528 : vector<16xi32>
      %or3A_530 = arith.ori %or3A_523, %shift_left3A_529 : vector<16xi32>
      %and3A_531 = arith.constant 127 : i32
      %and3A_532 = vector.broadcast %and3A_531 : i32 to vector<16xi32>
      %and3A_533 = arith.andi %and3A_507, %and3A_532 : vector<16xi32>
      %or3A_534 = arith.ori %or3A_530, %and3A_533 : vector<16xi32>
      %swap3A_535 = arith.index_cast %add3A_484 : i32 to index
      %swap3A_536 = tpu.vector_load %arg13[%swap3A_535] {strides = array<i32>} : memref<8192xi32, #tpu.memory_space<vmem>>, vector<16xi32>,
      %swap3A_537 = vector.shape_cast %swap3A_536 : vector<16xi32> to vector<16xi32>
      %swap3A_538 = vector.shape_cast %or3A_534 : vector<16xi32> to vector<16xi32>
      tpu.vector_store %arg13[%swap3A_535], %swap3A_538 {strides = array<i32>} : memref<8192xi32, #tpu.memory_space<vmem>>, vector<16xi32>,
      %mul3A_539 = arith.constant 128 : i32
      %mul3A_540 = arith.muli %scan3A_255, %mul3A_539 : i32
      %add3A_541 = arith.constant 80 : i32
      %add3A_542 = arith.addi %mul3A_540, %add3A_541 : i32
      %get3A_543 = arith.index_cast %add3A_542 : i32 to index
      %get3A_544 = tpu.vector_load %arg6[%get3A_543] {strides = array<i32>} : memref<8192xi32, #tpu.memory_space<vmem>>, vector<16xi32>,
      %get3A_545 = vector.shape_cast %get3A_544 : vector<16xi32> to vector<16xi32>
      %xor3A_546 = arith.constant 1 : i32
      %xor3A_547 = vector.broadcast %xor3A_546 : i32 to vector<16xi32>
      %xor3A_548 = arith.xori %get3A_545, %xor3A_547 : vector<16xi32>
      %get3A_549 = arith.index_cast %add3A_542 : i32 to index
      %get3A_550 = tpu.vector_load %arg7[%get3A_549] {strides = array<i32>} : memref<8192xi32, #tpu.memory_space<vmem>>, vector<16xi32>,
      %get3A_551 = vector.shape_cast %get3A_550 : vector<16xi32> to vector<16xi32>
      %mul3A_552 = arith.constant -1640531535 : i32
      %mul3A_553 = vector.broadcast %mul3A_552 : i32 to vector<16xi32>
      %mul3A_554 = arith.muli %get3A_551, %mul3A_553 : vector<16xi32>
      %xor3A_555 = arith.xori %xor3A_548, %mul3A_554 : vector<16xi32>
      %get3A_556 = arith.index_cast %add3A_542 : i32 to index
      %get3A_557 = tpu.vector_load %arg8[%get3A_556] {strides = array<i32>} : memref<8192xi32, #tpu.memory_space<vmem>>, vector<16xi32>,
      %get3A_558 = vector.shape_cast %get3A_557 : vector<16xi32> to vector<16xi32>
      %mul3A_559 = arith.constant 805459861 : i32
      %mul3A_560 = vector.broadcast %mul3A_559 : i32 to vector<16xi32>
      %mul3A_561 = arith.muli %get3A_558, %mul3A_560 : vector<16xi32>
      %xor3A_562 = arith.xori %xor3A_555, %mul3A_561 : vector<16xi32>
      %and3A_563 = arith.constant 65535 : i32
      %and3A_564 = vector.broadcast %and3A_563 : i32 to vector<16xi32>
      %and3A_565 = arith.andi %xor3A_562, %and3A_564 : vector<16xi32>
      %get3A_566 = arith.index_cast %add3A_542 : i32 to index
      %get3A_567 = tpu.vector_load %arg5[%get3A_566] {strides = array<i32>} : memref<8192xi32, #tpu.memory_space<vmem>>, vector<16xi32>,
      %get3A_568 = vector.shape_cast %get3A_567 : vector<16xi32> to vector<16xi32>
      %shift_right_arithmetic3A_569 = arith.constant 3 : i32
      %shift_right_arithmetic3A_570 = vector.broadcast %shift_right_arithmetic3A_569 : i32 to vector<16xi32>
      %shift_right_arithmetic3A_571 = arith.shrsi %get3A_568, %shift_right_arithmetic3A_570 : vector<16xi32>
      %shift_left3A_572 = arith.constant 19 : i32
      %shift_left3A_573 = vector.broadcast %shift_left3A_572 : i32 to vector<16xi32>
      %shift_left3A_574 = arith.shli %shift_right_arithmetic3A_571, %shift_left3A_573 : vector<16xi32>
      %shift_right_arithmetic3A_575 = arith.constant 7 : i32
      %shift_right_arithmetic3A_576 = vector.broadcast %shift_right_arithmetic3A_575 : i32 to vector<16xi32>
      %shift_right_arithmetic3A_577 = arith.shrsi %and3A_565, %shift_right_arithmetic3A_576 : vector<16xi32>
      %shift_left3A_578 = arith.constant 10 : i32
      %shift_left3A_579 = vector.broadcast %shift_left3A_578 : i32 to vector<16xi32>
      %shift_left3A_580 = arith.shli %shift_right_arithmetic3A_577, %shift_left3A_579 : vector<16xi32>
      %or3A_581 = arith.ori %shift_left3A_574, %shift_left3A_580 : vector<16xi32>
      %and3A_582 = arith.constant 7 : i32
      %and3A_583 = vector.broadcast %and3A_582 : i32 to vector<16xi32>
      %and3A_584 = arith.andi %get3A_568, %and3A_583 : vector<16xi32>
      %shift_left3A_585 = arith.constant 7 : i32
      %shift_left3A_586 = vector.broadcast %shift_left3A_585 : i32 to vector<16xi32>
      %shift_left3A_587 = arith.shli %and3A_584, %shift_left3A_586 : vector<16xi32>
      %or3A_588 = arith.ori %or3A_581, %shift_left3A_587 : vector<16xi32>
      %and3A_589 = arith.constant 127 : i32
      %and3A_590 = vector.broadcast %and3A_589 : i32 to vector<16xi32>
      %and3A_591 = arith.andi %and3A_565, %and3A_590 : vector<16xi32>
      %or3A_592 = arith.ori %or3A_588, %and3A_591 : vector<16xi32>
      %swap3A_593 = arith.index_cast %add3A_542 : i32 to index
      %swap3A_594 = tpu.vector_load %arg13[%swap3A_593] {strides = array<i32>} : memref<8192xi32, #tpu.memory_space<vmem>>, vector<16xi32>,
      %swap3A_595 = vector.shape_cast %swap3A_594 : vector<16xi32> to vector<16xi32>
      %swap3A_596 = vector.shape_cast %or3A_592 : vector<16xi32> to vector<16xi32>
      tpu.vector_store %arg13[%swap3A_593], %swap3A_596 {strides = array<i32>} : memref<8192xi32, #tpu.memory_space<vmem>>, vector<16xi32>,
      %mul3A_597 = arith.constant 128 : i32
      %mul3A_598 = arith.muli %scan3A_255, %mul3A_597 : i32
      %add3A_599 = arith.constant 96 : i32
      %add3A_600 = arith.addi %mul3A_598, %add3A_599 : i32
      %get3A_601 = arith.index_cast %add3A_600 : i32 to index
      %get3A_602 = tpu.vector_load %arg6[%get3A_601] {strides = array<i32>} : memref<8192xi32, #tpu.memory_space<vmem>>, vector<16xi32>,
      %get3A_603 = vector.shape_cast %get3A_602 : vector<16xi32> to vector<16xi32>
      %xor3A_604 = arith.constant 1 : i32
      %xor3A_605 = vector.broadcast %xor3A_604 : i32 to vector<16xi32>
      %xor3A_606 = arith.xori %get3A_603, %xor3A_605 : vector<16xi32>
      %get3A_607 = arith.index_cast %add3A_600 : i32 to index
      %get3A_608 = tpu.vector_load %arg7[%get3A_607] {strides = array<i32>} : memref<8192xi32, #tpu.memory_space<vmem>>, vector<16xi32>,
      %get3A_609 = vector.shape_cast %get3A_608 : vector<16xi32> to vector<16xi32>
      %mul3A_610 = arith.constant -1640531535 : i32
      %mul3A_611 = vector.broadcast %mul3A_610 : i32 to vector<16xi32>
      %mul3A_612 = arith.muli %get3A_609, %mul3A_611 : vector<16xi32>
      %xor3A_613 = arith.xori %xor3A_606, %mul3A_612 : vector<16xi32>
      %get3A_614 = arith.index_cast %add3A_600 : i32 to index
      %get3A_615 = tpu.vector_load %arg8[%get3A_614] {strides = array<i32>} : memref<8192xi32, #tpu.memory_space<vmem>>, vector<16xi32>,
      %get3A_616 = vector.shape_cast %get3A_615 : vector<16xi32> to vector<16xi32>
      %mul3A_617 = arith.constant 805459861 : i32
      %mul3A_618 = vector.broadcast %mul3A_617 : i32 to vector<16xi32>
      %mul3A_619 = arith.muli %get3A_616, %mul3A_618 : vector<16xi32>
      %xor3A_620 = arith.xori %xor3A_613, %mul3A_619 : vector<16xi32>
      %and3A_621 = arith.constant 65535 : i32
      %and3A_622 = vector.broadcast %and3A_621 : i32 to vector<16xi32>
      %and3A_623 = arith.andi %xor3A_620, %and3A_622 : vector<16xi32>
      %get3A_624 = arith.index_cast %add3A_600 : i32 to index
      %get3A_625 = tpu.vector_load %arg5[%get3A_624] {strides = array<i32>} : memref<8192xi32, #tpu.memory_space<vmem>>, vector<16xi32>,
      %get3A_626 = vector.shape_cast %get3A_625 : vector<16xi32> to vector<16xi32>
      %shift_right_arithmetic3A_627 = arith.constant 3 : i32
      %shift_right_arithmetic3A_628 = vector.broadcast %shift_right_arithmetic3A_627 : i32 to vector<16xi32>
      %shift_right_arithmetic3A_629 = arith.shrsi %get3A_626, %shift_right_arithmetic3A_628 : vector<16xi32>
      %shift_left3A_630 = arith.constant 19 : i32
      %shift_left3A_631 = vector.broadcast %shift_left3A_630 : i32 to vector<16xi32>
      %shift_left3A_632 = arith.shli %shift_right_arithmetic3A_629, %shift_left3A_631 : vector<16xi32>
      %shift_right_arithmetic3A_633 = arith.constant 7 : i32
      %shift_right_arithmetic3A_634 = vector.broadcast %shift_right_arithmetic3A_633 : i32 to vector<16xi32>
      %shift_right_arithmetic3A_635 = arith.shrsi %and3A_623, %shift_right_arithmetic3A_634 : vector<16xi32>
      %shift_left3A_636 = arith.constant 10 : i32
      %shift_left3A_637 = vector.broadcast %shift_left3A_636 : i32 to vector<16xi32>
      %shift_left3A_638 = arith.shli %shift_right_arithmetic3A_635, %shift_left3A_637 : vector<16xi32>
      %or3A_639 = arith.ori %shift_left3A_632, %shift_left3A_638 : vector<16xi32>
      %and3A_640 = arith.constant 7 : i32
      %and3A_641 = vector.broadcast %and3A_640 : i32 to vector<16xi32>
      %and3A_642 = arith.andi %get3A_626, %and3A_641 : vector<16xi32>
      %shift_left3A_643 = arith.constant 7 : i32
      %shift_left3A_644 = vector.broadcast %shift_left3A_643 : i32 to vector<16xi32>
      %shift_left3A_645 = arith.shli %and3A_642, %shift_left3A_644 : vector<16xi32>
      %or3A_646 = arith.ori %or3A_639, %shift_left3A_645 : vector<16xi32>
      %and3A_647 = arith.constant 127 : i32
      %and3A_648 = vector.broadcast %and3A_647 : i32 to vector<16xi32>
      %and3A_649 = arith.andi %and3A_623, %and3A_648 : vector<16xi32>
      %or3A_650 = arith.ori %or3A_646, %and3A_649 : vector<16xi32>
      %swap3A_651 = arith.index_cast %add3A_600 : i32 to index
      %swap3A_652 = tpu.vector_load %arg13[%swap3A_651] {strides = array<i32>} : memref<8192xi32, #tpu.memory_space<vmem>>, vector<16xi32>,
      %swap3A_653 = vector.shape_cast %swap3A_652 : vector<16xi32> to vector<16xi32>
      %swap3A_654 = vector.shape_cast %or3A_650 : vector<16xi32> to vector<16xi32>
      tpu.vector_store %arg13[%swap3A_651], %swap3A_654 {strides = array<i32>} : memref<8192xi32, #tpu.memory_space<vmem>>, vector<16xi32>,
      %mul3A_655 = arith.constant 128 : i32
      %mul3A_656 = arith.muli %scan3A_255, %mul3A_655 : i32
      %add3A_657 = arith.constant 112 : i32
      %add3A_658 = arith.addi %mul3A_656, %add3A_657 : i32
      %get3A_659 = arith.index_cast %add3A_658 : i32 to index
      %get3A_660 = tpu.vector_load %arg6[%get3A_659] {strides = array<i32>} : memref<8192xi32, #tpu.memory_space<vmem>>, vector<16xi32>,
      %get3A_661 = vector.shape_cast %get3A_660 : vector<16xi32> to vector<16xi32>
      %xor3A_662 = arith.constant 1 : i32
      %xor3A_663 = vector.broadcast %xor3A_662 : i32 to vector<16xi32>
      %xor3A_664 = arith.xori %get3A_661, %xor3A_663 : vector<16xi32>
      %get3A_665 = arith.index_cast %add3A_658 : i32 to index
      %get3A_666 = tpu.vector_load %arg7[%get3A_665] {strides = array<i32>} : memref<8192xi32, #tpu.memory_space<vmem>>, vector<16xi32>,
      %get3A_667 = vector.shape_cast %get3A_666 : vector<16xi32> to vector<16xi32>
      %mul3A_668 = arith.constant -1640531535 : i32
      %mul3A_669 = vector.broadcast %mul3A_668 : i32 to vector<16xi32>
      %mul3A_670 = arith.muli %get3A_667, %mul3A_669 : vector<16xi32>
      %xor3A_671 = arith.xori %xor3A_664, %mul3A_670 : vector<16xi32>
      %get3A_672 = arith.index_cast %add3A_658 : i32 to index
      %get3A_673 = tpu.vector_load %arg8[%get3A_672] {strides = array<i32>} : memref<8192xi32, #tpu.memory_space<vmem>>, vector<16xi32>,
      %get3A_674 = vector.shape_cast %get3A_673 : vector<16xi32> to vector<16xi32>
      %mul3A_675 = arith.constant 805459861 : i32
      %mul3A_676 = vector.broadcast %mul3A_675 : i32 to vector<16xi32>
      %mul3A_677 = arith.muli %get3A_674, %mul3A_676 : vector<16xi32>
      %xor3A_678 = arith.xori %xor3A_671, %mul3A_677 : vector<16xi32>
      %and3A_679 = arith.constant 65535 : i32
      %and3A_680 = vector.broadcast %and3A_679 : i32 to vector<16xi32>
      %and3A_681 = arith.andi %xor3A_678, %and3A_680 : vector<16xi32>
      %get3A_682 = arith.index_cast %add3A_658 : i32 to index
      %get3A_683 = tpu.vector_load %arg5[%get3A_682] {strides = array<i32>} : memref<8192xi32, #tpu.memory_space<vmem>>, vector<16xi32>,
      %get3A_684 = vector.shape_cast %get3A_683 : vector<16xi32> to vector<16xi32>
      %shift_right_arithmetic3A_685 = arith.constant 3 : i32
      %shift_right_arithmetic3A_686 = vector.broadcast %shift_right_arithmetic3A_685 : i32 to vector<16xi32>
      %shift_right_arithmetic3A_687 = arith.shrsi %get3A_684, %shift_right_arithmetic3A_686 : vector<16xi32>
      %shift_left3A_688 = arith.constant 19 : i32
      %shift_left3A_689 = vector.broadcast %shift_left3A_688 : i32 to vector<16xi32>
      %shift_left3A_690 = arith.shli %shift_right_arithmetic3A_687, %shift_left3A_689 : vector<16xi32>
      %shift_right_arithmetic3A_691 = arith.constant 7 : i32
      %shift_right_arithmetic3A_692 = vector.broadcast %shift_right_arithmetic3A_691 : i32 to vector<16xi32>
      %shift_right_arithmetic3A_693 = arith.shrsi %and3A_681, %shift_right_arithmetic3A_692 : vector<16xi32>
      %shift_left3A_694 = arith.constant 10 : i32
      %shift_left3A_695 = vector.broadcast %shift_left3A_694 : i32 to vector<16xi32>
      %shift_left3A_696 = arith.shli %shift_right_arithmetic3A_693, %shift_left3A_695 : vector<16xi32>
      %or3A_697 = arith.ori %shift_left3A_690, %shift_left3A_696 : vector<16xi32>
      %and3A_698 = arith.constant 7 : i32
      %and3A_699 = vector.broadcast %and3A_698 : i32 to vector<16xi32>
      %and3A_700 = arith.andi %get3A_684, %and3A_699 : vector<16xi32>
      %shift_left3A_701 = arith.constant 7 : i32
      %shift_left3A_702 = vector.broadcast %shift_left3A_701 : i32 to vector<16xi32>
      %shift_left3A_703 = arith.shli %and3A_700, %shift_left3A_702 : vector<16xi32>
      %or3A_704 = arith.ori %or3A_697, %shift_left3A_703 : vector<16xi32>
      %and3A_705 = arith.constant 127 : i32
      %and3A_706 = vector.broadcast %and3A_705 : i32 to vector<16xi32>
      %and3A_707 = arith.andi %and3A_681, %and3A_706 : vector<16xi32>
      %or3A_708 = arith.ori %or3A_704, %and3A_707 : vector<16xi32>
      %swap3A_709 = arith.index_cast %add3A_658 : i32 to index
      %swap3A_710 = tpu.vector_load %arg13[%swap3A_709] {strides = array<i32>} : memref<8192xi32, #tpu.memory_space<vmem>>, vector<16xi32>,
      %swap3A_711 = vector.shape_cast %swap3A_710 : vector<16xi32> to vector<16xi32>
      %swap3A_712 = vector.shape_cast %or3A_708 : vector<16xi32> to vector<16xi32>
      tpu.vector_store %arg13[%swap3A_709], %swap3A_712 {strides = array<i32>} : memref<8192xi32, #tpu.memory_space<vmem>>, vector<16xi32>,
      %mul3A_713 = arith.constant 128 : i32
      %mul3A_714 = arith.muli %scan3A_255, %mul3A_713 : i32
      %dma_start3A_715 = tpu.memref_slice %arg15[%mul3A_714] : memref<8192xf32, #tpu.memory_space<vmem>> -> memref<128xf32, #tpu.memory_space<vmem>>
      %dma_start3A_716 = tpu.memref_slice %arg13[%mul3A_714] : memref<8192xi32, #tpu.memory_space<vmem>> -> memref<128xi32, #tpu.memory_space<vmem>>
      %dma_start3A_717 = arith.constant 0 : i32
      %dma_start3A_718 = tpu.memref_slice %arg3[%dma_start3A_717] : memref<67108864xf32, #tpu.memory_space<hbm>> -> memref<67108864xf32, #tpu.memory_space<hbm>>
      tpu.enqueue_indirect_dma source(%dma_start3A_718 : memref<67108864xf32, #tpu.memory_space<hbm>>) target(%dma_start3A_715 : memref<128xf32, #tpu.memory_space<vmem>>) offsets(%dma_start3A_716 : memref<128xi32, #tpu.memory_space<vmem>>) semaphore(%arg17 : memref<!tpu.dma_semaphore, #tpu.memory_space<semaphore_mem>>)
    }
    %scan3A_188 = arith.constant 64 : i32
    %add3A_189 = arith.constant 8192 : i32
    %add3A_190 = arith.addi %mul3A_2, %add3A_189 : i32
    %dma_wait3A_191 = arith.constant 0 : i32
    %dma_wait3A_192 = tpu.memref_slice %arg3[%dma_wait3A_191] : memref<67108864xf32, #tpu.memory_space<hbm>> -> memref<8192xf32, #tpu.memory_space<hbm>>
    %dma_wait3A_193 = arith.constant 0 : i32
    %dma_wait3A_194 = tpu.memref_slice %arg3[%dma_wait3A_193] : memref<67108864xf32, #tpu.memory_space<hbm>> -> memref<8192xf32, #tpu.memory_space<hbm>>
    tpu.wait_dma2 semaphore(%arg18 : memref<!tpu.dma_semaphore, #tpu.memory_space<semaphore_mem>>) src(%dma_wait3A_194 : memref<8192xf32, #tpu.memory_space<hbm>>) dst(%arg16 : memref<8192xf32, #tpu.memory_space<vmem>>)
    %dma_start3A_195 = tpu.memref_slice %arg4[%add3A_190] : memref<1048576xf32, #tpu.memory_space<hbm>> -> memref<8192xf32, #tpu.memory_space<hbm>>
    %dma_start3A_196 = tpu.memref_slice %arg4[%add3A_190] : memref<1048576xf32, #tpu.memory_space<hbm>> -> memref<8192xf32, #tpu.memory_space<hbm>>
    tpu.enqueue_dma source(%arg16 : memref<8192xf32, #tpu.memory_space<vmem>>) target(%dma_start3A_196 : memref<8192xf32, #tpu.memory_space<hbm>>) target_semaphore(%arg22 : memref<!tpu.dma_semaphore, #tpu.memory_space<semaphore_mem>>)
    %add3A_197 = arith.constant 24576 : i32
    %add3A_198 = arith.addi %mul3A_2, %add3A_197 : i32
    %add3A_199 = arith.constant 24576 : i32
    %add3A_200 = arith.addi %mul3A_2, %add3A_199 : i32
    %dma_wait3A_201 = arith.constant 0 : i32
    %dma_wait3A_202 = tpu.memref_slice %arg2[%dma_wait3A_201, %add3A_200] : memref<4x1048576xi32, #tpu.memory_space<hbm>> -> memref<1x8192xi32, #tpu.memory_space<hbm>>
    %dma_wait3A_203 = tpu.memref_squeeze %dma_wait3A_202 : memref<1x8192xi32, #tpu.memory_space<hbm>> -> memref<8192xi32, #tpu.memory_space<hbm>>
    %dma_wait3A_204 = tpu.memref_slice %arg2[%dma_wait3A_201, %add3A_200] : memref<4x1048576xi32, #tpu.memory_space<hbm>> -> memref<1x8192xi32, #tpu.memory_space<hbm>>
    %dma_wait3A_205 = tpu.memref_squeeze %dma_wait3A_204 : memref<1x8192xi32, #tpu.memory_space<hbm>> -> memref<8192xi32, #tpu.memory_space<hbm>>
    tpu.wait_dma2 semaphore(%arg20 : memref<!tpu.dma_semaphore, #tpu.memory_space<semaphore_mem>>) src(%dma_wait3A_205 : memref<8192xi32, #tpu.memory_space<hbm>>) dst(%arg9 : memref<8192xi32, #tpu.memory_space<vmem>>)
    %dma_wait3A_206 = arith.constant 1 : i32
    %dma_wait3A_207 = tpu.memref_slice %arg2[%dma_wait3A_206, %add3A_200] : memref<4x1048576xi32, #tpu.memory_space<hbm>> -> memref<1x8192xi32, #tpu.memory_space<hbm>>
    %dma_wait3A_208 = tpu.memref_squeeze %dma_wait3A_207 : memref<1x8192xi32, #tpu.memory_space<hbm>> -> memref<8192xi32, #tpu.memory_space<hbm>>
    %dma_wait3A_209 = tpu.memref_slice %arg2[%dma_wait3A_206, %add3A_200] : memref<4x1048576xi32, #tpu.memory_space<hbm>> -> memref<1x8192xi32, #tpu.memory_space<hbm>>
    %dma_wait3A_210 = tpu.memref_squeeze %dma_wait3A_209 : memref<1x8192xi32, #tpu.memory_space<hbm>> -> memref<8192xi32, #tpu.memory_space<hbm>>
    tpu.wait_dma2 semaphore(%arg20 : memref<!tpu.dma_semaphore, #tpu.memory_space<semaphore_mem>>) src(%dma_wait3A_210 : memref<8192xi32, #tpu.memory_space<hbm>>) dst(%arg10 : memref<8192xi32, #tpu.memory_space<vmem>>)
    %dma_wait3A_211 = arith.constant 2 : i32
    %dma_wait3A_212 = tpu.memref_slice %arg2[%dma_wait3A_211, %add3A_200] : memref<4x1048576xi32, #tpu.memory_space<hbm>> -> memref<1x8192xi32, #tpu.memory_space<hbm>>
    %dma_wait3A_213 = tpu.memref_squeeze %dma_wait3A_212 : memref<1x8192xi32, #tpu.memory_space<hbm>> -> memref<8192xi32, #tpu.memory_space<hbm>>
    %dma_wait3A_214 = tpu.memref_slice %arg2[%dma_wait3A_211, %add3A_200] : memref<4x1048576xi32, #tpu.memory_space<hbm>> -> memref<1x8192xi32, #tpu.memory_space<hbm>>
    %dma_wait3A_215 = tpu.memref_squeeze %dma_wait3A_214 : memref<1x8192xi32, #tpu.memory_space<hbm>> -> memref<8192xi32, #tpu.memory_space<hbm>>
    tpu.wait_dma2 semaphore(%arg20 : memref<!tpu.dma_semaphore, #tpu.memory_space<semaphore_mem>>) src(%dma_wait3A_215 : memref<8192xi32, #tpu.memory_space<hbm>>) dst(%arg11 : memref<8192xi32, #tpu.memory_space<vmem>>)
    %dma_wait3A_216 = arith.constant 3 : i32
    %dma_wait3A_217 = tpu.memref_slice %arg2[%dma_wait3A_216, %add3A_200] : memref<4x1048576xi32, #tpu.memory_space<hbm>> -> memref<1x8192xi32, #tpu.memory_space<hbm>>
    %dma_wait3A_218 = tpu.memref_squeeze %dma_wait3A_217 : memref<1x8192xi32, #tpu.memory_space<hbm>> -> memref<8192xi32, #tpu.memory_space<hbm>>
    %dma_wait3A_219 = tpu.memref_slice %arg2[%dma_wait3A_216, %add3A_200] : memref<4x1048576xi32, #tpu.memory_space<hbm>> -> memref<1x8192xi32, #tpu.memory_space<hbm>>
    %dma_wait3A_220 = tpu.memref_squeeze %dma_wait3A_219 : memref<1x8192xi32, #tpu.memory_space<hbm>> -> memref<8192xi32, #tpu.memory_space<hbm>>
    tpu.wait_dma2 semaphore(%arg20 : memref<!tpu.dma_semaphore, #tpu.memory_space<semaphore_mem>>) src(%dma_wait3A_220 : memref<8192xi32, #tpu.memory_space<hbm>>) dst(%arg12 : memref<8192xi32, #tpu.memory_space<vmem>>)
    %sub3A_221 = arith.constant 16384 : i32
    %sub3A_222 = arith.subi %add3A_198, %sub3A_221 : i32
    %dma_wait3A_223 = tpu.memref_slice %arg4[%sub3A_222] : memref<1048576xf32, #tpu.memory_space<hbm>> -> memref<8192xf32, #tpu.memory_space<hbm>>
    %dma_wait3A_224 = tpu.memref_slice %arg4[%sub3A_222] : memref<1048576xf32, #tpu.memory_space<hbm>> -> memref<8192xf32, #tpu.memory_space<hbm>>
    tpu.wait_dma2 semaphore(%arg22 : memref<!tpu.dma_semaphore, #tpu.memory_space<semaphore_mem>>) src(%arg16 : memref<8192xf32, #tpu.memory_space<vmem>>) dst(%dma_wait3A_224 : memref<8192xf32, #tpu.memory_space<hbm>>)
    %scan3A_225 = arith.constant 0 : i32
    %scan3A_226 = arith.constant 0 : i32
    %scan3A_227 = arith.constant 64 : i32
    %scan3A_228 = arith.addi %scan3A_226, %scan3A_227 : i32
    %scan3A_229 = arith.constant 1 : i32
    scf.for %scan3A_255 = %scan3A_226 to %scan3A_228 step %scan3A_229  : i32 {
      %mul3A_256 = arith.constant 128 : i32
      %mul3A_257 = arith.muli %scan3A_255, %mul3A_256 : i32
      %add3A_258 = arith.constant 0 : i32
      %add3A_259 = arith.addi %mul3A_257, %add3A_258 : i32
      %get3A = arith.index_cast %add3A_259 : i32 to index
      %get3A_260 = tpu.vector_load %arg10[%get3A] {strides = array<i32>} : memref<8192xi32, #tpu.memory_space<vmem>>, vector<16xi32>,
      %get3A_261 = vector.shape_cast %get3A_260 : vector<16xi32> to vector<16xi32>
      %xor3A = arith.constant 1 : i32
      %xor3A_262 = vector.broadcast %xor3A : i32 to vector<16xi32>
      %xor3A_263 = arith.xori %get3A_261, %xor3A_262 : vector<16xi32>
      %get3A_264 = arith.index_cast %add3A_259 : i32 to index
      %get3A_265 = tpu.vector_load %arg11[%get3A_264] {strides = array<i32>} : memref<8192xi32, #tpu.memory_space<vmem>>, vector<16xi32>,
      %get3A_266 = vector.shape_cast %get3A_265 : vector<16xi32> to vector<16xi32>
      %mul3A_267 = arith.constant -1640531535 : i32
      %mul3A_268 = vector.broadcast %mul3A_267 : i32 to vector<16xi32>
      %mul3A_269 = arith.muli %get3A_266, %mul3A_268 : vector<16xi32>
      %xor3A_270 = arith.xori %xor3A_263, %mul3A_269 : vector<16xi32>
      %get3A_271 = arith.index_cast %add3A_259 : i32 to index
      %get3A_272 = tpu.vector_load %arg12[%get3A_271] {strides = array<i32>} : memref<8192xi32, #tpu.memory_space<vmem>>, vector<16xi32>,
      %get3A_273 = vector.shape_cast %get3A_272 : vector<16xi32> to vector<16xi32>
      %mul3A_274 = arith.constant 805459861 : i32
      %mul3A_275 = vector.broadcast %mul3A_274 : i32 to vector<16xi32>
      %mul3A_276 = arith.muli %get3A_273, %mul3A_275 : vector<16xi32>
      %xor3A_277 = arith.xori %xor3A_270, %mul3A_276 : vector<16xi32>
      %and3A = arith.constant 65535 : i32
      %and3A_278 = vector.broadcast %and3A : i32 to vector<16xi32>
      %and3A_279 = arith.andi %xor3A_277, %and3A_278 : vector<16xi32>
      %get3A_280 = arith.index_cast %add3A_259 : i32 to index
      %get3A_281 = tpu.vector_load %arg9[%get3A_280] {strides = array<i32>} : memref<8192xi32, #tpu.memory_space<vmem>>, vector<16xi32>,
      %get3A_282 = vector.shape_cast %get3A_281 : vector<16xi32> to vector<16xi32>
      %shift_right_arithmetic3A = arith.constant 3 : i32
      %shift_right_arithmetic3A_283 = vector.broadcast %shift_right_arithmetic3A : i32 to vector<16xi32>
      %shift_right_arithmetic3A_284 = arith.shrsi %get3A_282, %shift_right_arithmetic3A_283 : vector<16xi32>
      %shift_left3A = arith.constant 19 : i32
      %shift_left3A_285 = vector.broadcast %shift_left3A : i32 to vector<16xi32>
      %shift_left3A_286 = arith.shli %shift_right_arithmetic3A_284, %shift_left3A_285 : vector<16xi32>
      %shift_right_arithmetic3A_287 = arith.constant 7 : i32
      %shift_right_arithmetic3A_288 = vector.broadcast %shift_right_arithmetic3A_287 : i32 to vector<16xi32>
      %shift_right_arithmetic3A_289 = arith.shrsi %and3A_279, %shift_right_arithmetic3A_288 : vector<16xi32>
      %shift_left3A_290 = arith.constant 10 : i32
      %shift_left3A_291 = vector.broadcast %shift_left3A_290 : i32 to vector<16xi32>
      %shift_left3A_292 = arith.shli %shift_right_arithmetic3A_289, %shift_left3A_291 : vector<16xi32>
      %or3A = arith.ori %shift_left3A_286, %shift_left3A_292 : vector<16xi32>
      %and3A_293 = arith.constant 7 : i32
      %and3A_294 = vector.broadcast %and3A_293 : i32 to vector<16xi32>
      %and3A_295 = arith.andi %get3A_282, %and3A_294 : vector<16xi32>
      %shift_left3A_296 = arith.constant 7 : i32
      %shift_left3A_297 = vector.broadcast %shift_left3A_296 : i32 to vector<16xi32>
      %shift_left3A_298 = arith.shli %and3A_295, %shift_left3A_297 : vector<16xi32>
      %or3A_299 = arith.ori %or3A, %shift_left3A_298 : vector<16xi32>
      %and3A_300 = arith.constant 127 : i32
      %and3A_301 = vector.broadcast %and3A_300 : i32 to vector<16xi32>
      %and3A_302 = arith.andi %and3A_279, %and3A_301 : vector<16xi32>
      %or3A_303 = arith.ori %or3A_299, %and3A_302 : vector<16xi32>
      %swap3A = arith.index_cast %add3A_259 : i32 to index
      %swap3A_304 = tpu.vector_load %arg14[%swap3A] {strides = array<i32>} : memref<8192xi32, #tpu.memory_space<vmem>>, vector<16xi32>,
      %swap3A_305 = vector.shape_cast %swap3A_304 : vector<16xi32> to vector<16xi32>
      %swap3A_306 = vector.shape_cast %or3A_303 : vector<16xi32> to vector<16xi32>
      tpu.vector_store %arg14[%swap3A], %swap3A_306 {strides = array<i32>} : memref<8192xi32, #tpu.memory_space<vmem>>, vector<16xi32>,
      %mul3A_307 = arith.constant 128 : i32
      %mul3A_308 = arith.muli %scan3A_255, %mul3A_307 : i32
      %add3A_309 = arith.constant 16 : i32
      %add3A_310 = arith.addi %mul3A_308, %add3A_309 : i32
      %get3A_311 = arith.index_cast %add3A_310 : i32 to index
      %get3A_312 = tpu.vector_load %arg10[%get3A_311] {strides = array<i32>} : memref<8192xi32, #tpu.memory_space<vmem>>, vector<16xi32>,
      %get3A_313 = vector.shape_cast %get3A_312 : vector<16xi32> to vector<16xi32>
      %xor3A_314 = arith.constant 1 : i32
      %xor3A_315 = vector.broadcast %xor3A_314 : i32 to vector<16xi32>
      %xor3A_316 = arith.xori %get3A_313, %xor3A_315 : vector<16xi32>
      %get3A_317 = arith.index_cast %add3A_310 : i32 to index
      %get3A_318 = tpu.vector_load %arg11[%get3A_317] {strides = array<i32>} : memref<8192xi32, #tpu.memory_space<vmem>>, vector<16xi32>,
      %get3A_319 = vector.shape_cast %get3A_318 : vector<16xi32> to vector<16xi32>
      %mul3A_320 = arith.constant -1640531535 : i32
      %mul3A_321 = vector.broadcast %mul3A_320 : i32 to vector<16xi32>
      %mul3A_322 = arith.muli %get3A_319, %mul3A_321 : vector<16xi32>
      %xor3A_323 = arith.xori %xor3A_316, %mul3A_322 : vector<16xi32>
      %get3A_324 = arith.index_cast %add3A_310 : i32 to index
      %get3A_325 = tpu.vector_load %arg12[%get3A_324] {strides = array<i32>} : memref<8192xi32, #tpu.memory_space<vmem>>, vector<16xi32>,
      %get3A_326 = vector.shape_cast %get3A_325 : vector<16xi32> to vector<16xi32>
      %mul3A_327 = arith.constant 805459861 : i32
      %mul3A_328 = vector.broadcast %mul3A_327 : i32 to vector<16xi32>
      %mul3A_329 = arith.muli %get3A_326, %mul3A_328 : vector<16xi32>
      %xor3A_330 = arith.xori %xor3A_323, %mul3A_329 : vector<16xi32>
      %and3A_331 = arith.constant 65535 : i32
      %and3A_332 = vector.broadcast %and3A_331 : i32 to vector<16xi32>
      %and3A_333 = arith.andi %xor3A_330, %and3A_332 : vector<16xi32>
      %get3A_334 = arith.index_cast %add3A_310 : i32 to index
      %get3A_335 = tpu.vector_load %arg9[%get3A_334] {strides = array<i32>} : memref<8192xi32, #tpu.memory_space<vmem>>, vector<16xi32>,
      %get3A_336 = vector.shape_cast %get3A_335 : vector<16xi32> to vector<16xi32>
      %shift_right_arithmetic3A_337 = arith.constant 3 : i32
      %shift_right_arithmetic3A_338 = vector.broadcast %shift_right_arithmetic3A_337 : i32 to vector<16xi32>
      %shift_right_arithmetic3A_339 = arith.shrsi %get3A_336, %shift_right_arithmetic3A_338 : vector<16xi32>
      %shift_left3A_340 = arith.constant 19 : i32
      %shift_left3A_341 = vector.broadcast %shift_left3A_340 : i32 to vector<16xi32>
      %shift_left3A_342 = arith.shli %shift_right_arithmetic3A_339, %shift_left3A_341 : vector<16xi32>
      %shift_right_arithmetic3A_343 = arith.constant 7 : i32
      %shift_right_arithmetic3A_344 = vector.broadcast %shift_right_arithmetic3A_343 : i32 to vector<16xi32>
      %shift_right_arithmetic3A_345 = arith.shrsi %and3A_333, %shift_right_arithmetic3A_344 : vector<16xi32>
      %shift_left3A_346 = arith.constant 10 : i32
      %shift_left3A_347 = vector.broadcast %shift_left3A_346 : i32 to vector<16xi32>
      %shift_left3A_348 = arith.shli %shift_right_arithmetic3A_345, %shift_left3A_347 : vector<16xi32>
      %or3A_349 = arith.ori %shift_left3A_342, %shift_left3A_348 : vector<16xi32>
      %and3A_350 = arith.constant 7 : i32
      %and3A_351 = vector.broadcast %and3A_350 : i32 to vector<16xi32>
      %and3A_352 = arith.andi %get3A_336, %and3A_351 : vector<16xi32>
      %shift_left3A_353 = arith.constant 7 : i32
      %shift_left3A_354 = vector.broadcast %shift_left3A_353 : i32 to vector<16xi32>
      %shift_left3A_355 = arith.shli %and3A_352, %shift_left3A_354 : vector<16xi32>
      %or3A_356 = arith.ori %or3A_349, %shift_left3A_355 : vector<16xi32>
      %and3A_357 = arith.constant 127 : i32
      %and3A_358 = vector.broadcast %and3A_357 : i32 to vector<16xi32>
      %and3A_359 = arith.andi %and3A_333, %and3A_358 : vector<16xi32>
      %or3A_360 = arith.ori %or3A_356, %and3A_359 : vector<16xi32>
      %swap3A_361 = arith.index_cast %add3A_310 : i32 to index
      %swap3A_362 = tpu.vector_load %arg14[%swap3A_361] {strides = array<i32>} : memref<8192xi32, #tpu.memory_space<vmem>>, vector<16xi32>,
      %swap3A_363 = vector.shape_cast %swap3A_362 : vector<16xi32> to vector<16xi32>
      %swap3A_364 = vector.shape_cast %or3A_360 : vector<16xi32> to vector<16xi32>
      tpu.vector_store %arg14[%swap3A_361], %swap3A_364 {strides = array<i32>} : memref<8192xi32, #tpu.memory_space<vmem>>, vector<16xi32>,
      %mul3A_365 = arith.constant 128 : i32
      %mul3A_366 = arith.muli %scan3A_255, %mul3A_365 : i32
      %add3A_367 = arith.constant 32 : i32
      %add3A_368 = arith.addi %mul3A_366, %add3A_367 : i32
      %get3A_369 = arith.index_cast %add3A_368 : i32 to index
      %get3A_370 = tpu.vector_load %arg10[%get3A_369] {strides = array<i32>} : memref<8192xi32, #tpu.memory_space<vmem>>, vector<16xi32>,
      %get3A_371 = vector.shape_cast %get3A_370 : vector<16xi32> to vector<16xi32>
      %xor3A_372 = arith.constant 1 : i32
      %xor3A_373 = vector.broadcast %xor3A_372 : i32 to vector<16xi32>
      %xor3A_374 = arith.xori %get3A_371, %xor3A_373 : vector<16xi32>
      %get3A_375 = arith.index_cast %add3A_368 : i32 to index
      %get3A_376 = tpu.vector_load %arg11[%get3A_375] {strides = array<i32>} : memref<8192xi32, #tpu.memory_space<vmem>>, vector<16xi32>,
      %get3A_377 = vector.shape_cast %get3A_376 : vector<16xi32> to vector<16xi32>
      %mul3A_378 = arith.constant -1640531535 : i32
      %mul3A_379 = vector.broadcast %mul3A_378 : i32 to vector<16xi32>
      %mul3A_380 = arith.muli %get3A_377, %mul3A_379 : vector<16xi32>
      %xor3A_381 = arith.xori %xor3A_374, %mul3A_380 : vector<16xi32>
      %get3A_382 = arith.index_cast %add3A_368 : i32 to index
      %get3A_383 = tpu.vector_load %arg12[%get3A_382] {strides = array<i32>} : memref<8192xi32, #tpu.memory_space<vmem>>, vector<16xi32>,
      %get3A_384 = vector.shape_cast %get3A_383 : vector<16xi32> to vector<16xi32>
      %mul3A_385 = arith.constant 805459861 : i32
      %mul3A_386 = vector.broadcast %mul3A_385 : i32 to vector<16xi32>
      %mul3A_387 = arith.muli %get3A_384, %mul3A_386 : vector<16xi32>
      %xor3A_388 = arith.xori %xor3A_381, %mul3A_387 : vector<16xi32>
      %and3A_389 = arith.constant 65535 : i32
      %and3A_390 = vector.broadcast %and3A_389 : i32 to vector<16xi32>
      %and3A_391 = arith.andi %xor3A_388, %and3A_390 : vector<16xi32>
      %get3A_392 = arith.index_cast %add3A_368 : i32 to index
      %get3A_393 = tpu.vector_load %arg9[%get3A_392] {strides = array<i32>} : memref<8192xi32, #tpu.memory_space<vmem>>, vector<16xi32>,
      %get3A_394 = vector.shape_cast %get3A_393 : vector<16xi32> to vector<16xi32>
      %shift_right_arithmetic3A_395 = arith.constant 3 : i32
      %shift_right_arithmetic3A_396 = vector.broadcast %shift_right_arithmetic3A_395 : i32 to vector<16xi32>
      %shift_right_arithmetic3A_397 = arith.shrsi %get3A_394, %shift_right_arithmetic3A_396 : vector<16xi32>
      %shift_left3A_398 = arith.constant 19 : i32
      %shift_left3A_399 = vector.broadcast %shift_left3A_398 : i32 to vector<16xi32>
      %shift_left3A_400 = arith.shli %shift_right_arithmetic3A_397, %shift_left3A_399 : vector<16xi32>
      %shift_right_arithmetic3A_401 = arith.constant 7 : i32
      %shift_right_arithmetic3A_402 = vector.broadcast %shift_right_arithmetic3A_401 : i32 to vector<16xi32>
      %shift_right_arithmetic3A_403 = arith.shrsi %and3A_391, %shift_right_arithmetic3A_402 : vector<16xi32>
      %shift_left3A_404 = arith.constant 10 : i32
      %shift_left3A_405 = vector.broadcast %shift_left3A_404 : i32 to vector<16xi32>
      %shift_left3A_406 = arith.shli %shift_right_arithmetic3A_403, %shift_left3A_405 : vector<16xi32>
      %or3A_407 = arith.ori %shift_left3A_400, %shift_left3A_406 : vector<16xi32>
      %and3A_408 = arith.constant 7 : i32
      %and3A_409 = vector.broadcast %and3A_408 : i32 to vector<16xi32>
      %and3A_410 = arith.andi %get3A_394, %and3A_409 : vector<16xi32>
      %shift_left3A_411 = arith.constant 7 : i32
      %shift_left3A_412 = vector.broadcast %shift_left3A_411 : i32 to vector<16xi32>
      %shift_left3A_413 = arith.shli %and3A_410, %shift_left3A_412 : vector<16xi32>
      %or3A_414 = arith.ori %or3A_407, %shift_left3A_413 : vector<16xi32>
      %and3A_415 = arith.constant 127 : i32
      %and3A_416 = vector.broadcast %and3A_415 : i32 to vector<16xi32>
      %and3A_417 = arith.andi %and3A_391, %and3A_416 : vector<16xi32>
      %or3A_418 = arith.ori %or3A_414, %and3A_417 : vector<16xi32>
      %swap3A_419 = arith.index_cast %add3A_368 : i32 to index
      %swap3A_420 = tpu.vector_load %arg14[%swap3A_419] {strides = array<i32>} : memref<8192xi32, #tpu.memory_space<vmem>>, vector<16xi32>,
      %swap3A_421 = vector.shape_cast %swap3A_420 : vector<16xi32> to vector<16xi32>
      %swap3A_422 = vector.shape_cast %or3A_418 : vector<16xi32> to vector<16xi32>
      tpu.vector_store %arg14[%swap3A_419], %swap3A_422 {strides = array<i32>} : memref<8192xi32, #tpu.memory_space<vmem>>, vector<16xi32>,
      %mul3A_423 = arith.constant 128 : i32
      %mul3A_424 = arith.muli %scan3A_255, %mul3A_423 : i32
      %add3A_425 = arith.constant 48 : i32
      %add3A_426 = arith.addi %mul3A_424, %add3A_425 : i32
      %get3A_427 = arith.index_cast %add3A_426 : i32 to index
      %get3A_428 = tpu.vector_load %arg10[%get3A_427] {strides = array<i32>} : memref<8192xi32, #tpu.memory_space<vmem>>, vector<16xi32>,
      %get3A_429 = vector.shape_cast %get3A_428 : vector<16xi32> to vector<16xi32>
      %xor3A_430 = arith.constant 1 : i32
      %xor3A_431 = vector.broadcast %xor3A_430 : i32 to vector<16xi32>
      %xor3A_432 = arith.xori %get3A_429, %xor3A_431 : vector<16xi32>
      %get3A_433 = arith.index_cast %add3A_426 : i32 to index
      %get3A_434 = tpu.vector_load %arg11[%get3A_433] {strides = array<i32>} : memref<8192xi32, #tpu.memory_space<vmem>>, vector<16xi32>,
      %get3A_435 = vector.shape_cast %get3A_434 : vector<16xi32> to vector<16xi32>
      %mul3A_436 = arith.constant -1640531535 : i32
      %mul3A_437 = vector.broadcast %mul3A_436 : i32 to vector<16xi32>
      %mul3A_438 = arith.muli %get3A_435, %mul3A_437 : vector<16xi32>
      %xor3A_439 = arith.xori %xor3A_432, %mul3A_438 : vector<16xi32>
      %get3A_440 = arith.index_cast %add3A_426 : i32 to index
      %get3A_441 = tpu.vector_load %arg12[%get3A_440] {strides = array<i32>} : memref<8192xi32, #tpu.memory_space<vmem>>, vector<16xi32>,
      %get3A_442 = vector.shape_cast %get3A_441 : vector<16xi32> to vector<16xi32>
      %mul3A_443 = arith.constant 805459861 : i32
      %mul3A_444 = vector.broadcast %mul3A_443 : i32 to vector<16xi32>
      %mul3A_445 = arith.muli %get3A_442, %mul3A_444 : vector<16xi32>
      %xor3A_446 = arith.xori %xor3A_439, %mul3A_445 : vector<16xi32>
      %and3A_447 = arith.constant 65535 : i32
      %and3A_448 = vector.broadcast %and3A_447 : i32 to vector<16xi32>
      %and3A_449 = arith.andi %xor3A_446, %and3A_448 : vector<16xi32>
      %get3A_450 = arith.index_cast %add3A_426 : i32 to index
      %get3A_451 = tpu.vector_load %arg9[%get3A_450] {strides = array<i32>} : memref<8192xi32, #tpu.memory_space<vmem>>, vector<16xi32>,
      %get3A_452 = vector.shape_cast %get3A_451 : vector<16xi32> to vector<16xi32>
      %shift_right_arithmetic3A_453 = arith.constant 3 : i32
      %shift_right_arithmetic3A_454 = vector.broadcast %shift_right_arithmetic3A_453 : i32 to vector<16xi32>
      %shift_right_arithmetic3A_455 = arith.shrsi %get3A_452, %shift_right_arithmetic3A_454 : vector<16xi32>
      %shift_left3A_456 = arith.constant 19 : i32
      %shift_left3A_457 = vector.broadcast %shift_left3A_456 : i32 to vector<16xi32>
      %shift_left3A_458 = arith.shli %shift_right_arithmetic3A_455, %shift_left3A_457 : vector<16xi32>
      %shift_right_arithmetic3A_459 = arith.constant 7 : i32
      %shift_right_arithmetic3A_460 = vector.broadcast %shift_right_arithmetic3A_459 : i32 to vector<16xi32>
      %shift_right_arithmetic3A_461 = arith.shrsi %and3A_449, %shift_right_arithmetic3A_460 : vector<16xi32>
      %shift_left3A_462 = arith.constant 10 : i32
      %shift_left3A_463 = vector.broadcast %shift_left3A_462 : i32 to vector<16xi32>
      %shift_left3A_464 = arith.shli %shift_right_arithmetic3A_461, %shift_left3A_463 : vector<16xi32>
      %or3A_465 = arith.ori %shift_left3A_458, %shift_left3A_464 : vector<16xi32>
      %and3A_466 = arith.constant 7 : i32
      %and3A_467 = vector.broadcast %and3A_466 : i32 to vector<16xi32>
      %and3A_468 = arith.andi %get3A_452, %and3A_467 : vector<16xi32>
      %shift_left3A_469 = arith.constant 7 : i32
      %shift_left3A_470 = vector.broadcast %shift_left3A_469 : i32 to vector<16xi32>
      %shift_left3A_471 = arith.shli %and3A_468, %shift_left3A_470 : vector<16xi32>
      %or3A_472 = arith.ori %or3A_465, %shift_left3A_471 : vector<16xi32>
      %and3A_473 = arith.constant 127 : i32
      %and3A_474 = vector.broadcast %and3A_473 : i32 to vector<16xi32>
      %and3A_475 = arith.andi %and3A_449, %and3A_474 : vector<16xi32>
      %or3A_476 = arith.ori %or3A_472, %and3A_475 : vector<16xi32>
      %swap3A_477 = arith.index_cast %add3A_426 : i32 to index
      %swap3A_478 = tpu.vector_load %arg14[%swap3A_477] {strides = array<i32>} : memref<8192xi32, #tpu.memory_space<vmem>>, vector<16xi32>,
      %swap3A_479 = vector.shape_cast %swap3A_478 : vector<16xi32> to vector<16xi32>
      %swap3A_480 = vector.shape_cast %or3A_476 : vector<16xi32> to vector<16xi32>
      tpu.vector_store %arg14[%swap3A_477], %swap3A_480 {strides = array<i32>} : memref<8192xi32, #tpu.memory_space<vmem>>, vector<16xi32>,
      %mul3A_481 = arith.constant 128 : i32
      %mul3A_482 = arith.muli %scan3A_255, %mul3A_481 : i32
      %add3A_483 = arith.constant 64 : i32
      %add3A_484 = arith.addi %mul3A_482, %add3A_483 : i32
      %get3A_485 = arith.index_cast %add3A_484 : i32 to index
      %get3A_486 = tpu.vector_load %arg10[%get3A_485] {strides = array<i32>} : memref<8192xi32, #tpu.memory_space<vmem>>, vector<16xi32>,
      %get3A_487 = vector.shape_cast %get3A_486 : vector<16xi32> to vector<16xi32>
      %xor3A_488 = arith.constant 1 : i32
      %xor3A_489 = vector.broadcast %xor3A_488 : i32 to vector<16xi32>
      %xor3A_490 = arith.xori %get3A_487, %xor3A_489 : vector<16xi32>
      %get3A_491 = arith.index_cast %add3A_484 : i32 to index
      %get3A_492 = tpu.vector_load %arg11[%get3A_491] {strides = array<i32>} : memref<8192xi32, #tpu.memory_space<vmem>>, vector<16xi32>,
      %get3A_493 = vector.shape_cast %get3A_492 : vector<16xi32> to vector<16xi32>
      %mul3A_494 = arith.constant -1640531535 : i32
      %mul3A_495 = vector.broadcast %mul3A_494 : i32 to vector<16xi32>
      %mul3A_496 = arith.muli %get3A_493, %mul3A_495 : vector<16xi32>
      %xor3A_497 = arith.xori %xor3A_490, %mul3A_496 : vector<16xi32>
      %get3A_498 = arith.index_cast %add3A_484 : i32 to index
      %get3A_499 = tpu.vector_load %arg12[%get3A_498] {strides = array<i32>} : memref<8192xi32, #tpu.memory_space<vmem>>, vector<16xi32>,
      %get3A_500 = vector.shape_cast %get3A_499 : vector<16xi32> to vector<16xi32>
      %mul3A_501 = arith.constant 805459861 : i32
      %mul3A_502 = vector.broadcast %mul3A_501 : i32 to vector<16xi32>
      %mul3A_503 = arith.muli %get3A_500, %mul3A_502 : vector<16xi32>
      %xor3A_504 = arith.xori %xor3A_497, %mul3A_503 : vector<16xi32>
      %and3A_505 = arith.constant 65535 : i32
      %and3A_506 = vector.broadcast %and3A_505 : i32 to vector<16xi32>
      %and3A_507 = arith.andi %xor3A_504, %and3A_506 : vector<16xi32>
      %get3A_508 = arith.index_cast %add3A_484 : i32 to index
      %get3A_509 = tpu.vector_load %arg9[%get3A_508] {strides = array<i32>} : memref<8192xi32, #tpu.memory_space<vmem>>, vector<16xi32>,
      %get3A_510 = vector.shape_cast %get3A_509 : vector<16xi32> to vector<16xi32>
      %shift_right_arithmetic3A_511 = arith.constant 3 : i32
      %shift_right_arithmetic3A_512 = vector.broadcast %shift_right_arithmetic3A_511 : i32 to vector<16xi32>
      %shift_right_arithmetic3A_513 = arith.shrsi %get3A_510, %shift_right_arithmetic3A_512 : vector<16xi32>
      %shift_left3A_514 = arith.constant 19 : i32
      %shift_left3A_515 = vector.broadcast %shift_left3A_514 : i32 to vector<16xi32>
      %shift_left3A_516 = arith.shli %shift_right_arithmetic3A_513, %shift_left3A_515 : vector<16xi32>
      %shift_right_arithmetic3A_517 = arith.constant 7 : i32
      %shift_right_arithmetic3A_518 = vector.broadcast %shift_right_arithmetic3A_517 : i32 to vector<16xi32>
      %shift_right_arithmetic3A_519 = arith.shrsi %and3A_507, %shift_right_arithmetic3A_518 : vector<16xi32>
      %shift_left3A_520 = arith.constant 10 : i32
      %shift_left3A_521 = vector.broadcast %shift_left3A_520 : i32 to vector<16xi32>
      %shift_left3A_522 = arith.shli %shift_right_arithmetic3A_519, %shift_left3A_521 : vector<16xi32>
      %or3A_523 = arith.ori %shift_left3A_516, %shift_left3A_522 : vector<16xi32>
      %and3A_524 = arith.constant 7 : i32
      %and3A_525 = vector.broadcast %and3A_524 : i32 to vector<16xi32>
      %and3A_526 = arith.andi %get3A_510, %and3A_525 : vector<16xi32>
      %shift_left3A_527 = arith.constant 7 : i32
      %shift_left3A_528 = vector.broadcast %shift_left3A_527 : i32 to vector<16xi32>
      %shift_left3A_529 = arith.shli %and3A_526, %shift_left3A_528 : vector<16xi32>
      %or3A_530 = arith.ori %or3A_523, %shift_left3A_529 : vector<16xi32>
      %and3A_531 = arith.constant 127 : i32
      %and3A_532 = vector.broadcast %and3A_531 : i32 to vector<16xi32>
      %and3A_533 = arith.andi %and3A_507, %and3A_532 : vector<16xi32>
      %or3A_534 = arith.ori %or3A_530, %and3A_533 : vector<16xi32>
      %swap3A_535 = arith.index_cast %add3A_484 : i32 to index
      %swap3A_536 = tpu.vector_load %arg14[%swap3A_535] {strides = array<i32>} : memref<8192xi32, #tpu.memory_space<vmem>>, vector<16xi32>,
      %swap3A_537 = vector.shape_cast %swap3A_536 : vector<16xi32> to vector<16xi32>
      %swap3A_538 = vector.shape_cast %or3A_534 : vector<16xi32> to vector<16xi32>
      tpu.vector_store %arg14[%swap3A_535], %swap3A_538 {strides = array<i32>} : memref<8192xi32, #tpu.memory_space<vmem>>, vector<16xi32>,
      %mul3A_539 = arith.constant 128 : i32
      %mul3A_540 = arith.muli %scan3A_255, %mul3A_539 : i32
      %add3A_541 = arith.constant 80 : i32
      %add3A_542 = arith.addi %mul3A_540, %add3A_541 : i32
      %get3A_543 = arith.index_cast %add3A_542 : i32 to index
      %get3A_544 = tpu.vector_load %arg10[%get3A_543] {strides = array<i32>} : memref<8192xi32, #tpu.memory_space<vmem>>, vector<16xi32>,
      %get3A_545 = vector.shape_cast %get3A_544 : vector<16xi32> to vector<16xi32>
      %xor3A_546 = arith.constant 1 : i32
      %xor3A_547 = vector.broadcast %xor3A_546 : i32 to vector<16xi32>
      %xor3A_548 = arith.xori %get3A_545, %xor3A_547 : vector<16xi32>
      %get3A_549 = arith.index_cast %add3A_542 : i32 to index
      %get3A_550 = tpu.vector_load %arg11[%get3A_549] {strides = array<i32>} : memref<8192xi32, #tpu.memory_space<vmem>>, vector<16xi32>,
      %get3A_551 = vector.shape_cast %get3A_550 : vector<16xi32> to vector<16xi32>
      %mul3A_552 = arith.constant -1640531535 : i32
      %mul3A_553 = vector.broadcast %mul3A_552 : i32 to vector<16xi32>
      %mul3A_554 = arith.muli %get3A_551, %mul3A_553 : vector<16xi32>
      %xor3A_555 = arith.xori %xor3A_548, %mul3A_554 : vector<16xi32>
      %get3A_556 = arith.index_cast %add3A_542 : i32 to index
      %get3A_557 = tpu.vector_load %arg12[%get3A_556] {strides = array<i32>} : memref<8192xi32, #tpu.memory_space<vmem>>, vector<16xi32>,
      %get3A_558 = vector.shape_cast %get3A_557 : vector<16xi32> to vector<16xi32>
      %mul3A_559 = arith.constant 805459861 : i32
      %mul3A_560 = vector.broadcast %mul3A_559 : i32 to vector<16xi32>
      %mul3A_561 = arith.muli %get3A_558, %mul3A_560 : vector<16xi32>
      %xor3A_562 = arith.xori %xor3A_555, %mul3A_561 : vector<16xi32>
      %and3A_563 = arith.constant 65535 : i32
      %and3A_564 = vector.broadcast %and3A_563 : i32 to vector<16xi32>
      %and3A_565 = arith.andi %xor3A_562, %and3A_564 : vector<16xi32>
      %get3A_566 = arith.index_cast %add3A_542 : i32 to index
      %get3A_567 = tpu.vector_load %arg9[%get3A_566] {strides = array<i32>} : memref<8192xi32, #tpu.memory_space<vmem>>, vector<16xi32>,
      %get3A_568 = vector.shape_cast %get3A_567 : vector<16xi32> to vector<16xi32>
      %shift_right_arithmetic3A_569 = arith.constant 3 : i32
      %shift_right_arithmetic3A_570 = vector.broadcast %shift_right_arithmetic3A_569 : i32 to vector<16xi32>
      %shift_right_arithmetic3A_571 = arith.shrsi %get3A_568, %shift_right_arithmetic3A_570 : vector<16xi32>
      %shift_left3A_572 = arith.constant 19 : i32
      %shift_left3A_573 = vector.broadcast %shift_left3A_572 : i32 to vector<16xi32>
      %shift_left3A_574 = arith.shli %shift_right_arithmetic3A_571, %shift_left3A_573 : vector<16xi32>
      %shift_right_arithmetic3A_575 = arith.constant 7 : i32
      %shift_right_arithmetic3A_576 = vector.broadcast %shift_right_arithmetic3A_575 : i32 to vector<16xi32>
      %shift_right_arithmetic3A_577 = arith.shrsi %and3A_565, %shift_right_arithmetic3A_576 : vector<16xi32>
      %shift_left3A_578 = arith.constant 10 : i32
      %shift_left3A_579 = vector.broadcast %shift_left3A_578 : i32 to vector<16xi32>
      %shift_left3A_580 = arith.shli %shift_right_arithmetic3A_577, %shift_left3A_579 : vector<16xi32>
      %or3A_581 = arith.ori %shift_left3A_574, %shift_left3A_580 : vector<16xi32>
      %and3A_582 = arith.constant 7 : i32
      %and3A_583 = vector.broadcast %and3A_582 : i32 to vector<16xi32>
      %and3A_584 = arith.andi %get3A_568, %and3A_583 : vector<16xi32>
      %shift_left3A_585 = arith.constant 7 : i32
      %shift_left3A_586 = vector.broadcast %shift_left3A_585 : i32 to vector<16xi32>
      %shift_left3A_587 = arith.shli %and3A_584, %shift_left3A_586 : vector<16xi32>
      %or3A_588 = arith.ori %or3A_581, %shift_left3A_587 : vector<16xi32>
      %and3A_589 = arith.constant 127 : i32
      %and3A_590 = vector.broadcast %and3A_589 : i32 to vector<16xi32>
      %and3A_591 = arith.andi %and3A_565, %and3A_590 : vector<16xi32>
      %or3A_592 = arith.ori %or3A_588, %and3A_591 : vector<16xi32>
      %swap3A_593 = arith.index_cast %add3A_542 : i32 to index
      %swap3A_594 = tpu.vector_load %arg14[%swap3A_593] {strides = array<i32>} : memref<8192xi32, #tpu.memory_space<vmem>>, vector<16xi32>,
      %swap3A_595 = vector.shape_cast %swap3A_594 : vector<16xi32> to vector<16xi32>
      %swap3A_596 = vector.shape_cast %or3A_592 : vector<16xi32> to vector<16xi32>
      tpu.vector_store %arg14[%swap3A_593], %swap3A_596 {strides = array<i32>} : memref<8192xi32, #tpu.memory_space<vmem>>, vector<16xi32>,
      %mul3A_597 = arith.constant 128 : i32
      %mul3A_598 = arith.muli %scan3A_255, %mul3A_597 : i32
      %add3A_599 = arith.constant 96 : i32
      %add3A_600 = arith.addi %mul3A_598, %add3A_599 : i32
      %get3A_601 = arith.index_cast %add3A_600 : i32 to index
      %get3A_602 = tpu.vector_load %arg10[%get3A_601] {strides = array<i32>} : memref<8192xi32, #tpu.memory_space<vmem>>, vector<16xi32>,
      %get3A_603 = vector.shape_cast %get3A_602 : vector<16xi32> to vector<16xi32>
      %xor3A_604 = arith.constant 1 : i32
      %xor3A_605 = vector.broadcast %xor3A_604 : i32 to vector<16xi32>
      %xor3A_606 = arith.xori %get3A_603, %xor3A_605 : vector<16xi32>
      %get3A_607 = arith.index_cast %add3A_600 : i32 to index
      %get3A_608 = tpu.vector_load %arg11[%get3A_607] {strides = array<i32>} : memref<8192xi32, #tpu.memory_space<vmem>>, vector<16xi32>,
      %get3A_609 = vector.shape_cast %get3A_608 : vector<16xi32> to vector<16xi32>
      %mul3A_610 = arith.constant -1640531535 : i32
      %mul3A_611 = vector.broadcast %mul3A_610 : i32 to vector<16xi32>
      %mul3A_612 = arith.muli %get3A_609, %mul3A_611 : vector<16xi32>
      %xor3A_613 = arith.xori %xor3A_606, %mul3A_612 : vector<16xi32>
      %get3A_614 = arith.index_cast %add3A_600 : i32 to index
      %get3A_615 = tpu.vector_load %arg12[%get3A_614] {strides = array<i32>} : memref<8192xi32, #tpu.memory_space<vmem>>, vector<16xi32>,
      %get3A_616 = vector.shape_cast %get3A_615 : vector<16xi32> to vector<16xi32>
      %mul3A_617 = arith.constant 805459861 : i32
      %mul3A_618 = vector.broadcast %mul3A_617 : i32 to vector<16xi32>
      %mul3A_619 = arith.muli %get3A_616, %mul3A_618 : vector<16xi32>
      %xor3A_620 = arith.xori %xor3A_613, %mul3A_619 : vector<16xi32>
      %and3A_621 = arith.constant 65535 : i32
      %and3A_622 = vector.broadcast %and3A_621 : i32 to vector<16xi32>
      %and3A_623 = arith.andi %xor3A_620, %and3A_622 : vector<16xi32>
      %get3A_624 = arith.index_cast %add3A_600 : i32 to index
      %get3A_625 = tpu.vector_load %arg9[%get3A_624] {strides = array<i32>} : memref<8192xi32, #tpu.memory_space<vmem>>, vector<16xi32>,
      %get3A_626 = vector.shape_cast %get3A_625 : vector<16xi32> to vector<16xi32>
      %shift_right_arithmetic3A_627 = arith.constant 3 : i32
      %shift_right_arithmetic3A_628 = vector.broadcast %shift_right_arithmetic3A_627 : i32 to vector<16xi32>
      %shift_right_arithmetic3A_629 = arith.shrsi %get3A_626, %shift_right_arithmetic3A_628 : vector<16xi32>
      %shift_left3A_630 = arith.constant 19 : i32
      %shift_left3A_631 = vector.broadcast %shift_left3A_630 : i32 to vector<16xi32>
      %shift_left3A_632 = arith.shli %shift_right_arithmetic3A_629, %shift_left3A_631 : vector<16xi32>
      %shift_right_arithmetic3A_633 = arith.constant 7 : i32
      %shift_right_arithmetic3A_634 = vector.broadcast %shift_right_arithmetic3A_633 : i32 to vector<16xi32>
      %shift_right_arithmetic3A_635 = arith.shrsi %and3A_623, %shift_right_arithmetic3A_634 : vector<16xi32>
      %shift_left3A_636 = arith.constant 10 : i32
      %shift_left3A_637 = vector.broadcast %shift_left3A_636 : i32 to vector<16xi32>
      %shift_left3A_638 = arith.shli %shift_right_arithmetic3A_635, %shift_left3A_637 : vector<16xi32>
      %or3A_639 = arith.ori %shift_left3A_632, %shift_left3A_638 : vector<16xi32>
      %and3A_640 = arith.constant 7 : i32
      %and3A_641 = vector.broadcast %and3A_640 : i32 to vector<16xi32>
      %and3A_642 = arith.andi %get3A_626, %and3A_641 : vector<16xi32>
      %shift_left3A_643 = arith.constant 7 : i32
      %shift_left3A_644 = vector.broadcast %shift_left3A_643 : i32 to vector<16xi32>
      %shift_left3A_645 = arith.shli %and3A_642, %shift_left3A_644 : vector<16xi32>
      %or3A_646 = arith.ori %or3A_639, %shift_left3A_645 : vector<16xi32>
      %and3A_647 = arith.constant 127 : i32
      %and3A_648 = vector.broadcast %and3A_647 : i32 to vector<16xi32>
      %and3A_649 = arith.andi %and3A_623, %and3A_648 : vector<16xi32>
      %or3A_650 = arith.ori %or3A_646, %and3A_649 : vector<16xi32>
      %swap3A_651 = arith.index_cast %add3A_600 : i32 to index
      %swap3A_652 = tpu.vector_load %arg14[%swap3A_651] {strides = array<i32>} : memref<8192xi32, #tpu.memory_space<vmem>>, vector<16xi32>,
      %swap3A_653 = vector.shape_cast %swap3A_652 : vector<16xi32> to vector<16xi32>
      %swap3A_654 = vector.shape_cast %or3A_650 : vector<16xi32> to vector<16xi32>
      tpu.vector_store %arg14[%swap3A_651], %swap3A_654 {strides = array<i32>} : memref<8192xi32, #tpu.memory_space<vmem>>, vector<16xi32>,
      %mul3A_655 = arith.constant 128 : i32
      %mul3A_656 = arith.muli %scan3A_255, %mul3A_655 : i32
      %add3A_657 = arith.constant 112 : i32
      %add3A_658 = arith.addi %mul3A_656, %add3A_657 : i32
      %get3A_659 = arith.index_cast %add3A_658 : i32 to index
      %get3A_660 = tpu.vector_load %arg10[%get3A_659] {strides = array<i32>} : memref<8192xi32, #tpu.memory_space<vmem>>, vector<16xi32>,
      %get3A_661 = vector.shape_cast %get3A_660 : vector<16xi32> to vector<16xi32>
      %xor3A_662 = arith.constant 1 : i32
      %xor3A_663 = vector.broadcast %xor3A_662 : i32 to vector<16xi32>
      %xor3A_664 = arith.xori %get3A_661, %xor3A_663 : vector<16xi32>
      %get3A_665 = arith.index_cast %add3A_658 : i32 to index
      %get3A_666 = tpu.vector_load %arg11[%get3A_665] {strides = array<i32>} : memref<8192xi32, #tpu.memory_space<vmem>>, vector<16xi32>,
      %get3A_667 = vector.shape_cast %get3A_666 : vector<16xi32> to vector<16xi32>
      %mul3A_668 = arith.constant -1640531535 : i32
      %mul3A_669 = vector.broadcast %mul3A_668 : i32 to vector<16xi32>
      %mul3A_670 = arith.muli %get3A_667, %mul3A_669 : vector<16xi32>
      %xor3A_671 = arith.xori %xor3A_664, %mul3A_670 : vector<16xi32>
      %get3A_672 = arith.index_cast %add3A_658 : i32 to index
      %get3A_673 = tpu.vector_load %arg12[%get3A_672] {strides = array<i32>} : memref<8192xi32, #tpu.memory_space<vmem>>, vector<16xi32>,
      %get3A_674 = vector.shape_cast %get3A_673 : vector<16xi32> to vector<16xi32>
      %mul3A_675 = arith.constant 805459861 : i32
      %mul3A_676 = vector.broadcast %mul3A_675 : i32 to vector<16xi32>
      %mul3A_677 = arith.muli %get3A_674, %mul3A_676 : vector<16xi32>
      %xor3A_678 = arith.xori %xor3A_671, %mul3A_677 : vector<16xi32>
      %and3A_679 = arith.constant 65535 : i32
      %and3A_680 = vector.broadcast %and3A_679 : i32 to vector<16xi32>
      %and3A_681 = arith.andi %xor3A_678, %and3A_680 : vector<16xi32>
      %get3A_682 = arith.index_cast %add3A_658 : i32 to index
      %get3A_683 = tpu.vector_load %arg9[%get3A_682] {strides = array<i32>} : memref<8192xi32, #tpu.memory_space<vmem>>, vector<16xi32>,
      %get3A_684 = vector.shape_cast %get3A_683 : vector<16xi32> to vector<16xi32>
      %shift_right_arithmetic3A_685 = arith.constant 3 : i32
      %shift_right_arithmetic3A_686 = vector.broadcast %shift_right_arithmetic3A_685 : i32 to vector<16xi32>
      %shift_right_arithmetic3A_687 = arith.shrsi %get3A_684, %shift_right_arithmetic3A_686 : vector<16xi32>
      %shift_left3A_688 = arith.constant 19 : i32
      %shift_left3A_689 = vector.broadcast %shift_left3A_688 : i32 to vector<16xi32>
      %shift_left3A_690 = arith.shli %shift_right_arithmetic3A_687, %shift_left3A_689 : vector<16xi32>
      %shift_right_arithmetic3A_691 = arith.constant 7 : i32
      %shift_right_arithmetic3A_692 = vector.broadcast %shift_right_arithmetic3A_691 : i32 to vector<16xi32>
      %shift_right_arithmetic3A_693 = arith.shrsi %and3A_681, %shift_right_arithmetic3A_692 : vector<16xi32>
      %shift_left3A_694 = arith.constant 10 : i32
      %shift_left3A_695 = vector.broadcast %shift_left3A_694 : i32 to vector<16xi32>
      %shift_left3A_696 = arith.shli %shift_right_arithmetic3A_693, %shift_left3A_695 : vector<16xi32>
      %or3A_697 = arith.ori %shift_left3A_690, %shift_left3A_696 : vector<16xi32>
      %and3A_698 = arith.constant 7 : i32
      %and3A_699 = vector.broadcast %and3A_698 : i32 to vector<16xi32>
      %and3A_700 = arith.andi %get3A_684, %and3A_699 : vector<16xi32>
      %shift_left3A_701 = arith.constant 7 : i32
      %shift_left3A_702 = vector.broadcast %shift_left3A_701 : i32 to vector<16xi32>
      %shift_left3A_703 = arith.shli %and3A_700, %shift_left3A_702 : vector<16xi32>
      %or3A_704 = arith.ori %or3A_697, %shift_left3A_703 : vector<16xi32>
      %and3A_705 = arith.constant 127 : i32
      %and3A_706 = vector.broadcast %and3A_705 : i32 to vector<16xi32>
      %and3A_707 = arith.andi %and3A_681, %and3A_706 : vector<16xi32>
      %or3A_708 = arith.ori %or3A_704, %and3A_707 : vector<16xi32>
      %swap3A_709 = arith.index_cast %add3A_658 : i32 to index
      %swap3A_710 = tpu.vector_load %arg14[%swap3A_709] {strides = array<i32>} : memref<8192xi32, #tpu.memory_space<vmem>>, vector<16xi32>,
      %swap3A_711 = vector.shape_cast %swap3A_710 : vector<16xi32> to vector<16xi32>
      %swap3A_712 = vector.shape_cast %or3A_708 : vector<16xi32> to vector<16xi32>
      tpu.vector_store %arg14[%swap3A_709], %swap3A_712 {strides = array<i32>} : memref<8192xi32, #tpu.memory_space<vmem>>, vector<16xi32>,
      %mul3A_713 = arith.constant 128 : i32
      %mul3A_714 = arith.muli %scan3A_255, %mul3A_713 : i32
      %dma_start3A_715 = tpu.memref_slice %arg16[%mul3A_714] : memref<8192xf32, #tpu.memory_space<vmem>> -> memref<128xf32, #tpu.memory_space<vmem>>
      %dma_start3A_716 = tpu.memref_slice %arg14[%mul3A_714] : memref<8192xi32, #tpu.memory_space<vmem>> -> memref<128xi32, #tpu.memory_space<vmem>>
      %dma_start3A_717 = arith.constant 0 : i32
      %dma_start3A_718 = tpu.memref_slice %arg3[%dma_start3A_717] : memref<67108864xf32, #tpu.memory_space<hbm>> -> memref<67108864xf32, #tpu.memory_space<hbm>>
      tpu.enqueue_indirect_dma source(%dma_start3A_718 : memref<67108864xf32, #tpu.memory_space<hbm>>) target(%dma_start3A_715 : memref<128xf32, #tpu.memory_space<vmem>>) offsets(%dma_start3A_716 : memref<128xi32, #tpu.memory_space<vmem>>) semaphore(%arg18 : memref<!tpu.dma_semaphore, #tpu.memory_space<semaphore_mem>>)
    }
    %scan3A_230 = arith.constant 64 : i32
    %add3A_231 = arith.constant 16384 : i32
    %add3A_232 = arith.addi %mul3A_2, %add3A_231 : i32
    %dma_wait3A_233 = arith.constant 0 : i32
    %dma_wait3A_234 = tpu.memref_slice %arg3[%dma_wait3A_233] : memref<67108864xf32, #tpu.memory_space<hbm>> -> memref<8192xf32, #tpu.memory_space<hbm>>
    %dma_wait3A_235 = arith.constant 0 : i32
    %dma_wait3A_236 = tpu.memref_slice %arg3[%dma_wait3A_235] : memref<67108864xf32, #tpu.memory_space<hbm>> -> memref<8192xf32, #tpu.memory_space<hbm>>
    tpu.wait_dma2 semaphore(%arg17 : memref<!tpu.dma_semaphore, #tpu.memory_space<semaphore_mem>>) src(%dma_wait3A_236 : memref<8192xf32, #tpu.memory_space<hbm>>) dst(%arg15 : memref<8192xf32, #tpu.memory_space<vmem>>)
    %dma_start3A_237 = tpu.memref_slice %arg4[%add3A_232] : memref<1048576xf32, #tpu.memory_space<hbm>> -> memref<8192xf32, #tpu.memory_space<hbm>>
    %dma_start3A_238 = tpu.memref_slice %arg4[%add3A_232] : memref<1048576xf32, #tpu.memory_space<hbm>> -> memref<8192xf32, #tpu.memory_space<hbm>>
    tpu.enqueue_dma source(%arg15 : memref<8192xf32, #tpu.memory_space<vmem>>) target(%dma_start3A_238 : memref<8192xf32, #tpu.memory_space<hbm>>) target_semaphore(%arg21 : memref<!tpu.dma_semaphore, #tpu.memory_space<semaphore_mem>>)
    %add3A_239 = arith.constant 24576 : i32
    %add3A_240 = arith.addi %mul3A_2, %add3A_239 : i32
    %dma_wait3A_241 = arith.constant 0 : i32
    %dma_wait3A_242 = tpu.memref_slice %arg3[%dma_wait3A_241] : memref<67108864xf32, #tpu.memory_space<hbm>> -> memref<8192xf32, #tpu.memory_space<hbm>>
    %dma_wait3A_243 = arith.constant 0 : i32
    %dma_wait3A_244 = tpu.memref_slice %arg3[%dma_wait3A_243] : memref<67108864xf32, #tpu.memory_space<hbm>> -> memref<8192xf32, #tpu.memory_space<hbm>>
    tpu.wait_dma2 semaphore(%arg18 : memref<!tpu.dma_semaphore, #tpu.memory_space<semaphore_mem>>) src(%dma_wait3A_244 : memref<8192xf32, #tpu.memory_space<hbm>>) dst(%arg16 : memref<8192xf32, #tpu.memory_space<vmem>>)
    %dma_start3A_245 = tpu.memref_slice %arg4[%add3A_240] : memref<1048576xf32, #tpu.memory_space<hbm>> -> memref<8192xf32, #tpu.memory_space<hbm>>
    %dma_start3A_246 = tpu.memref_slice %arg4[%add3A_240] : memref<1048576xf32, #tpu.memory_space<hbm>> -> memref<8192xf32, #tpu.memory_space<hbm>>
    tpu.enqueue_dma source(%arg16 : memref<8192xf32, #tpu.memory_space<vmem>>) target(%dma_start3A_246 : memref<8192xf32, #tpu.memory_space<hbm>>) target_semaphore(%arg22 : memref<!tpu.dma_semaphore, #tpu.memory_space<semaphore_mem>>)
    %add3A_247 = arith.constant 16384 : i32
    %add3A_248 = arith.addi %mul3A_2, %add3A_247 : i32
    %dma_wait3A_249 = tpu.memref_slice %arg4[%add3A_248] : memref<1048576xf32, #tpu.memory_space<hbm>> -> memref<8192xf32, #tpu.memory_space<hbm>>
    %dma_wait3A_250 = tpu.memref_slice %arg4[%add3A_248] : memref<1048576xf32, #tpu.memory_space<hbm>> -> memref<8192xf32, #tpu.memory_space<hbm>>
    tpu.wait_dma2 semaphore(%arg21 : memref<!tpu.dma_semaphore, #tpu.memory_space<semaphore_mem>>) src(%arg15 : memref<8192xf32, #tpu.memory_space<vmem>>) dst(%dma_wait3A_250 : memref<8192xf32, #tpu.memory_space<hbm>>)
    %add3A_251 = arith.constant 24576 : i32
    %add3A_252 = arith.addi %mul3A_2, %add3A_251 : i32
    %dma_wait3A_253 = tpu.memref_slice %arg4[%add3A_252] : memref<1048576xf32, #tpu.memory_space<hbm>> -> memref<8192xf32, #tpu.memory_space<hbm>>
    %dma_wait3A_254 = tpu.memref_slice %arg4[%add3A_252] : memref<1048576xf32, #tpu.memory_space<hbm>> -> memref<8192xf32, #tpu.memory_space<hbm>>
    tpu.wait_dma2 semaphore(%arg22 : memref<!tpu.dma_semaphore, #tpu.memory_space<semaphore_mem>>) src(%arg16 : memref<8192xf32, #tpu.memory_space<vmem>>) dst(%dma_wait3A_254 : memref<8192xf32, #tpu.memory_space<hbm>>)
    return
  }
}

</mosaic_0001>

<sc_bundles>
// kernel: kernel.3.cloned.1.call-start
scs
__scs_entry_jumppad:
0x0: {  	(pc) =	sbr.rel $0x88, $3  }
0x1: {  	(tag) =	ssettag $0x0;
	lr =	simm.s32 $0x1  }
0x2: {  	[smem:$0x3F9F] =	sst lr;
	_ =	strace $0xD0000000  }
0x3: {  	_ = 	snop  }
0x4: {  	_ = 	snop  }
0x5: {  	_ = 	snop  }
0x6: {  	_ = 	snop  }
0x7: {  	_ = 	snop  }
__scs_overlays_trampoline_lowered:
0x8: {  	[smem:$0x3FAE] =	sst s0  }
0x9: {  	[smem:$0x3FAF] =	sst s1  }
0xa: {  	[smem:$0x3FB0] =	sst s2  }
0xb: {  	[smem:$0x3FB1] =	sst s3  }
0xc: {  	[smem:$0x3FB2] =	sst s4  }
0xd: {  	[smem:$0x3FB3] =	sst s5  }
0xe: {  	[smem:$0x3FB4] =	sst s6  }
0xf: {  	[smem:$0x3FB5] =	sst s7  }
0x10: {  	[smem:$0x3FB6] =	sst s8  }
0x11: {  	[smem:$0x3FB7] =	sst s9;
	s0 =	simm.s32 @!p0 $0x0  }
0x12: {  	s1 =	sld [smem:$0x3F9D];
	s0 =	simm.s32 @p0 $0x1  }
0x13: {  	[smem:$0x3FB8] =	sst s0;
	s0 =	simm.s32 @!p1 $0x0  }
0x14: {  	s2 =	sld [smem:$0x3F9C];
	s0 =	simm.s32 @p1 $0x1  }
0x15: {  	[smem:$0x3FB9] =	sst s0;
	s0 =	simm.s32 @!p2 $0x0  }
0x16: {  	s3 =	sld [smem:$0x3FDB];
	s0 =	simm.s32 @p2 $0x1  }
0x17: {  	s4 =	simm.s32 $0x1BF5;
	[smem:$0x3FBB] =	sst s0  }
0x18: {  	s0 =	sld [smem:$0x3F9E];
	_ =	swait.ge [sflag:s4], $0x0  }
0x19: {  	s7 =	sld [smem:$0x3F9F]  }
0x1a: {  	s8 =	sadd.s32 $0xFFFFE003, lr  }
0x1b: {  	s9 =	sadd.s32 $0xFFFFFEF7, lr;
	s5 =	simm.s32 $0xFFFFFFFF;
	p2 =	slt.u32 s8, $0xFFFFF086  }
0x1c: {  	p1 =	slt.u32 s9, $0xF7A;
	s5 =	simm.s32 @!p2 $0x0  }
0x1d: {  	s5 =	simm.s32 @p1 $0x1;
	p0 =	seq.s32 s7, s2  }
0x1e: {  	s7 =	smul.u32 @!p0 $0xF7A, s2;
	p2 =	seq.s32 @!p0 s5, $0x0  }
0x1f: {  	s9 =	smul.u32 $0xF7A, s1;
	s8 =	simm.s32 @!p0 $0x1BF5;
	p2 =	por !p2, p0  }
0x20: {  	[sflag:s8] =	ssyncset.s32 @!p0 $0xFFFFF086;
	s6 =	sadd.s32 @!p0 s3, s7;
	s7 =	simm.s32 @!p0 $0x108  }
0x21: {  	s3 =	sadd.s32 s3, s9;
	s6 =	sadd.s32 @!p0 $0x88, s6;
	s7 =	simm.s32 @p2 $0x1082  }
0x22: {  	[simem:s7], [sflag:s8] =	dma.local @!p0 [hbm:s6], $0xF7A  }
0x23: {  	s9 =	sor.u32 $0xD0000000, s2;
	s6 =	simm.s32 $0x108;
	_ =	swait.ge @!p0 [sflag:s8], $0x0  }
0x24: {  	s3 =	sadd.s32 $0x88, s3;
	s6 =	simm.s32 @!p1 $0x1082;
	[sflag:s4] =	ssyncset.s32 $0xFFFFF086  }
0x25: {  	[simem:s6], [sflag:s4] =	dma.local [hbm:s3], $0xF7A  }
0x26: {  	[smem:$0x3F9F] =	sst s1;
	(tag) =	ssettag s2;
	_ =	strace s9  }
0x27: {  	s1 =	sld [smem:$0x3FAF]  }
0x28: {  	s2 =	sld [smem:$0x3FB0]  }
0x29: {  	s4 =	sld [smem:$0x3FB2]  }
0x2a: {  	p0 =	seq.s32 s5, $0x0;
	s5 =	sld [smem:$0x3FB3]  }
0x2b: {  	s6 =	sld [smem:$0x3FB4]  }
0x2c: {  	s7 =	sld [smem:$0x3FB5]  }
0x2d: {  	s3 =	simm.s32 $0x108;
	s8 =	sld [smem:$0x3FB6]  }
0x2e: {  	s3 =	simm.s32 @!p0 $0x1082;
	s9 =	sld [smem:$0x3FB7]  }
0x2f: {  	lr =	sadd.s32 s0, s3;
	s0 =	sld [smem:$0x3FAE]  }
0x30: {  	s3 =	sld [smem:$0x3FB1]  }
0x31: {  	[smem:$0x3FBA] =	sst s10  }
0x32: {  	s10 =	sld [smem:$0x3FB8];
	_ =	sdelay $0x3  }
0x33: {  	p0 =	seq.s32 s10, $0x1;
	s10 =	sld [smem:$0x3FBA];
	_ =	sdelay $0x3  }
0x34: {  	[smem:$0x3FBA] =	sst s10  }
0x35: {  	s10 =	sld [smem:$0x3FB9];
	_ =	sdelay $0x3  }
0x36: {  	p1 =	seq.s32 s10, $0x1;
	s10 =	sld [smem:$0x3FBA];
	_ =	sdelay $0x3  }
0x37: {  	[smem:$0x3FBA] =	sst s10  }
0x38: {  	s10 =	sld [smem:$0x3FBB]  }
0x39: {  	_ = 	snop;
	(pc) =	sbr.ind lr, $3  }
0x3a: {  	_ = 	snop  }
0x3b: {  	_ = 	snop  }
0x3c: {  	p2 =	seq.s32 s10, $0x1;
	s10 =	sld [smem:$0x3FBA]  }
0x3d: {  	_ =	shalt  }
0x3e: {  	_ =	shalt  }
0x3f: {  	_ =	shalt  }
0x40: {  	_ =	shalt  }
0x41: {  	_ =	shalt  }
0x42: {  	_ =	shalt  }
0x43: {  	_ =	shalt  }
0x44: {  	_ =	shalt  }
0x45: {  	_ =	shalt  }
0x46: {  	_ =	shalt  }
0x47: {  	_ =	shalt  }
0x48: {  	_ =	shalt  }
0x49: {  	_ =	shalt  }
0x4a: {  	_ =	shalt  }
0x4b: {  	_ =	shalt  }
0x4c: {  	_ =	shalt  }
0x4d: {  	_ =	shalt  }
0x4e: {  	_ =	shalt  }
0x4f: {  	_ =	shalt  }
0x50: {  	_ =	shalt  }
0x51: {  	_ =	shalt  }
0x52: {  	_ =	shalt  }
0x53: {  	_ =	shalt  }
0x54: {  	_ =	shalt  }
0x55: {  	_ =	shalt  }
0x56: {  	_ =	shalt  }
0x57: {  	_ =	shalt  }
0x58: {  	_ =	shalt  }
0x59: {  	_ =	shalt  }
0x5a: {  	_ =	shalt  }
0x5b: {  	_ =	shalt  }
0x5c: {  	_ =	shalt  }
0x5d: {  	_ =	shalt  }
0x5e: {  	_ =	shalt  }
0x5f: {  	_ =	shalt  }
0x60: {  	_ =	shalt  }
0x61: {  	_ =	shalt  }
0x62: {  	_ =	shalt  }
0x63: {  	_ =	shalt  }
0x64: {  	_ =	shalt  }
0x65: {  	_ =	shalt  }
0x66: {  	_ =	shalt  }
0x67: {  	_ =	shalt  }
0x68: {  	_ =	shalt  }
0x69: {  	_ =	shalt  }
0x6a: {  	_ =	shalt  }
0x6b: {  	_ =	shalt  }
0x6c: {  	_ =	shalt  }
0x6d: {  	_ =	shalt  }
0x6e: {  	_ =	shalt  }
0x6f: {  	_ =	shalt  }
0x70: {  	_ =	shalt  }
0x71: {  	_ =	shalt  }
0x72: {  	_ =	shalt  }
0x73: {  	_ =	shalt  }
0x74: {  	_ =	shalt  }
0x75: {  	_ =	shalt  }
0x76: {  	_ =	shalt  }
0x77: {  	_ =	shalt  }
0x78: {  	_ =	shalt  }
0x79: {  	_ =	shalt  }
0x7a: {  	_ =	shalt  }
0x7b: {  	_ =	shalt  }
0x7c: {  	_ =	shalt  }
0x7d: {  	_ =	shalt  }
0x7e: {  	_ =	shalt  }
0x7f: {  	_ =	shalt  }
0x80: {  	_ =	shalt  }
0x81: {  	_ =	shalt  }
0x82: {  	_ =	shalt  }
0x83: {  	_ =	shalt  }
0x84: {  	_ =	shalt  }
0x85: {  	_ =	shalt  }
0x86: {  	_ =	shalt  }
0x87: {  	_ =	shalt  }
.Lfunc_end0:
.L_simem_size_0:
called_computation_lowered:
.L_overlay_start_0:
0x88: {  	s2 =	sld [smem:$0x3FD9]  }
0x89: {  	s3 =	sld [smem:$0x3FFE];
	_ =	sdelay $0x1  }
0x8a: {  	s1 =	srdreg.scid  }
0x8b: {  	s0 =	sand.u32 $0x1, s1  }
0x8c: {  	s18 =	sshll.u32 s0, $0xA;
	s2 =	sadd.s32 s3, s2  }
0x8d: {  	s2 =	sadd.s32 s2, s18  }
0x8e: {  	[smem:$0x3FC6] =	sst s2  }
0x8f: {  	_ = 	snop  }
0x90: {  	s2 =	sld [smem:$0x3FC9]  }
0x91: {  	s19 =	sld [smem:$0x3FC8]  }
0x92: {  	s4 =	sld [smem:$0x3FD0];
	(tm) =	ssettm $0x1  }
0x93: {  	s5 =	sld [smem:$0x3FFB];
	_ =	sdelay $0x3  }
0x94: {  	_ =	strace s5  }
0x95: {  	s5 =	sld [smem:$0x3FFC];
	_ =	sdelay $0x3  }
0x96: {  	_ =	strace s5  }
0x97: {  	s5 =	sld [smem:$0x3FFD];
	_ =	sdelay $0x3  }
0x98: {  	_ =	strace s5  }
0x99: {  	_ =	strace $0x8FFFFFFF  }
0x9a: {  	s20 =	sld [smem:$0x3FDB];
	_ =	sdelay $0x1  }
0x9b: {  	s6 =	simm.s32 $_scs_section_size  }
0x9c: {  	s7 =	simm.s32 $_size__tile_overlayer_lowered;
	s8 =	simm.s32 $_tile_overlayer_lowered  }
0x9d: {  	s23 =	simm.s32 $0x1BFF;
	s22 =	sshll.u32 s8, $0x1;
	s5 =	sadd.s32 s6, s20  }
0x9e: {  	s9 =	simm.s32 $0x0;
	s21 =	sshll.u32 s7, $0x1;
	s7 =	sadd.s32 s22, s5  }
0x9f: {  	[timem:s9], [sflag:s23] =	dma.local [hbm:s7], s21  }
0xa0: {  	_ =	swait.ge [sflag:s23], s21  }
0xa1: {  	s6 =	ssub.s32 $0x0, s21;
	[sflag:s23] =	ssyncset.done $0x0  }
0xa2: {  	[sflag:s23] =	ssyncadd.s32 s6;
	_ =	sdelay $0x1  }
0xa3: {  	s24 =	simm.s32 $0x1B8B  }
0xa4: {  	_ =	swait.ge [sflag:s24], $0x1  }
0xa5: {  	[sflag:s24] =	ssyncset.done $0x0  }
0xa6: {  	s25 =	simm.s32 $0x1B8E;
	[sflag:s24] =	ssyncadd.s32 $0xFFFFFFFF  }
0xa7: {  	s26 =	simm.s32 $execute0_lowered;
	[smem:$0x3FD2] =	sst s25  }
0xa8: {  	s6 =	sshll.u32 s26, $0x1;
	_ =	strace $0x80000046;
	[dreg:$0x1] =	wrdreg $0xFFFFFFFF  }
0xa9: {  	s28 =	simm.s32 $_size_execute0_lowered;
	s5 =	sadd.s32 s5, s6;
	[dreg:$0x0] =	wrdreg $0x0  }
0xaa: {  	s6 =	sshll.u32 s28, $0x1;
	[dreg:$0x2] =	wrdreg s5  }
0xab: {  	[dreg:$0x3] =	wrdreg s6  }
0xac: {  	[dreg:$0x4] =	wrdreg $0xC0  }
0xad: {  	_ =	task [dreg:s9], $0x5FFFF  }
0xae: {  	[dreg:$0x1] =	wrdreg $0xFFFFFFFF  }
0xaf: {  	[dreg:$0x0] =	wrdreg $0x60  }
0xb0: {  	[dreg:$0x2] =	wrdreg s2  }
0xb1: {  	[dreg:$0x3] =	wrdreg s19  }
0xb2: {  	[dreg:$0x4] =	wrdreg s4  }
0xb3: {  	[dreg:$0x5] =	wrdreg $0x9  }
0xb4: {  	_ =	task.clear_ibuf [dreg:s9], $0x6FFFF;
	_ =	strace $0x90000046  }
0xb5: {  	s29 =	simm.s32 $0x9;
	_ =	strace $0x80000048  }
0xb6: {  	_ =	swait.ge [sflag:s29], $0x1  }
0xb7: {  	[sflag:s29] =	ssyncadd.s32 $0xFFFFFFFF  }
0xb8: {  	_ =	strace $0x90000048  }
0xb9: {  	_ =	sfence  }
0xba: {  	s30 =	sld [smem:$0x0];
	_ =	sdelay $0x2  }
0xbb: {  	s31 =	sshll.u32 s1, $0xD;
	s1 =	sshrl.u32 s1, $0x2  }
0xbc: {  	s3 =	sand.u32 $0x4000, s31;
	s1 =	sadd.s32 s1, s30  }
0xbd: {  	s0 =	sor.u32 s3, s0;
	s1 =	sshll.u32 s1, $0x11  }
0xbe: {  	s0 =	sor.u32 s1, s0  }
0xbf: {  	s0 =	sadd.s32 $0x8F2B, s0  }
0xc0: {  	[sflag:s0] =	ssyncadd.remote.s32 $0x1  }
0xc1: {  	_ =	sfence.sel $0xFFFF  }
0xc2: {  	[dreg:$0x0] =	wrdreg $0xFFFFFFFF;
	(pc) =	sbr.abs _section_cstart, $3  }
0xc3: {  	[dreg:$0x1] =	wrdreg $0xFFFFFFFF  }
0xc4: {  	_ =	task.clear_ibuf [dreg:s9], $0x2FFFF;
	_ =	strace $0x9FFFFFFF  }
0xc5: {  	(tm) =	ssettm $0x7FFFFFFF  }
tec
execute0_lowered:
.L_overlay_start_1:
0x0: {  	(tag) =	ssettag $0x1  }
0x1: {  	s0 =	rddreg [dreg:$0x0]  }
0x2: {  	s2 =	srdreg.scid;
	s1 =	rddreg [dreg:$0x1]  }
0x3: {  	s3 =	rddreg [dreg:$0x2];
	s6 =	stileid.u32  }
0x4: {  	s28 =	simm.s32 $0x6;
	s29 =	simm.s32 $0x0;
	s2 =	sand.u32 $0x1, s2  }
0x5: {  	s6 =	sshll.u32 s6, $0x10;
	s4 =	ssub.s32 $0x2, s2;
	s2 =	sshll.u32 s2, $0xF  }
0x6: {  	s18 =	sadd.s32 $0x10, s0;
	s9 =	sadd.s32 $0x20, s0;
	s2 =	sor.u32 s2, s6  }
0x7: {  	s10 =	sadd.s32 $0x30, s0;
	s5 =	sshrl.u32 s4, $0x1;
	s17 =	sshrl.u32 s2, $0x1  }
0x8: {  	s6 =	simm.s32 $0x1;
	s4 =	ssub.s32 s4, s5;
	s8 =	sadd.s32 s0, s17  }
0x9: {  	s7 =	sshrl.u32 s2, $0x7;
	s20 =	sadd.s32 s17, s18;
	[dreg:$0x4] =	wrdreg s8  }
0xa: {  	s21 =	sor.u32 $0x40, s7;
	s12 =	sadd.s32 s17, s9;
	[dreg:$0x5] =	wrdreg s20  }
0xb: {  	s5 =	sadd.s32 s17, s10;
	s31 =	sor.u32 $0x80, s7;
	[dreg:$0x6] =	wrdreg s12  }
0xc: {  	s7 =	sor.u32 $0xC0, s7;
	s11 =	sshll.u32 s21, $0x6;
	[dreg:$0x7] =	wrdreg s5  }
0xd: {  	s22 =	sshll.u32 s31, $0x6;
	s19 =	sshll.u32 s7, $0x6;
	s5 =	simm.s32 $0x4  }
0xe: {  	s8 =	simm.s32 $0x5;
	s25 =	sadd.s32 s0, s11;
	s26 =	sadd.s32 s11, s18  }
0xf: {  	s30 =	sadd.s32 s11, s9;
	s11 =	sadd.s32 s11, s10;
	[dreg:$0x8] =	wrdreg s25  }
0x10: {  	s23 =	sadd.s32 s0, s22;
	s24 =	sadd.s32 s22, s18;
	[dreg:$0x9] =	wrdreg s26  }
0x11: {  	s13 =	sadd.s32 s22, s9;
	s14 =	sadd.s32 s22, s10;
	[dreg:$0xa] =	wrdreg s30  }
0x12: {  	s15 =	sadd.s32 s0, s19;
	s16 =	sadd.s32 s19, s18;
	[dreg:$0xb] =	wrdreg s11  }
0x13: {  	s17 =	sadd.s32 s19, s9;
	s18 =	simm.s32 $0x0;
	[dreg:$0xc] =	wrdreg s23  }
0x14: {  	s19 =	sadd.s32 s19, s10;
	s0 =	simm.s32 $0xC000;
	[dreg:$0xd] =	wrdreg s24  }
0x15: {  	s9 =	simm.s32 $0x2;
	s10 =	simm.s32 $0x16000;
	[smem:$0x7FF] =	sst s18  }
0x16: {  	s25 =	sshrl.u32 s2, $0x3;
	s26 =	sshll.u32 s21, $0x4;
	s30 =	sshll.u32 s31, $0x4  }
0x17: {  	s31 =	sshll.u32 s7, $0x4;
	s24 =	smax.u32 s4, $0x1;
	s4 =	simm.s32 $0x3  }
0x18: {  	s7 =	simm.s32 $0x14000;
	_ =	strace $0x80000047;
	s20 =	sadd.s32 s3, s25  }
0x19: {  	s21 =	sadd.s32 s3, s26;
	s22 =	sadd.s32 s3, s30;
	s23 =	sadd.s32 s3, s31  }
0x1a: {  	s25 =	simm.s32 $0x80;
	s26 =	simm.s32 $0x200;
	s3 =	simm.s32 $0xE000  }
.LBB2_1:
0x1b: {  	s2 =	rddreg [dreg:$0x4]  }
0x1c: {  	[tilespmem:s18], [sflag:$0x3] =	stream.strided.gather [hbm4b:s2+s25], $0x2000, s26, s25, $0x38;
	[tilespmem:$0x18000] =	vst v63  }
0x1d: {  	s31 =	rddreg [dreg:$0x5];
	s11 =	simm.s32 $0x2000  }
0x1e: {  	[tilespmem:s11], [sflag:$0x3] =	stream.strided.gather [hbm4b:s31+s25], $0x2000, s26, s25, $0x38;
	[tilespmem:$0x18000] =	vst v63  }
0x1f: {  	s12 =	rddreg [dreg:$0x6];
	s31 =	simm.s32 $0x4000  }
0x20: {  	[tilespmem:s31], [sflag:$0x3] =	stream.strided.gather [hbm4b:s12+s25], $0x2000, s26, s25, $0x38;
	[tilespmem:$0x18000] =	vst v63  }
0x21: {  	s12 =	rddreg [dreg:$0x7];
	s31 =	simm.s32 $0x6000  }
0x22: {  	[tilespmem:s31], [sflag:$0x3] =	stream.strided.gather [hbm4b:s12+s25], $0x2000, s26, s25, $0x38;
	[tilespmem:$0x18000] =	vst v63  }
0x23: {  	s12 =	rddreg [dreg:$0x8];
	s31 =	simm.s32 $0x8000  }
0x24: {  	[tilespmem:s31], [sflag:$0x4] =	stream.strided.gather [hbm4b:s12+s25], $0x2000, s26, s25, $0x38;
	[tilespmem:$0x18000] =	vst v63  }
0x25: {  	s12 =	rddreg [dreg:$0x9];
	s31 =	simm.s32 $0xA000  }
0x26: {  	[tilespmem:s31], [sflag:$0x4] =	stream.strided.gather [hbm4b:s12+s25], $0x2000, s26, s25, $0x38;
	[tilespmem:$0x18000] =	vst v63  }
0x27: {  	s12 =	rddreg [dreg:$0xa]  }
0x28: {  	[tilespmem:s0], [sflag:$0x4] =	stream.strided.gather [hbm4b:s12+s25], $0x2000, s26, s25, $0x38;
	[tilespmem:$0x18000] =	vst v63  }
0x29: {  	s31 =	rddreg [dreg:$0xb]  }
0x2a: {  	[tilespmem:s3], [sflag:$0x4] =	stream.strided.gather [hbm4b:s31+s25], $0x2000, s26, s25, $0x38;
	[tilespmem:$0x18000] =	vst v63  }
0x2b: {  	_ =	swait.ge [sflag:s4], $0x2000  }
0x2c: {  	[sflag:s4] =	ssyncset.done $0x0  }
0x2d: {  	[sflag:s4] =	ssyncadd.s32 $0xFFFFE000  }
0x2e: {  	_ =	swait.ge [sflag:s4], $0x2000  }
0x2f: {  	[sflag:s4] =	ssyncset.done $0x0  }
0x30: {  	[sflag:s4] =	ssyncadd.s32 $0xFFFFE000  }
0x31: {  	_ =	swait.ge [sflag:s4], $0x2000  }
0x32: {  	[sflag:s4] =	ssyncset.done $0x0  }
0x33: {  	[sflag:s4] =	ssyncadd.s32 $0xFFFFE000  }
0x34: {  	_ =	swait.ge [sflag:s4], $0x2000  }
0x35: {  	[sflag:s4] =	ssyncset.done $0x0  }
0x36: {  	s30 =	simm.s32 $0x0;
	[sflag:s4] =	ssyncadd.s32 $0xFFFFE000  }
0x37: {  	v0 =	vld [tilespmem:s30+$0x6000]  }
0x38: {  	v1 =	vld [tilespmem:s30+$0x0]  }
0x39: {  	v2 =	vld [tilespmem:s30+$0x6010]  }
0x3a: {  	v3 =	vld [tilespmem:s30+$0x10]  }
0x3b: {  	v5 =	vld [tilespmem:s30+$0x6020]  }
0x3c: {  	v6 =	vld [tilespmem:s30+$0x20]  }
0x3d: {  	v9 =	vld [tilespmem:s30+$0x30];
	_ =	sdelay $0x1  }
0x3e: {  	v4 =	vld [tilespmem:s30+$0x2000];
	v8 =	vmul.u32 $0x5795, v0  }
0x3f: {  	v7 =	vld [tilespmem:s30+$0x6030];
	v0 =	vshll.u32 v1, $0x10;
	v1 =	vshll.u32 v1, $0x7;
	v10 =	vshll.u32 v3, $0x10  }
0x40: {  	v11 =	vld [tilespmem:s30+$0x6040];
	v3 =	vshll.u32 v3, $0x7;
	v14 =	vmul.u32 $0x5795, v2;
	v15 =	vmul.u32 $0x5795, v5  }
0x41: {  	v12 =	vld [tilespmem:s30+$0x40];
	v2 =	vshll.u32 v6, $0x7;
	v5 =	vshll.u32 v9, $0x10;
	v0 =	vand.u32 $0xFFF80000, v0  }
0x42: {  	v16 =	vld [tilespmem:s30+$0x60];
	v1 =	vand.u32 $0x380, v1;
	v10 =	vand.u32 $0xFFF80000, v10;
	v3 =	vand.u32 $0x380, v3  }
0x43: {  	v13 =	vor.u32 v0, v1;
	v10 =	vor.u32 v10, v3;
	v1 =	vshll.u32 v6, $0x10;
	v3 =	vld [tilespmem:s30+$0x50]  }
0x44: {  	v2 =	vand.u32 $0x380, v2;
	v6 =	vshll.u32 v9, $0x7;
	v9 =	vld [tilespmem:s30+$0x6060];
	v1 =	vand.u32 $0xFFF80000, v1  }
0x45: {  	v20 =	vld [tilespmem:s30+$0x4000];
	v5 =	vand.u32 $0xFFF80000, v5;
	v6 =	vand.u32 $0x380, v6;
	v17 =	vor.u32 v1, v2  }
0x46: {  	v0 =	vld [tilespmem:s30+$0x6050];
	v19 =	vor.u32 v5, v6;
	v1 =	vshll.u32 v12, $0x10;
	v6 =	vshll.u32 v12, $0x7  }
0x47: {  	v2 =	vld [tilespmem:s30+$0x6070];
	v1 =	vand.u32 $0xFFF80000, v1;
	v6 =	vand.u32 $0x380, v6  }
0x48: {  	v18 =	vmul.u32 $0x5795, v7;
	v5 =	vmul.u32 $0x5795, v11;
	v12 =	vld [tilespmem:s30+$0x4010];
	v6 =	vor.u32 v1, v6  }
0x49: {  	v11 =	vld [tilespmem:s30+$0x70];
	v7 =	vshll.u32 v3, $0x10;
	v3 =	vshll.u32 v3, $0x7;
	v1 =	vmul.u32 $0x5795, v9  }
0x4a: {  	v9 =	vshll.u32 v16, $0x7;
	v21 =	vand.u32 $0xFFF80000, v7;
	v3 =	vand.u32 $0x380, v3  }
0x4b: {  	v61 =	vld [tilespmem:s30+$0x2010];
	v7 =	vmul.u32 $0x5795, v0;
	v0 =	vshll.u32 v16, $0x10;
	v16 =	vmul.u32 $0x79B1, v20  }
0x4c: {  	v9 =	vand.u32 $0x380, v9;
	v3 =	vor.u32 v21, v3;
	v0 =	vand.u32 $0xFFF80000, v0  }
0x4d: {  	v62 =	vld [tilespmem:s30+$0x4020];
	v2 =	vmul.u32 $0x5795, v2;
	v12 =	vmul.u32 $0x79B1, v12;
	v0 =	vor.u32 v0, v9  }
0x4e: {  	v22 =	vld [tilespmem:s30+$0x4030];
	v9 =	vshll.u32 v11, $0x10;
	v4 =	vxor.u32 v4, v16;
	v11 =	vshll.u32 v11, $0x7  }
0x4f: {  	v16 =	vld [tilespmem:s30+$0x2020];
	v8 =	vxor.u32 v8, v4;
	v4 =	vand.u32 $0xFFF80000, v9;
	v9 =	vand.u32 $0x380, v11  }
0x50: {  	v12 =	vxor.u32 v61, v12;
	v11 =	vshll.u32 v8, $0x3;
	v4 =	vor.u32 v4, v9  }
0x51: {  	v8 =	vand.u32 $0x7F, v8;
	v9 =	vand.u32 $0x7FC00, v11;
	v11 =	vxor.u32 v14, v12;
	v12 =	vld [tilespmem:s30+$0x2030]  }
0x52: {  	v8 =	vor.u32 v8, v13;
	v14 =	vmul.u32 $0x79B1, v62;
	v13 =	vshll.u32 v11, $0x3  }
0x53: {  	v8 =	vor.u32 v9, v8;
	v11 =	vand.u32 $0x7F, v11;
	v9 =	vand.u32 $0x7FC00, v13;
	v13 =	vld [tilespmem:s30+$0x4040]  }
0x54: {  	v63 =	vld [tilespmem:s30+$0x2040];
	v10 =	vor.u32 v11, v10;
	v11 =	vxor.u32 v16, v14;
	v14 =	vmul.u32 $0x79B1, v22  }
0x55: {  	v8 =	vxor.u32 $0x1, v8;
	v9 =	vor.u32 v9, v10;
	v10 =	vxor.u32 v15, v11;
	v15 =	vld [tilespmem:s30+$0x4050]  }
0x56: {  	v9 =	vxor.u32 $0x1, v9;
	v11 =	vshll.u32 v10, $0x3;
	v12 =	vxor.u32 v12, v14  }
0x57: {  	v10 =	vand.u32 $0x7F, v10;
	v14 =	vand.u32 $0x7FC00, v11;
	v11 =	vld [tilespmem:s30+$0x2050];
	v12 =	vxor.u32 v18, v12  }
0x58: {  	v10 =	vor.u32 v10, v17;
	v16 =	vshll.u32 v12, $0x3;
	v17 =	vmul.u32 $0x79B1, v13  }
0x59: {  	v13 =	vor.u32 v14, v10;
	v10 =	vand.u32 $0x7F, v12;
	v12 =	vld [tilespmem:s30+$0x4060];
	v14 =	vand.u32 $0x7FC00, v16  }
0x5a: {  	s11 =	simm.s32 $0x200;
	v16 =	vor.u32 v10, v19;
	v15 =	vmul.u32 $0x79B1, v15;
	v10 =	vld [tilespmem:s30+$0x2060];
	v17 =	vxor.u32 v63, v17  }
.LBB2_2:
0x5b: {  	p0 =	sne.s32 s11, $0x7E00;
	v13 =	vxor.u32 $0x1, v13;
	v14 =	vor.u32 v14, v16;
	v5 =	vxor.u32 v5, v17;
	v16 =	vld [tilespmem:s30+$0x4070]  }
0x5c: {  	v14 =	vxor.u32 $0x1, v14;
	v17 =	vshll.u32 v5, $0x3;
	v11 =	vxor.u32 v11, v15  }
0x5d: {  	v5 =	vand.u32 $0x7F, v5;
	v15 =	vand.u32 $0x7FC00, v17;
	v7 =	vxor.u32 v7, v11;
	v11 =	vld [tilespmem:s30+$0x2070]  }
0x5e: {  	v5 =	vor.u32 v5, v6;
	v6 =	vshll.u32 v7, $0x3;
	v12 =	vmul.u32 $0x79B1, v12  }
0x5f: {  	v5 =	vor.u32 v15, v5;
	v7 =	vand.u32 $0x7F, v7;
	v6 =	vand.u32 $0x7FC00, v6  }
0x60: {  	v3 =	vor.u32 v7, v3;
	v7 =	vxor.u32 v10, v12;
	v10 =	vmul.u32 $0x79B1, v16  }
0x61: {  	v5 =	vxor.u32 $0x1, v5;
	v3 =	vor.u32 v6, v3;
	[tilespmem:s30+$0x10000] =	vst v8;
	v1 =	vxor.u32 v1, v7  }
0x62: {  	v3 =	vxor.u32 $0x1, v3;
	[tilespmem:s30+$0x10010] =	vst v9;
	v6 =	vshll.u32 v1, $0x3;
	v7 =	vxor.u32 v11, v10  }
0x63: {  	v1 =	vand.u32 $0x7F, v1;
	[tilespmem:s30+$0x10020] =	vst v13;
	v6 =	vand.u32 $0x7FC00, v6;
	v2 =	vxor.u32 v2, v7  }
0x64: {  	v0 =	vor.u32 v1, v0;
	[tilespmem:s30+$0x10030] =	vst v14;
	v1 =	vshll.u32 v2, $0x3;
	v2 =	vand.u32 $0x7F, v2  }
0x65: {  	v0 =	vor.u32 v6, v0;
	[tilespmem:s30+$0x10040] =	vst v5;
	v1 =	vand.u32 $0x7FC00, v1;
	v2 =	vor.u32 v2, v4  }
0x66: {  	v0 =	vxor.u32 $0x1, v0;
	[tilespmem:s30+$0x10050] =	vst v3;
	v1 =	vor.u32 v1, v2  }
0x67: {  	s31 =	sshra.s32 s11, $0x2;
	s12 =	sadd.s32 $0x10000, s30;
	s2 =	sadd.s32 $0x14000, s30;
	[tilespmem:s30+$0x10060] =	vst v0;
	v0 =	vxor.u32 $0x1, v1  }
0x68: {  	[tilespmem:s30+$0x10070] =	vst v0;
	[tilespmem:s2], [sflag:$0x1] =	stream.indirect.gather [hbm4b:s1+s25], $0x1, s12, s25, $0xb8  }
0x69: {  	s30 =	smov.u32 s31;
	v0 =	vld [tilespmem:s31+$0x6000]  }
0x6a: {  	v4 =	vld [tilespmem:s30+$0x2000]  }
0x6b: {  	v1 =	vld [tilespmem:s30+$0x0]  }
0x6c: {  	v2 =	vld [tilespmem:s30+$0x6010]  }
0x6d: {  	v3 =	vld [tilespmem:s30+$0x10]  }
0x6e: {  	v5 =	vld [tilespmem:s30+$0x6020]  }
0x6f: {  	v6 =	vld [tilespmem:s30+$0x20]  }
0x70: {  	v7 =	vld [tilespmem:s30+$0x6030]  }
0x71: {  	v8 =	vmul.u32 $0x5795, v0;
	v0 =	vshll.u32 v1, $0x10;
	v1 =	vshll.u32 v1, $0x7;
	v9 =	vld [tilespmem:s30+$0x30]  }
0x72: {  	v0 =	vand.u32 $0xFFF80000, v0;
	v10 =	vshll.u32 v3, $0x10;
	v3 =	vshll.u32 v3, $0x7;
	v11 =	vld [tilespmem:s30+$0x6040]  }
0x73: {  	v1 =	vand.u32 $0x380, v1;
	v10 =	vand.u32 $0xFFF80000, v10;
	v3 =	vand.u32 $0x380, v3;
	v12 =	vld [tilespmem:s30+$0x40]  }
0x74: {  	v14 =	vmul.u32 $0x5795, v2;
	v13 =	vor.u32 v0, v1;
	v10 =	vor.u32 v10, v3;
	v0 =	vld [tilespmem:s30+$0x6050]  }
0x75: {  	v15 =	vmul.u32 $0x5795, v5;
	v1 =	vshll.u32 v6, $0x10;
	v2 =	vshll.u32 v6, $0x7;
	v3 =	vld [tilespmem:s30+$0x50]  }
0x76: {  	v1 =	vand.u32 $0xFFF80000, v1;
	v5 =	vshll.u32 v9, $0x10;
	v6 =	vshll.u32 v9, $0x7;
	v9 =	vld [tilespmem:s30+$0x6060]  }
0x77: {  	v2 =	vand.u32 $0x380, v2;
	v5 =	vand.u32 $0xFFF80000, v5;
	v6 =	vand.u32 $0x380, v6;
	v16 =	vld [tilespmem:s30+$0x60]  }
0x78: {  	v18 =	vmul.u32 $0x5795, v7;
	v17 =	vor.u32 v1, v2;
	v19 =	vor.u32 v5, v6;
	v2 =	vld [tilespmem:s30+$0x6070]  }
0x79: {  	v5 =	vmul.u32 $0x5795, v11;
	v1 =	vshll.u32 v12, $0x10;
	v6 =	vshll.u32 v12, $0x7;
	v20 =	vld [tilespmem:s30+$0x4000]  }
0x7a: {  	v1 =	vand.u32 $0xFFF80000, v1;
	v7 =	vshll.u32 v3, $0x10;
	v3 =	vshll.u32 v3, $0x7;
	v11 =	vld [tilespmem:s30+$0x70]  }
0x7b: {  	v6 =	vand.u32 $0x380, v6;
	v12 =	vld [tilespmem:s30+$0x4010];
	v21 =	vand.u32 $0xFFF80000, v7;
	v3 =	vand.u32 $0x380, v3  }
0x7c: {  	v6 =	vor.u32 v1, v6;
	v7 =	vmul.u32 $0x5795, v0;
	v3 =	vor.u32 v21, v3  }
0x7d: {  	v1 =	vmul.u32 $0x5795, v9;
	v0 =	vshll.u32 v16, $0x10;
	v9 =	vshll.u32 v16, $0x7;
	v21 =	vld [tilespmem:s30+$0x2010]  }
0x7e: {  	v0 =	vand.u32 $0xFFF80000, v0;
	v9 =	vand.u32 $0x380, v9;
	v16 =	vmul.u32 $0x79B1, v20  }
0x7f: {  	v2 =	vmul.u32 $0x5795, v2;
	v0 =	vor.u32 v0, v9;
	v20 =	vld [tilespmem:s30+$0x4020];
	v9 =	vshll.u32 v11, $0x10  }
0x80: {  	v11 =	vshll.u32 v11, $0x7;
	v4 =	vxor.u32 v4, v16;
	v12 =	vmul.u32 $0x79B1, v12;
	v16 =	vld [tilespmem:s30+$0x2020]  }
0x81: {  	v8 =	vxor.u32 v8, v4;
	v22 =	vld [tilespmem:s30+$0x4030];
	v4 =	vand.u32 $0xFFF80000, v9;
	v9 =	vand.u32 $0x380, v11  }
0x82: {  	v11 =	vshll.u32 v8, $0x3;
	v12 =	vxor.u32 v21, v12;
	v4 =	vor.u32 v4, v9  }
0x83: {  	v8 =	vand.u32 $0x7F, v8;
	v9 =	vand.u32 $0x7FC00, v11;
	v11 =	vxor.u32 v14, v12;
	v12 =	vld [tilespmem:s30+$0x2030]  }
0x84: {  	v8 =	vor.u32 v8, v13;
	v13 =	vshll.u32 v11, $0x3;
	v14 =	vmul.u32 $0x79B1, v20  }
0x85: {  	v8 =	vor.u32 v9, v8;
	v11 =	vand.u32 $0x7F, v11;
	v9 =	vand.u32 $0x7FC00, v13;
	v13 =	vld [tilespmem:s30+$0x4040]  }
0x86: {  	v10 =	vor.u32 v11, v10;
	v11 =	vxor.u32 v16, v14;
	v14 =	vmul.u32 $0x79B1, v22;
	v20 =	vld [tilespmem:s30+$0x2040]  }
0x87: {  	v8 =	vxor.u32 $0x1, v8;
	v9 =	vor.u32 v9, v10;
	v10 =	vxor.u32 v15, v11;
	v15 =	vld [tilespmem:s30+$0x4050]  }
.Ltmp0:
0x88: {  	v9 =	vxor.u32 $0x1, v9;
	v11 =	vshll.u32 v10, $0x3;
	v12 =	vxor.u32 v12, v14;
	(pc) =	sbr.rel @p0 .LBB2_2-.Ltmp0, $4  }
0x89: {  	v10 =	vand.u32 $0x7F, v10;
	v14 =	vand.u32 $0x7FC00, v11;
	v12 =	vxor.u32 v18, v12;
	v11 =	vld [tilespmem:s30+$0x2050]  }
0x8a: {  	v10 =	vor.u32 v10, v17;
	v16 =	vshll.u32 v12, $0x3;
	v17 =	vmul.u32 $0x79B1, v13  }
0x8b: {  	v13 =	vor.u32 v14, v10;
	v10 =	vand.u32 $0x7F, v12;
	v14 =	vand.u32 $0x7FC00, v16;
	v12 =	vld [tilespmem:s30+$0x4060]  }
0x8c: {  	s11 =	sadd.s32 $0x200, s11;
	v16 =	vor.u32 v10, v19;
	v17 =	vxor.u32 v20, v17;
	v15 =	vmul.u32 $0x79B1, v15;
	v10 =	vld [tilespmem:s30+$0x2060]  }
0x8d: {  	v13 =	vxor.u32 $0x1, v13;
	v14 =	vor.u32 v14, v16;
	v5 =	vxor.u32 v5, v17;
	v16 =	vld [tilespmem:s30+$0x4070]  }
0x8e: {  	v14 =	vxor.u32 $0x1, v14;
	v17 =	vshll.u32 v5, $0x3;
	v11 =	vxor.u32 v11, v15  }
0x8f: {  	v5 =	vand.u32 $0x7F, v5;
	v15 =	vand.u32 $0x7FC00, v17;
	v7 =	vxor.u32 v7, v11;
	v11 =	vld [tilespmem:s30+$0x2070]  }
0x90: {  	v5 =	vor.u32 v5, v6;
	v6 =	vshll.u32 v7, $0x3;
	v12 =	vmul.u32 $0x79B1, v12  }
0x91: {  	v5 =	vor.u32 v15, v5;
	v7 =	vand.u32 $0x7F, v7;
	v6 =	vand.u32 $0x7FC00, v6  }
0x92: {  	v3 =	vor.u32 v7, v3;
	v7 =	vxor.u32 v10, v12;
	v10 =	vmul.u32 $0x79B1, v16  }
0x93: {  	[tilespmem:s30+$0x10000] =	vst v8;
	v5 =	vxor.u32 $0x1, v5;
	v3 =	vor.u32 v6, v3;
	v1 =	vxor.u32 v1, v7  }
0x94: {  	[tilespmem:s30+$0x10010] =	vst v9;
	v3 =	vxor.u32 $0x1, v3;
	v6 =	vshll.u32 v1, $0x3;
	v7 =	vxor.u32 v11, v10  }
0x95: {  	[tilespmem:s30+$0x10020] =	vst v13;
	v1 =	vand.u32 $0x7F, v1;
	v6 =	vand.u32 $0x7FC00, v6;
	v2 =	vxor.u32 v2, v7  }
0x96: {  	[tilespmem:s30+$0x10030] =	vst v14;
	v0 =	vor.u32 v1, v0;
	v1 =	vshll.u32 v2, $0x3;
	v2 =	vand.u32 $0x7F, v2  }
0x97: {  	[tilespmem:s30+$0x10040] =	vst v5;
	v0 =	vor.u32 v6, v0;
	v1 =	vand.u32 $0x7FC00, v1;
	v2 =	vor.u32 v2, v4  }
0x98: {  	[tilespmem:s30+$0x10050] =	vst v3;
	v0 =	vxor.u32 $0x1, v0;
	v1 =	vor.u32 v1, v2  }
0x99: {  	[tilespmem:s30+$0x10060] =	vst v0;
	v0 =	vxor.u32 $0x1, v1  }
0x9a: {  	s2 =	sadd.s32 $0x10000, s30;
	s11 =	sadd.s32 $0x14000, s30;
	[tilespmem:s30+$0x10070] =	vst v0  }
0x9b: {  	[tilespmem:s11], [sflag:$0x1] =	stream.indirect.gather [hbm4b:s1+s25], $0x1, s2, s25, $0xb8;
	[tilespmem:$0x18000] =	vst v63  }
0x9c: {  	s12 =	simm.s32 $0x0;
	s31 =	rddreg [dreg:$0xc]  }
0x9d: {  	[tilespmem:s12], [sflag:$0x3] =	stream.strided.gather [hbm4b:s31+s25], $0x2000, s26, s25, $0x38;
	[tilespmem:$0x18000] =	vst v63  }
0x9e: {  	s12 =	rddreg [dreg:$0xd];
	s31 =	simm.s32 $0x2000  }
0x9f: {  	[tilespmem:s31], [sflag:$0x3] =	stream.strided.gather [hbm4b:s12+s25], $0x2000, s26, s25, $0x38;
	[tilespmem:$0x18000] =	vst v63  }
0xa0: {  	s12 =	simm.s32 $0x4000  }
0xa1: {  	[tilespmem:s12], [sflag:$0x3] =	stream.strided.gather [hbm4b:s13+s25], $0x2000, s26, s25, $0x38;
	[tilespmem:$0x18000] =	vst v63  }
0xa2: {  	s31 =	simm.s32 $0x6000  }
0xa3: {  	[tilespmem:s31], [sflag:$0x3] =	stream.strided.gather [hbm4b:s14+s25], $0x2000, s26, s25, $0x38;
	[tilespmem:$0x18000] =	vst v63  }
0xa4: {  	_ =	swait.ge [sflag:s5], $0x2000  }
0xa5: {  	[sflag:s5] =	ssyncset.done $0x0  }
0xa6: {  	[sflag:s5] =	ssyncadd.s32 $0xFFFFE000  }
0xa7: {  	_ =	swait.ge [sflag:s5], $0x2000  }
0xa8: {  	[sflag:s5] =	ssyncset.done $0x0  }
0xa9: {  	[sflag:s5] =	ssyncadd.s32 $0xFFFFE000  }
0xaa: {  	_ =	swait.ge [sflag:s5], $0x2000  }
0xab: {  	[sflag:s5] =	ssyncset.done $0x0  }
0xac: {  	[sflag:s5] =	ssyncadd.s32 $0xFFFFE000  }
0xad: {  	_ =	swait.ge [sflag:s5], $0x2000  }
0xae: {  	[sflag:s5] =	ssyncset.done $0x0  }
0xaf: {  	s30 =	simm.s32 $0x0;
	[sflag:s5] =	ssyncadd.s32 $0xFFFFE000  }
0xb0: {  	v0 =	vld [tilespmem:s30+$0xE000]  }
0xb1: {  	v1 =	vld [tilespmem:s30+$0x8000]  }
0xb2: {  	v2 =	vld [tilespmem:s30+$0xE010]  }
0xb3: {  	v3 =	vld [tilespmem:s30+$0x8010]  }
0xb4: {  	v5 =	vld [tilespmem:s30+$0xE020]  }
0xb5: {  	v6 =	vld [tilespmem:s30+$0x8020]  }
0xb6: {  	v9 =	vld [tilespmem:s30+$0x8030];
	_ =	sdelay $0x1  }
0xb7: {  	v4 =	vld [tilespmem:s30+$0xA000];
	v8 =	vmul.u32 $0x5795, v0  }
0xb8: {  	v7 =	vld [tilespmem:s30+$0xE030];
	v0 =	vshll.u32 v1, $0x10;
	v1 =	vshll.u32 v1, $0x7;
	v10 =	vshll.u32 v3, $0x10  }
0xb9: {  	v11 =	vld [tilespmem:s30+$0xE040];
	v3 =	vshll.u32 v3, $0x7;
	v14 =	vmul.u32 $0x5795, v2;
	v15 =	vmul.u32 $0x5795, v5  }
0xba: {  	v12 =	vld [tilespmem:s30+$0x8040];
	v2 =	vshll.u32 v6, $0x7;
	v5 =	vshll.u32 v9, $0x10;
	v0 =	vand.u32 $0xFFF80000, v0  }
0xbb: {  	v16 =	vld [tilespmem:s30+$0x8060];
	v1 =	vand.u32 $0x380, v1;
	v10 =	vand.u32 $0xFFF80000, v10;
	v3 =	vand.u32 $0x380, v3  }
0xbc: {  	v13 =	vor.u32 v0, v1;
	v10 =	vor.u32 v10, v3;
	v1 =	vshll.u32 v6, $0x10;
	v3 =	vld [tilespmem:s30+$0x8050]  }
0xbd: {  	v2 =	vand.u32 $0x380, v2;
	v6 =	vshll.u32 v9, $0x7;
	v9 =	vld [tilespmem:s30+$0xE060];
	v1 =	vand.u32 $0xFFF80000, v1  }
0xbe: {  	v20 =	vld [tilespmem:s30+$0xC000];
	v5 =	vand.u32 $0xFFF80000, v5;
	v6 =	vand.u32 $0x380, v6;
	v17 =	vor.u32 v1, v2  }
0xbf: {  	v0 =	vld [tilespmem:s30+$0xE050];
	v19 =	vor.u32 v5, v6;
	v1 =	vshll.u32 v12, $0x10;
	v6 =	vshll.u32 v12, $0x7  }
0xc0: {  	v2 =	vld [tilespmem:s30+$0xE070];
	v1 =	vand.u32 $0xFFF80000, v1;
	v6 =	vand.u32 $0x380, v6  }
0xc1: {  	v18 =	vmul.u32 $0x5795, v7;
	v5 =	vmul.u32 $0x5795, v11;
	v12 =	vld [tilespmem:s30+$0xC010];
	v6 =	vor.u32 v1, v6  }
0xc2: {  	v11 =	vld [tilespmem:s30+$0x8070];
	v7 =	vshll.u32 v3, $0x10;
	v3 =	vshll.u32 v3, $0x7;
	v1 =	vmul.u32 $0x5795, v9  }
0xc3: {  	v9 =	vshll.u32 v16, $0x7;
	v21 =	vand.u32 $0xFFF80000, v7;
	v3 =	vand.u32 $0x380, v3  }
0xc4: {  	v61 =	vld [tilespmem:s30+$0xA010];
	v7 =	vmul.u32 $0x5795, v0;
	v0 =	vshll.u32 v16, $0x10;
	v16 =	vmul.u32 $0x79B1, v20  }
0xc5: {  	v9 =	vand.u32 $0x380, v9;
	v3 =	vor.u32 v21, v3;
	v0 =	vand.u32 $0xFFF80000, v0  }
0xc6: {  	v62 =	vld [tilespmem:s30+$0xC020];
	v2 =	vmul.u32 $0x5795, v2;
	v12 =	vmul.u32 $0x79B1, v12;
	v0 =	vor.u32 v0, v9  }
0xc7: {  	v22 =	vld [tilespmem:s30+$0xC030];
	v9 =	vshll.u32 v11, $0x10;
	v4 =	vxor.u32 v4, v16;
	v11 =	vshll.u32 v11, $0x7  }
0xc8: {  	v16 =	vld [tilespmem:s30+$0xA020];
	v8 =	vxor.u32 v8, v4;
	v4 =	vand.u32 $0xFFF80000, v9;
	v9 =	vand.u32 $0x380, v11  }
0xc9: {  	v12 =	vxor.u32 v61, v12;
	v11 =	vshll.u32 v8, $0x3;
	v4 =	vor.u32 v4, v9  }
0xca: {  	v8 =	vand.u32 $0x7F, v8;
	v9 =	vand.u32 $0x7FC00, v11;
	v11 =	vxor.u32 v14, v12;
	v12 =	vld [tilespmem:s30+$0xA030]  }
0xcb: {  	v8 =	vor.u32 v8, v13;
	v14 =	vmul.u32 $0x79B1, v62;
	v13 =	vshll.u32 v11, $0x3  }
0xcc: {  	v8 =	vor.u32 v9, v8;
	v11 =	vand.u32 $0x7F, v11;
	v9 =	vand.u32 $0x7FC00, v13;
	v13 =	vld [tilespmem:s30+$0xC040]  }
0xcd: {  	v63 =	vld [tilespmem:s30+$0xA040];
	v10 =	vor.u32 v11, v10;
	v11 =	vxor.u32 v16, v14;
	v14 =	vmul.u32 $0x79B1, v22  }
0xce: {  	v8 =	vxor.u32 $0x1, v8;
	v9 =	vor.u32 v9, v10;
	v10 =	vxor.u32 v15, v11;
	v15 =	vld [tilespmem:s30+$0xC050]  }
0xcf: {  	v9 =	vxor.u32 $0x1, v9;
	v11 =	vshll.u32 v10, $0x3;
	v12 =	vxor.u32 v12, v14  }
0xd0: {  	v10 =	vand.u32 $0x7F, v10;
	v14 =	vand.u32 $0x7FC00, v11;
	v11 =	vld [tilespmem:s30+$0xA050];
	v12 =	vxor.u32 v18, v12  }
0xd1: {  	v10 =	vor.u32 v10, v17;
	v16 =	vshll.u32 v12, $0x3;
	v17 =	vmul.u32 $0x79B1, v13  }
0xd2: {  	v13 =	vor.u32 v14, v10;
	v10 =	vand.u32 $0x7F, v12;
	v12 =	vld [tilespmem:s30+$0xC060];
	v14 =	vand.u32 $0x7FC00, v16  }
0xd3: {  	s11 =	simm.s32 $0x200;
	v16 =	vor.u32 v10, v19;
	v15 =	vmul.u32 $0x79B1, v15;
	v10 =	vld [tilespmem:s30+$0xA060];
	v17 =	vxor.u32 v63, v17  }
.LBB2_4:
0xd4: {  	p0 =	sne.s32 s11, $0x7E00;
	v13 =	vxor.u32 $0x1, v13;
	v14 =	vor.u32 v14, v16;
	v5 =	vxor.u32 v5, v17;
	v16 =	vld [tilespmem:s30+$0xC070]  }
0xd5: {  	v14 =	vxor.u32 $0x1, v14;
	v17 =	vshll.u32 v5, $0x3;
	v11 =	vxor.u32 v11, v15  }
0xd6: {  	v5 =	vand.u32 $0x7F, v5;
	v15 =	vand.u32 $0x7FC00, v17;
	v7 =	vxor.u32 v7, v11;
	v11 =	vld [tilespmem:s30+$0xA070]  }
0xd7: {  	v5 =	vor.u32 v5, v6;
	v6 =	vshll.u32 v7, $0x3;
	v12 =	vmul.u32 $0x79B1, v12  }
0xd8: {  	v5 =	vor.u32 v15, v5;
	v7 =	vand.u32 $0x7F, v7;
	v6 =	vand.u32 $0x7FC00, v6  }
0xd9: {  	v3 =	vor.u32 v7, v3;
	v7 =	vxor.u32 v10, v12;
	v10 =	vmul.u32 $0x79B1, v16  }
0xda: {  	v5 =	vxor.u32 $0x1, v5;
	v3 =	vor.u32 v6, v3;
	[tilespmem:s30+$0x12000] =	vst v8;
	v1 =	vxor.u32 v1, v7  }
0xdb: {  	v3 =	vxor.u32 $0x1, v3;
	[tilespmem:s30+$0x12010] =	vst v9;
	v6 =	vshll.u32 v1, $0x3;
	v7 =	vxor.u32 v11, v10  }
0xdc: {  	v1 =	vand.u32 $0x7F, v1;
	[tilespmem:s30+$0x12020] =	vst v13;
	v6 =	vand.u32 $0x7FC00, v6;
	v2 =	vxor.u32 v2, v7  }
0xdd: {  	v0 =	vor.u32 v1, v0;
	[tilespmem:s30+$0x12030] =	vst v14;
	v1 =	vshll.u32 v2, $0x3;
	v2 =	vand.u32 $0x7F, v2  }
0xde: {  	v0 =	vor.u32 v6, v0;
	[tilespmem:s30+$0x12040] =	vst v5;
	v1 =	vand.u32 $0x7FC00, v1;
	v2 =	vor.u32 v2, v4  }
0xdf: {  	v0 =	vxor.u32 $0x1, v0;
	[tilespmem:s30+$0x12050] =	vst v3;
	v1 =	vor.u32 v1, v2  }
0xe0: {  	s2 =	sshra.s32 s11, $0x2;
	s12 =	sadd.s32 $0x12000, s30;
	s31 =	sadd.s32 $0x16000, s30;
	[tilespmem:s30+$0x12060] =	vst v0;
	v0 =	vxor.u32 $0x1, v1  }
0xe1: {  	[tilespmem:s30+$0x12070] =	vst v0;
	[tilespmem:s31], [sflag:$0x2] =	stream.indirect.gather [hbm4b:s1+s25], $0x1, s12, s25, $0xb8  }
0xe2: {  	s30 =	smov.u32 s2;
	v0 =	vld [tilespmem:s2+$0xE000]  }
0xe3: {  	v4 =	vld [tilespmem:s30+$0xA000]  }
0xe4: {  	v1 =	vld [tilespmem:s30+$0x8000]  }
0xe5: {  	v2 =	vld [tilespmem:s30+$0xE010]  }
0xe6: {  	v3 =	vld [tilespmem:s30+$0x8010]  }
0xe7: {  	v5 =	vld [tilespmem:s30+$0xE020]  }
0xe8: {  	v6 =	vld [tilespmem:s30+$0x8020]  }
0xe9: {  	v7 =	vld [tilespmem:s30+$0xE030]  }
0xea: {  	v8 =	vmul.u32 $0x5795, v0;
	v0 =	vshll.u32 v1, $0x10;
	v1 =	vshll.u32 v1, $0x7;
	v9 =	vld [tilespmem:s30+$0x8030]  }
0xeb: {  	v0 =	vand.u32 $0xFFF80000, v0;
	v10 =	vshll.u32 v3, $0x10;
	v3 =	vshll.u32 v3, $0x7;
	v11 =	vld [tilespmem:s30+$0xE040]  }
0xec: {  	v1 =	vand.u32 $0x380, v1;
	v10 =	vand.u32 $0xFFF80000, v10;
	v3 =	vand.u32 $0x380, v3;
	v12 =	vld [tilespmem:s30+$0x8040]  }
0xed: {  	v14 =	vmul.u32 $0x5795, v2;
	v13 =	vor.u32 v0, v1;
	v10 =	vor.u32 v10, v3;
	v0 =	vld [tilespmem:s30+$0xE050]  }
0xee: {  	v15 =	vmul.u32 $0x5795, v5;
	v1 =	vshll.u32 v6, $0x10;
	v2 =	vshll.u32 v6, $0x7;
	v3 =	vld [tilespmem:s30+$0x8050]  }
0xef: {  	v1 =	vand.u32 $0xFFF80000, v1;
	v5 =	vshll.u32 v9, $0x10;
	v6 =	vshll.u32 v9, $0x7;
	v9 =	vld [tilespmem:s30+$0xE060]  }
0xf0: {  	v2 =	vand.u32 $0x380, v2;
	v5 =	vand.u32 $0xFFF80000, v5;
	v6 =	vand.u32 $0x380, v6;
	v16 =	vld [tilespmem:s30+$0x8060]  }
0xf1: {  	v18 =	vmul.u32 $0x5795, v7;
	v17 =	vor.u32 v1, v2;
	v19 =	vor.u32 v5, v6;
	v2 =	vld [tilespmem:s30+$0xE070]  }
0xf2: {  	v5 =	vmul.u32 $0x5795, v11;
	v1 =	vshll.u32 v12, $0x10;
	v6 =	vshll.u32 v12, $0x7;
	v20 =	vld [tilespmem:s30+$0xC000]  }
0xf3: {  	v1 =	vand.u32 $0xFFF80000, v1;
	v7 =	vshll.u32 v3, $0x10;
	v3 =	vshll.u32 v3, $0x7;
	v11 =	vld [tilespmem:s30+$0x8070]  }
0xf4: {  	v6 =	vand.u32 $0x380, v6;
	v12 =	vld [tilespmem:s30+$0xC010];
	v21 =	vand.u32 $0xFFF80000, v7;
	v3 =	vand.u32 $0x380, v3  }
0xf5: {  	v6 =	vor.u32 v1, v6;
	v7 =	vmul.u32 $0x5795, v0;
	v3 =	vor.u32 v21, v3  }
0xf6: {  	v1 =	vmul.u32 $0x5795, v9;
	v0 =	vshll.u32 v16, $0x10;
	v9 =	vshll.u32 v16, $0x7;
	v21 =	vld [tilespmem:s30+$0xA010]  }
0xf7: {  	v0 =	vand.u32 $0xFFF80000, v0;
	v9 =	vand.u32 $0x380, v9;
	v16 =	vmul.u32 $0x79B1, v20  }
0xf8: {  	v2 =	vmul.u32 $0x5795, v2;
	v0 =	vor.u32 v0, v9;
	v20 =	vld [tilespmem:s30+$0xC020];
	v9 =	vshll.u32 v11, $0x10  }
0xf9: {  	v11 =	vshll.u32 v11, $0x7;
	v4 =	vxor.u32 v4, v16;
	v12 =	vmul.u32 $0x79B1, v12;
	v16 =	vld [tilespmem:s30+$0xA020]  }
0xfa: {  	v8 =	vxor.u32 v8, v4;
	v22 =	vld [tilespmem:s30+$0xC030];
	v4 =	vand.u32 $0xFFF80000, v9;
	v9 =	vand.u32 $0x380, v11  }
0xfb: {  	v11 =	vshll.u32 v8, $0x3;
	v12 =	vxor.u32 v21, v12;
	v4 =	vor.u32 v4, v9  }
0xfc: {  	v8 =	vand.u32 $0x7F, v8;
	v9 =	vand.u32 $0x7FC00, v11;
	v11 =	vxor.u32 v14, v12;
	v12 =	vld [tilespmem:s30+$0xA030]  }
0xfd: {  	v8 =	vor.u32 v8, v13;
	v13 =	vshll.u32 v11, $0x3;
	v14 =	vmul.u32 $0x79B1, v20  }
0xfe: {  	v8 =	vor.u32 v9, v8;
	v11 =	vand.u32 $0x7F, v11;
	v9 =	vand.u32 $0x7FC00, v13;
	v13 =	vld [tilespmem:s30+$0xC040]  }
0xff: {  	v10 =	vor.u32 v11, v10;
	v11 =	vxor.u32 v16, v14;
	v14 =	vmul.u32 $0x79B1, v22;
	v20 =	vld [tilespmem:s30+$0xA040]  }
0x100: {  	v8 =	vxor.u32 $0x1, v8;
	v9 =	vor.u32 v9, v10;
	v10 =	vxor.u32 v15, v11;
	v15 =	vld [tilespmem:s30+$0xC050]  }
.Ltmp1:
0x101: {  	v9 =	vxor.u32 $0x1, v9;
	v11 =	vshll.u32 v10, $0x3;
	v12 =	vxor.u32 v12, v14;
	(pc) =	sbr.rel @p0 .LBB2_4-.Ltmp1, $4  }
0x102: {  	v10 =	vand.u32 $0x7F, v10;
	v14 =	vand.u32 $0x7FC00, v11;
	v12 =	vxor.u32 v18, v12;
	v11 =	vld [tilespmem:s30+$0xA050]  }
0x103: {  	v10 =	vor.u32 v10, v17;
	v16 =	vshll.u32 v12, $0x3;
	v17 =	vmul.u32 $0x79B1, v13  }
0x104: {  	v13 =	vor.u32 v14, v10;
	v10 =	vand.u32 $0x7F, v12;
	v14 =	vand.u32 $0x7FC00, v16;
	v12 =	vld [tilespmem:s30+$0xC060]  }
0x105: {  	s11 =	sadd.s32 $0x200, s11;
	v16 =	vor.u32 v10, v19;
	v17 =	vxor.u32 v20, v17;
	v15 =	vmul.u32 $0x79B1, v15;
	v10 =	vld [tilespmem:s30+$0xA060]  }
0x106: {  	v13 =	vxor.u32 $0x1, v13;
	v14 =	vor.u32 v14, v16;
	v5 =	vxor.u32 v5, v17;
	v16 =	vld [tilespmem:s30+$0xC070]  }
0x107: {  	v14 =	vxor.u32 $0x1, v14;
	v17 =	vshll.u32 v5, $0x3;
	v11 =	vxor.u32 v11, v15  }
0x108: {  	v5 =	vand.u32 $0x7F, v5;
	v15 =	vand.u32 $0x7FC00, v17;
	v7 =	vxor.u32 v7, v11;
	v11 =	vld [tilespmem:s30+$0xA070]  }
0x109: {  	v5 =	vor.u32 v5, v6;
	v6 =	vshll.u32 v7, $0x3;
	v12 =	vmul.u32 $0x79B1, v12  }
0x10a: {  	v5 =	vor.u32 v15, v5;
	v7 =	vand.u32 $0x7F, v7;
	v6 =	vand.u32 $0x7FC00, v6  }
0x10b: {  	v3 =	vor.u32 v7, v3;
	v7 =	vxor.u32 v10, v12;
	v10 =	vmul.u32 $0x79B1, v16  }
0x10c: {  	[tilespmem:s30+$0x12000] =	vst v8;
	v5 =	vxor.u32 $0x1, v5;
	v3 =	vor.u32 v6, v3;
	v1 =	vxor.u32 v1, v7  }
0x10d: {  	[tilespmem:s30+$0x12010] =	vst v9;
	v3 =	vxor.u32 $0x1, v3;
	v6 =	vshll.u32 v1, $0x3;
	v7 =	vxor.u32 v11, v10  }
0x10e: {  	[tilespmem:s30+$0x12020] =	vst v13;
	v1 =	vand.u32 $0x7F, v1;
	v6 =	vand.u32 $0x7FC00, v6;
	v2 =	vxor.u32 v2, v7  }
0x10f: {  	[tilespmem:s30+$0x12030] =	vst v14;
	v0 =	vor.u32 v1, v0;
	v1 =	vshll.u32 v2, $0x3;
	v2 =	vand.u32 $0x7F, v2  }
0x110: {  	[tilespmem:s30+$0x12040] =	vst v5;
	v0 =	vor.u32 v6, v0;
	v1 =	vand.u32 $0x7FC00, v1;
	v2 =	vor.u32 v2, v4  }
0x111: {  	[tilespmem:s30+$0x12050] =	vst v3;
	v0 =	vxor.u32 $0x1, v0;
	v1 =	vor.u32 v1, v2  }
0x112: {  	[tilespmem:s30+$0x12060] =	vst v0;
	v0 =	vxor.u32 $0x1, v1  }
0x113: {  	s2 =	sadd.s32 $0x12000, s30;
	s11 =	sadd.s32 $0x16000, s30;
	[tilespmem:s30+$0x12070] =	vst v0  }
0x114: {  	[tilespmem:s11], [sflag:$0x2] =	stream.indirect.gather [hbm4b:s1+s25], $0x1, s2, s25, $0xb8;
	[tilespmem:$0x18000] =	vst v63  }
0x115: {  	_ =	swait.ge [sflag:s6], $0x2000  }
0x116: {  	[sflag:s6] =	ssyncset.done $0x0  }
0x117: {  	s11 =	simm.s32 $0x0;
	[sflag:s6] =	ssyncadd.s32 $0xFFFFE000  }
0x118: {  	[hbm4b:s20+s11] =	stream.linear.scatter [tilespmem:s7], [sflag:$0x5], $0x2000, $0x38;
	[tilespmem:$0x18000] =	vst v63  }
0x119: {  	s12 =	simm.s32 $0x8000  }
0x11a: {  	[tilespmem:s12], [sflag:$0x4] =	stream.strided.gather [hbm4b:s15+s25], $0x2000, s26, s25, $0x38;
	[tilespmem:$0x18000] =	vst v63  }
0x11b: {  	s31 =	simm.s32 $0xA000  }
0x11c: {  	[tilespmem:s31], [sflag:$0x4] =	stream.strided.gather [hbm4b:s16+s25], $0x2000, s26, s25, $0x38;
	[tilespmem:$0x18000] =	vst v63  }
0x11d: {  	_ = 	snop  }
0x11e: {  	[tilespmem:s0], [sflag:$0x4] =	stream.strided.gather [hbm4b:s17+s25], $0x2000, s26, s25, $0x38;
	[tilespmem:$0x18000] =	vst v63  }
0x11f: {  	_ = 	snop  }
0x120: {  	[tilespmem:s3], [sflag:$0x4] =	stream.strided.gather [hbm4b:s19+s25], $0x2000, s26, s25, $0x38;
	[tilespmem:$0x18000] =	vst v63  }
0x121: {  	_ =	swait.ge [sflag:s4], $0x2000  }
0x122: {  	[sflag:s4] =	ssyncset.done $0x0  }
0x123: {  	[sflag:s4] =	ssyncadd.s32 $0xFFFFE000  }
0x124: {  	_ =	swait.ge [sflag:s4], $0x2000  }
0x125: {  	[sflag:s4] =	ssyncset.done $0x0  }
0x126: {  	[sflag:s4] =	ssyncadd.s32 $0xFFFFE000  }
0x127: {  	_ =	swait.ge [sflag:s4], $0x2000  }
0x128: {  	[sflag:s4] =	ssyncset.done $0x0  }
0x129: {  	[sflag:s4] =	ssyncadd.s32 $0xFFFFE000  }
0x12a: {  	_ =	swait.ge [sflag:s4], $0x2000  }
0x12b: {  	[sflag:s4] =	ssyncset.done $0x0  }
0x12c: {  	[sflag:s4] =	ssyncadd.s32 $0xFFFFE000  }
0x12d: {  	_ =	swait.ge [sflag:s8], $0x2000  }
0x12e: {  	[sflag:s8] =	ssyncset.done $0x0  }
0x12f: {  	s30 =	simm.s32 $0x0;
	[sflag:s8] =	ssyncadd.s32 $0xFFFFE000  }
0x130: {  	v0 =	vld [tilespmem:s30+$0x6000]  }
0x131: {  	v1 =	vld [tilespmem:s30+$0x0]  }
0x132: {  	v2 =	vld [tilespmem:s30+$0x6010]  }
0x133: {  	v3 =	vld [tilespmem:s30+$0x10]  }
0x134: {  	v5 =	vld [tilespmem:s30+$0x6020]  }
0x135: {  	v6 =	vld [tilespmem:s30+$0x20]  }
0x136: {  	v9 =	vld [tilespmem:s30+$0x30];
	_ =	sdelay $0x1  }
0x137: {  	v4 =	vld [tilespmem:s30+$0x2000];
	v8 =	vmul.u32 $0x5795, v0  }
0x138: {  	v7 =	vld [tilespmem:s30+$0x6030];
	v0 =	vshll.u32 v1, $0x10;
	v1 =	vshll.u32 v1, $0x7;
	v10 =	vshll.u32 v3, $0x10  }
0x139: {  	v11 =	vld [tilespmem:s30+$0x6040];
	v3 =	vshll.u32 v3, $0x7;
	v14 =	vmul.u32 $0x5795, v2;
	v15 =	vmul.u32 $0x5795, v5  }
0x13a: {  	v12 =	vld [tilespmem:s30+$0x40];
	v2 =	vshll.u32 v6, $0x7;
	v5 =	vshll.u32 v9, $0x10;
	v0 =	vand.u32 $0xFFF80000, v0  }
0x13b: {  	v16 =	vld [tilespmem:s30+$0x60];
	v1 =	vand.u32 $0x380, v1;
	v10 =	vand.u32 $0xFFF80000, v10;
	v3 =	vand.u32 $0x380, v3  }
0x13c: {  	v13 =	vor.u32 v0, v1;
	v10 =	vor.u32 v10, v3;
	v1 =	vshll.u32 v6, $0x10;
	v3 =	vld [tilespmem:s30+$0x50]  }
0x13d: {  	v2 =	vand.u32 $0x380, v2;
	v6 =	vshll.u32 v9, $0x7;
	v9 =	vld [tilespmem:s30+$0x6060];
	v1 =	vand.u32 $0xFFF80000, v1  }
0x13e: {  	v20 =	vld [tilespmem:s30+$0x4000];
	v5 =	vand.u32 $0xFFF80000, v5;
	v6 =	vand.u32 $0x380, v6;
	v17 =	vor.u32 v1, v2  }
0x13f: {  	v0 =	vld [tilespmem:s30+$0x6050];
	v19 =	vor.u32 v5, v6;
	v1 =	vshll.u32 v12, $0x10;
	v6 =	vshll.u32 v12, $0x7  }
0x140: {  	v2 =	vld [tilespmem:s30+$0x6070];
	v1 =	vand.u32 $0xFFF80000, v1;
	v6 =	vand.u32 $0x380, v6  }
0x141: {  	v18 =	vmul.u32 $0x5795, v7;
	v5 =	vmul.u32 $0x5795, v11;
	v12 =	vld [tilespmem:s30+$0x4010];
	v6 =	vor.u32 v1, v6  }
0x142: {  	v11 =	vld [tilespmem:s30+$0x70];
	v7 =	vshll.u32 v3, $0x10;
	v3 =	vshll.u32 v3, $0x7;
	v1 =	vmul.u32 $0x5795, v9  }
0x143: {  	v9 =	vshll.u32 v16, $0x7;
	v21 =	vand.u32 $0xFFF80000, v7;
	v3 =	vand.u32 $0x380, v3  }
0x144: {  	v61 =	vld [tilespmem:s30+$0x2010];
	v7 =	vmul.u32 $0x5795, v0;
	v0 =	vshll.u32 v16, $0x10;
	v16 =	vmul.u32 $0x79B1, v20  }
0x145: {  	v9 =	vand.u32 $0x380, v9;
	v3 =	vor.u32 v21, v3;
	v0 =	vand.u32 $0xFFF80000, v0  }
0x146: {  	v62 =	vld [tilespmem:s30+$0x4020];
	v2 =	vmul.u32 $0x5795, v2;
	v12 =	vmul.u32 $0x79B1, v12;
	v0 =	vor.u32 v0, v9  }
0x147: {  	v22 =	vld [tilespmem:s30+$0x4030];
	v9 =	vshll.u32 v11, $0x10;
	v4 =	vxor.u32 v4, v16;
	v11 =	vshll.u32 v11, $0x7  }
0x148: {  	v16 =	vld [tilespmem:s30+$0x2020];
	v8 =	vxor.u32 v8, v4;
	v4 =	vand.u32 $0xFFF80000, v9;
	v9 =	vand.u32 $0x380, v11  }
0x149: {  	v12 =	vxor.u32 v61, v12;
	v11 =	vshll.u32 v8, $0x3;
	v4 =	vor.u32 v4, v9  }
0x14a: {  	v8 =	vand.u32 $0x7F, v8;
	v9 =	vand.u32 $0x7FC00, v11;
	v11 =	vxor.u32 v14, v12;
	v12 =	vld [tilespmem:s30+$0x2030]  }
0x14b: {  	v8 =	vor.u32 v8, v13;
	v14 =	vmul.u32 $0x79B1, v62;
	v13 =	vshll.u32 v11, $0x3  }
0x14c: {  	v8 =	vor.u32 v9, v8;
	v11 =	vand.u32 $0x7F, v11;
	v9 =	vand.u32 $0x7FC00, v13;
	v13 =	vld [tilespmem:s30+$0x4040]  }
0x14d: {  	v63 =	vld [tilespmem:s30+$0x2040];
	v10 =	vor.u32 v11, v10;
	v11 =	vxor.u32 v16, v14;
	v14 =	vmul.u32 $0x79B1, v22  }
0x14e: {  	v8 =	vxor.u32 $0x1, v8;
	v9 =	vor.u32 v9, v10;
	v10 =	vxor.u32 v15, v11;
	v15 =	vld [tilespmem:s30+$0x4050]  }
0x14f: {  	v9 =	vxor.u32 $0x1, v9;
	v11 =	vshll.u32 v10, $0x3;
	v12 =	vxor.u32 v12, v14  }
0x150: {  	v10 =	vand.u32 $0x7F, v10;
	v14 =	vand.u32 $0x7FC00, v11;
	v11 =	vld [tilespmem:s30+$0x2050];
	v12 =	vxor.u32 v18, v12  }
0x151: {  	v10 =	vor.u32 v10, v17;
	v16 =	vshll.u32 v12, $0x3;
	v17 =	vmul.u32 $0x79B1, v13  }
0x152: {  	v13 =	vor.u32 v14, v10;
	v10 =	vand.u32 $0x7F, v12;
	v12 =	vld [tilespmem:s30+$0x4060];
	v14 =	vand.u32 $0x7FC00, v16  }
0x153: {  	s11 =	simm.s32 $0x200;
	v16 =	vor.u32 v10, v19;
	v15 =	vmul.u32 $0x79B1, v15;
	v10 =	vld [tilespmem:s30+$0x2060];
	v17 =	vxor.u32 v63, v17  }
.LBB2_6:
0x154: {  	p0 =	sne.s32 s11, $0x7E00;
	v13 =	vxor.u32 $0x1, v13;
	v14 =	vor.u32 v14, v16;
	v5 =	vxor.u32 v5, v17;
	v16 =	vld [tilespmem:s30+$0x4070]  }
0x155: {  	v14 =	vxor.u32 $0x1, v14;
	v17 =	vshll.u32 v5, $0x3;
	v11 =	vxor.u32 v11, v15  }
0x156: {  	v5 =	vand.u32 $0x7F, v5;
	v15 =	vand.u32 $0x7FC00, v17;
	v7 =	vxor.u32 v7, v11;
	v11 =	vld [tilespmem:s30+$0x2070]  }
0x157: {  	v5 =	vor.u32 v5, v6;
	v6 =	vshll.u32 v7, $0x3;
	v12 =	vmul.u32 $0x79B1, v12  }
0x158: {  	v5 =	vor.u32 v15, v5;
	v7 =	vand.u32 $0x7F, v7;
	v6 =	vand.u32 $0x7FC00, v6  }
0x159: {  	v3 =	vor.u32 v7, v3;
	v7 =	vxor.u32 v10, v12;
	v10 =	vmul.u32 $0x79B1, v16  }
0x15a: {  	v5 =	vxor.u32 $0x1, v5;
	v3 =	vor.u32 v6, v3;
	[tilespmem:s30+$0x10000] =	vst v8;
	v1 =	vxor.u32 v1, v7  }
0x15b: {  	v3 =	vxor.u32 $0x1, v3;
	[tilespmem:s30+$0x10010] =	vst v9;
	v6 =	vshll.u32 v1, $0x3;
	v7 =	vxor.u32 v11, v10  }
0x15c: {  	v1 =	vand.u32 $0x7F, v1;
	[tilespmem:s30+$0x10020] =	vst v13;
	v6 =	vand.u32 $0x7FC00, v6;
	v2 =	vxor.u32 v2, v7  }
0x15d: {  	v0 =	vor.u32 v1, v0;
	[tilespmem:s30+$0x10030] =	vst v14;
	v1 =	vshll.u32 v2, $0x3;
	v2 =	vand.u32 $0x7F, v2  }
0x15e: {  	v0 =	vor.u32 v6, v0;
	[tilespmem:s30+$0x10040] =	vst v5;
	v1 =	vand.u32 $0x7FC00, v1;
	v2 =	vor.u32 v2, v4  }
0x15f: {  	v0 =	vxor.u32 $0x1, v0;
	[tilespmem:s30+$0x10050] =	vst v3;
	v1 =	vor.u32 v1, v2  }
0x160: {  	s2 =	sshra.s32 s11, $0x2;
	s12 =	sadd.s32 $0x10000, s30;
	s31 =	sadd.s32 $0x14000, s30;
	[tilespmem:s30+$0x10060] =	vst v0;
	v0 =	vxor.u32 $0x1, v1  }
0x161: {  	[tilespmem:s30+$0x10070] =	vst v0;
	[tilespmem:s31], [sflag:$0x1] =	stream.indirect.gather [hbm4b:s1+s25], $0x1, s12, s25, $0xb8  }
0x162: {  	s30 =	smov.u32 s2;
	v0 =	vld [tilespmem:s2+$0x6000]  }
0x163: {  	v4 =	vld [tilespmem:s30+$0x2000]  }
0x164: {  	v1 =	vld [tilespmem:s30+$0x0]  }
0x165: {  	v2 =	vld [tilespmem:s30+$0x6010]  }
0x166: {  	v3 =	vld [tilespmem:s30+$0x10]  }
0x167: {  	v5 =	vld [tilespmem:s30+$0x6020]  }
0x168: {  	v6 =	vld [tilespmem:s30+$0x20]  }
0x169: {  	v7 =	vld [tilespmem:s30+$0x6030]  }
0x16a: {  	v8 =	vmul.u32 $0x5795, v0;
	v0 =	vshll.u32 v1, $0x10;
	v1 =	vshll.u32 v1, $0x7;
	v9 =	vld [tilespmem:s30+$0x30]  }
0x16b: {  	v0 =	vand.u32 $0xFFF80000, v0;
	v10 =	vshll.u32 v3, $0x10;
	v3 =	vshll.u32 v3, $0x7;
	v11 =	vld [tilespmem:s30+$0x6040]  }
0x16c: {  	v1 =	vand.u32 $0x380, v1;
	v10 =	vand.u32 $0xFFF80000, v10;
	v3 =	vand.u32 $0x380, v3;
	v12 =	vld [tilespmem:s30+$0x40]  }
0x16d: {  	v14 =	vmul.u32 $0x5795, v2;
	v13 =	vor.u32 v0, v1;
	v10 =	vor.u32 v10, v3;
	v0 =	vld [tilespmem:s30+$0x6050]  }
0x16e: {  	v15 =	vmul.u32 $0x5795, v5;
	v1 =	vshll.u32 v6, $0x10;
	v2 =	vshll.u32 v6, $0x7;
	v3 =	vld [tilespmem:s30+$0x50]  }
0x16f: {  	v1 =	vand.u32 $0xFFF80000, v1;
	v5 =	vshll.u32 v9, $0x10;
	v6 =	vshll.u32 v9, $0x7;
	v9 =	vld [tilespmem:s30+$0x6060]  }
0x170: {  	v2 =	vand.u32 $0x380, v2;
	v5 =	vand.u32 $0xFFF80000, v5;
	v6 =	vand.u32 $0x380, v6;
	v16 =	vld [tilespmem:s30+$0x60]  }
0x171: {  	v18 =	vmul.u32 $0x5795, v7;
	v17 =	vor.u32 v1, v2;
	v19 =	vor.u32 v5, v6;
	v2 =	vld [tilespmem:s30+$0x6070]  }
0x172: {  	v5 =	vmul.u32 $0x5795, v11;
	v1 =	vshll.u32 v12, $0x10;
	v6 =	vshll.u32 v12, $0x7;
	v20 =	vld [tilespmem:s30+$0x4000]  }
0x173: {  	v1 =	vand.u32 $0xFFF80000, v1;
	v7 =	vshll.u32 v3, $0x10;
	v3 =	vshll.u32 v3, $0x7;
	v11 =	vld [tilespmem:s30+$0x70]  }
0x174: {  	v6 =	vand.u32 $0x380, v6;
	v12 =	vld [tilespmem:s30+$0x4010];
	v21 =	vand.u32 $0xFFF80000, v7;
	v3 =	vand.u32 $0x380, v3  }
0x175: {  	v6 =	vor.u32 v1, v6;
	v7 =	vmul.u32 $0x5795, v0;
	v3 =	vor.u32 v21, v3  }
0x176: {  	v1 =	vmul.u32 $0x5795, v9;
	v0 =	vshll.u32 v16, $0x10;
	v9 =	vshll.u32 v16, $0x7;
	v21 =	vld [tilespmem:s30+$0x2010]  }
0x177: {  	v0 =	vand.u32 $0xFFF80000, v0;
	v9 =	vand.u32 $0x380, v9;
	v16 =	vmul.u32 $0x79B1, v20  }
0x178: {  	v2 =	vmul.u32 $0x5795, v2;
	v0 =	vor.u32 v0, v9;
	v20 =	vld [tilespmem:s30+$0x4020];
	v9 =	vshll.u32 v11, $0x10  }
0x179: {  	v11 =	vshll.u32 v11, $0x7;
	v4 =	vxor.u32 v4, v16;
	v12 =	vmul.u32 $0x79B1, v12;
	v16 =	vld [tilespmem:s30+$0x2020]  }
0x17a: {  	v8 =	vxor.u32 v8, v4;
	v22 =	vld [tilespmem:s30+$0x4030];
	v4 =	vand.u32 $0xFFF80000, v9;
	v9 =	vand.u32 $0x380, v11  }
0x17b: {  	v11 =	vshll.u32 v8, $0x3;
	v12 =	vxor.u32 v21, v12;
	v4 =	vor.u32 v4, v9  }
0x17c: {  	v8 =	vand.u32 $0x7F, v8;
	v9 =	vand.u32 $0x7FC00, v11;
	v11 =	vxor.u32 v14, v12;
	v12 =	vld [tilespmem:s30+$0x2030]  }
0x17d: {  	v8 =	vor.u32 v8, v13;
	v13 =	vshll.u32 v11, $0x3;
	v14 =	vmul.u32 $0x79B1, v20  }
0x17e: {  	v8 =	vor.u32 v9, v8;
	v11 =	vand.u32 $0x7F, v11;
	v9 =	vand.u32 $0x7FC00, v13;
	v13 =	vld [tilespmem:s30+$0x4040]  }
0x17f: {  	v10 =	vor.u32 v11, v10;
	v11 =	vxor.u32 v16, v14;
	v14 =	vmul.u32 $0x79B1, v22;
	v20 =	vld [tilespmem:s30+$0x2040]  }
0x180: {  	v8 =	vxor.u32 $0x1, v8;
	v9 =	vor.u32 v9, v10;
	v10 =	vxor.u32 v15, v11;
	v15 =	vld [tilespmem:s30+$0x4050]  }
.Ltmp2:
0x181: {  	v9 =	vxor.u32 $0x1, v9;
	v11 =	vshll.u32 v10, $0x3;
	v12 =	vxor.u32 v12, v14;
	(pc) =	sbr.rel @p0 .LBB2_6-.Ltmp2, $4  }
0x182: {  	v10 =	vand.u32 $0x7F, v10;
	v14 =	vand.u32 $0x7FC00, v11;
	v12 =	vxor.u32 v18, v12;
	v11 =	vld [tilespmem:s30+$0x2050]  }
0x183: {  	v10 =	vor.u32 v10, v17;
	v16 =	vshll.u32 v12, $0x3;
	v17 =	vmul.u32 $0x79B1, v13  }
0x184: {  	v13 =	vor.u32 v14, v10;
	v10 =	vand.u32 $0x7F, v12;
	v14 =	vand.u32 $0x7FC00, v16;
	v12 =	vld [tilespmem:s30+$0x4060]  }
0x185: {  	s11 =	sadd.s32 $0x200, s11;
	v16 =	vor.u32 v10, v19;
	v17 =	vxor.u32 v20, v17;
	v15 =	vmul.u32 $0x79B1, v15;
	v10 =	vld [tilespmem:s30+$0x2060]  }
0x186: {  	v13 =	vxor.u32 $0x1, v13;
	v14 =	vor.u32 v14, v16;
	v5 =	vxor.u32 v5, v17;
	v16 =	vld [tilespmem:s30+$0x4070]  }
0x187: {  	v14 =	vxor.u32 $0x1, v14;
	v17 =	vshll.u32 v5, $0x3;
	v11 =	vxor.u32 v11, v15  }
0x188: {  	v5 =	vand.u32 $0x7F, v5;
	v15 =	vand.u32 $0x7FC00, v17;
	v7 =	vxor.u32 v7, v11;
	v11 =	vld [tilespmem:s30+$0x2070]  }
0x189: {  	v5 =	vor.u32 v5, v6;
	v6 =	vshll.u32 v7, $0x3;
	v12 =	vmul.u32 $0x79B1, v12  }
0x18a: {  	v5 =	vor.u32 v15, v5;
	v7 =	vand.u32 $0x7F, v7;
	v6 =	vand.u32 $0x7FC00, v6  }
0x18b: {  	v3 =	vor.u32 v7, v3;
	v7 =	vxor.u32 v10, v12;
	v10 =	vmul.u32 $0x79B1, v16  }
0x18c: {  	[tilespmem:s30+$0x10000] =	vst v8;
	v5 =	vxor.u32 $0x1, v5;
	v3 =	vor.u32 v6, v3;
	v1 =	vxor.u32 v1, v7  }
0x18d: {  	[tilespmem:s30+$0x10010] =	vst v9;
	v3 =	vxor.u32 $0x1, v3;
	v6 =	vshll.u32 v1, $0x3;
	v7 =	vxor.u32 v11, v10  }
0x18e: {  	[tilespmem:s30+$0x10020] =	vst v13;
	v1 =	vand.u32 $0x7F, v1;
	v6 =	vand.u32 $0x7FC00, v6;
	v2 =	vxor.u32 v2, v7  }
0x18f: {  	[tilespmem:s30+$0x10030] =	vst v14;
	v0 =	vor.u32 v1, v0;
	v1 =	vshll.u32 v2, $0x3;
	v2 =	vand.u32 $0x7F, v2  }
0x190: {  	[tilespmem:s30+$0x10040] =	vst v5;
	v0 =	vor.u32 v6, v0;
	v1 =	vand.u32 $0x7FC00, v1;
	v2 =	vor.u32 v2, v4  }
0x191: {  	[tilespmem:s30+$0x10050] =	vst v3;
	v0 =	vxor.u32 $0x1, v0;
	v1 =	vor.u32 v1, v2  }
0x192: {  	[tilespmem:s30+$0x10060] =	vst v0;
	v0 =	vxor.u32 $0x1, v1  }
0x193: {  	s2 =	sadd.s32 $0x10000, s30;
	s11 =	sadd.s32 $0x14000, s30;
	[tilespmem:s30+$0x10070] =	vst v0  }
0x194: {  	[tilespmem:s11], [sflag:$0x1] =	stream.indirect.gather [hbm4b:s1+s25], $0x1, s2, s25, $0xb8;
	[tilespmem:$0x18000] =	vst v63  }
0x195: {  	_ =	swait.ge [sflag:s9], $0x2000  }
0x196: {  	[sflag:s9] =	ssyncset.done $0x0  }
0x197: {  	s31 =	simm.s32 $0x0;
	[sflag:s9] =	ssyncadd.s32 $0xFFFFE000  }
0x198: {  	[hbm4b:s21+s31] =	stream.linear.scatter [tilespmem:s10], [sflag:$0x6], $0x2000, $0x38;
	[tilespmem:$0x18000] =	vst v63  }
0x199: {  	_ =	swait.ge [sflag:s5], $0x2000  }
0x19a: {  	[sflag:s5] =	ssyncset.done $0x0  }
0x19b: {  	[sflag:s5] =	ssyncadd.s32 $0xFFFFE000  }
0x19c: {  	_ =	swait.ge [sflag:s5], $0x2000  }
0x19d: {  	[sflag:s5] =	ssyncset.done $0x0  }
0x19e: {  	[sflag:s5] =	ssyncadd.s32 $0xFFFFE000  }
0x19f: {  	_ =	swait.ge [sflag:s5], $0x2000  }
0x1a0: {  	[sflag:s5] =	ssyncset.done $0x0  }
0x1a1: {  	[sflag:s5] =	ssyncadd.s32 $0xFFFFE000  }
0x1a2: {  	_ =	swait.ge [sflag:s5], $0x2000  }
0x1a3: {  	[sflag:s5] =	ssyncset.done $0x0  }
0x1a4: {  	[sflag:s5] =	ssyncadd.s32 $0xFFFFE000  }
0x1a5: {  	_ =	swait.ge [sflag:s28], $0x2000  }
0x1a6: {  	[sflag:s28] =	ssyncset.done $0x0  }
0x1a7: {  	s30 =	simm.s32 $0x0;
	[sflag:s28] =	ssyncadd.s32 $0xFFFFE000  }
0x1a8: {  	v0 =	vld [tilespmem:s30+$0xE000]  }
0x1a9: {  	v1 =	vld [tilespmem:s30+$0x8000]  }
0x1aa: {  	v2 =	vld [tilespmem:s30+$0xE010]  }
0x1ab: {  	v3 =	vld [tilespmem:s30+$0x8010]  }
0x1ac: {  	v5 =	vld [tilespmem:s30+$0xE020]  }
0x1ad: {  	v6 =	vld [tilespmem:s30+$0x8020]  }
0x1ae: {  	v9 =	vld [tilespmem:s30+$0x8030];
	_ =	sdelay $0x1  }
0x1af: {  	v4 =	vld [tilespmem:s30+$0xA000];
	v8 =	vmul.u32 $0x5795, v0  }
0x1b0: {  	v7 =	vld [tilespmem:s30+$0xE030];
	v0 =	vshll.u32 v1, $0x10;
	v1 =	vshll.u32 v1, $0x7;
	v10 =	vshll.u32 v3, $0x10  }
0x1b1: {  	v11 =	vld [tilespmem:s30+$0xE040];
	v3 =	vshll.u32 v3, $0x7;
	v14 =	vmul.u32 $0x5795, v2;
	v15 =	vmul.u32 $0x5795, v5  }
0x1b2: {  	v12 =	vld [tilespmem:s30+$0x8040];
	v2 =	vshll.u32 v6, $0x7;
	v5 =	vshll.u32 v9, $0x10;
	v0 =	vand.u32 $0xFFF80000, v0  }
0x1b3: {  	v16 =	vld [tilespmem:s30+$0x8060];
	v1 =	vand.u32 $0x380, v1;
	v10 =	vand.u32 $0xFFF80000, v10;
	v3 =	vand.u32 $0x380, v3  }
0x1b4: {  	v13 =	vor.u32 v0, v1;
	v10 =	vor.u32 v10, v3;
	v1 =	vshll.u32 v6, $0x10;
	v3 =	vld [tilespmem:s30+$0x8050]  }
0x1b5: {  	v2 =	vand.u32 $0x380, v2;
	v6 =	vshll.u32 v9, $0x7;
	v9 =	vld [tilespmem:s30+$0xE060];
	v1 =	vand.u32 $0xFFF80000, v1  }
0x1b6: {  	v20 =	vld [tilespmem:s30+$0xC000];
	v5 =	vand.u32 $0xFFF80000, v5;
	v6 =	vand.u32 $0x380, v6;
	v17 =	vor.u32 v1, v2  }
0x1b7: {  	v0 =	vld [tilespmem:s30+$0xE050];
	v19 =	vor.u32 v5, v6;
	v1 =	vshll.u32 v12, $0x10;
	v6 =	vshll.u32 v12, $0x7  }
0x1b8: {  	v2 =	vld [tilespmem:s30+$0xE070];
	v1 =	vand.u32 $0xFFF80000, v1;
	v6 =	vand.u32 $0x380, v6  }
0x1b9: {  	v18 =	vmul.u32 $0x5795, v7;
	v5 =	vmul.u32 $0x5795, v11;
	v12 =	vld [tilespmem:s30+$0xC010];
	v6 =	vor.u32 v1, v6  }
0x1ba: {  	v11 =	vld [tilespmem:s30+$0x8070];
	v7 =	vshll.u32 v3, $0x10;
	v3 =	vshll.u32 v3, $0x7;
	v1 =	vmul.u32 $0x5795, v9  }
0x1bb: {  	v9 =	vshll.u32 v16, $0x7;
	v21 =	vand.u32 $0xFFF80000, v7;
	v3 =	vand.u32 $0x380, v3  }
0x1bc: {  	v61 =	vld [tilespmem:s30+$0xA010];
	v7 =	vmul.u32 $0x5795, v0;
	v0 =	vshll.u32 v16, $0x10;
	v16 =	vmul.u32 $0x79B1, v20  }
0x1bd: {  	v9 =	vand.u32 $0x380, v9;
	v3 =	vor.u32 v21, v3;
	v0 =	vand.u32 $0xFFF80000, v0  }
0x1be: {  	v62 =	vld [tilespmem:s30+$0xC020];
	v2 =	vmul.u32 $0x5795, v2;
	v12 =	vmul.u32 $0x79B1, v12;
	v0 =	vor.u32 v0, v9  }
0x1bf: {  	v22 =	vld [tilespmem:s30+$0xC030];
	v9 =	vshll.u32 v11, $0x10;
	v4 =	vxor.u32 v4, v16;
	v11 =	vshll.u32 v11, $0x7  }
0x1c0: {  	v16 =	vld [tilespmem:s30+$0xA020];
	v8 =	vxor.u32 v8, v4;
	v4 =	vand.u32 $0xFFF80000, v9;
	v9 =	vand.u32 $0x380, v11  }
0x1c1: {  	v12 =	vxor.u32 v61, v12;
	v11 =	vshll.u32 v8, $0x3;
	v4 =	vor.u32 v4, v9  }
0x1c2: {  	v8 =	vand.u32 $0x7F, v8;
	v9 =	vand.u32 $0x7FC00, v11;
	v11 =	vxor.u32 v14, v12;
	v12 =	vld [tilespmem:s30+$0xA030]  }
0x1c3: {  	v8 =	vor.u32 v8, v13;
	v14 =	vmul.u32 $0x79B1, v62;
	v13 =	vshll.u32 v11, $0x3  }
0x1c4: {  	v8 =	vor.u32 v9, v8;
	v11 =	vand.u32 $0x7F, v11;
	v9 =	vand.u32 $0x7FC00, v13;
	v13 =	vld [tilespmem:s30+$0xC040]  }
0x1c5: {  	v63 =	vld [tilespmem:s30+$0xA040];
	v10 =	vor.u32 v11, v10;
	v11 =	vxor.u32 v16, v14;
	v14 =	vmul.u32 $0x79B1, v22  }
0x1c6: {  	v8 =	vxor.u32 $0x1, v8;
	v9 =	vor.u32 v9, v10;
	v10 =	vxor.u32 v15, v11;
	v15 =	vld [tilespmem:s30+$0xC050]  }
0x1c7: {  	v9 =	vxor.u32 $0x1, v9;
	v11 =	vshll.u32 v10, $0x3;
	v12 =	vxor.u32 v12, v14  }
0x1c8: {  	v10 =	vand.u32 $0x7F, v10;
	v14 =	vand.u32 $0x7FC00, v11;
	v11 =	vld [tilespmem:s30+$0xA050];
	v12 =	vxor.u32 v18, v12  }
0x1c9: {  	v10 =	vor.u32 v10, v17;
	v16 =	vshll.u32 v12, $0x3;
	v17 =	vmul.u32 $0x79B1, v13  }
0x1ca: {  	v13 =	vor.u32 v14, v10;
	v10 =	vand.u32 $0x7F, v12;
	v12 =	vld [tilespmem:s30+$0xC060];
	v14 =	vand.u32 $0x7FC00, v16  }
0x1cb: {  	s11 =	simm.s32 $0x200;
	v16 =	vor.u32 v10, v19;
	v15 =	vmul.u32 $0x79B1, v15;
	v10 =	vld [tilespmem:s30+$0xA060];
	v17 =	vxor.u32 v63, v17  }
.LBB2_8:
0x1cc: {  	p0 =	sne.s32 s11, $0x7E00;
	v13 =	vxor.u32 $0x1, v13;
	v14 =	vor.u32 v14, v16;
	v5 =	vxor.u32 v5, v17;
	v16 =	vld [tilespmem:s30+$0xC070]  }
0x1cd: {  	v14 =	vxor.u32 $0x1, v14;
	v17 =	vshll.u32 v5, $0x3;
	v11 =	vxor.u32 v11, v15  }
0x1ce: {  	v5 =	vand.u32 $0x7F, v5;
	v15 =	vand.u32 $0x7FC00, v17;
	v7 =	vxor.u32 v7, v11;
	v11 =	vld [tilespmem:s30+$0xA070]  }
0x1cf: {  	v5 =	vor.u32 v5, v6;
	v6 =	vshll.u32 v7, $0x3;
	v12 =	vmul.u32 $0x79B1, v12  }
0x1d0: {  	v5 =	vor.u32 v15, v5;
	v7 =	vand.u32 $0x7F, v7;
	v6 =	vand.u32 $0x7FC00, v6  }
0x1d1: {  	v3 =	vor.u32 v7, v3;
	v7 =	vxor.u32 v10, v12;
	v10 =	vmul.u32 $0x79B1, v16  }
0x1d2: {  	v5 =	vxor.u32 $0x1, v5;
	v3 =	vor.u32 v6, v3;
	[tilespmem:s30+$0x12000] =	vst v8;
	v1 =	vxor.u32 v1, v7  }
0x1d3: {  	v3 =	vxor.u32 $0x1, v3;
	[tilespmem:s30+$0x12010] =	vst v9;
	v6 =	vshll.u32 v1, $0x3;
	v7 =	vxor.u32 v11, v10  }
0x1d4: {  	v1 =	vand.u32 $0x7F, v1;
	[tilespmem:s30+$0x12020] =	vst v13;
	v6 =	vand.u32 $0x7FC00, v6;
	v2 =	vxor.u32 v2, v7  }
0x1d5: {  	v0 =	vor.u32 v1, v0;
	[tilespmem:s30+$0x12030] =	vst v14;
	v1 =	vshll.u32 v2, $0x3;
	v2 =	vand.u32 $0x7F, v2  }
0x1d6: {  	v0 =	vor.u32 v6, v0;
	[tilespmem:s30+$0x12040] =	vst v5;
	v1 =	vand.u32 $0x7FC00, v1;
	v2 =	vor.u32 v2, v4  }
0x1d7: {  	v0 =	vxor.u32 $0x1, v0;
	[tilespmem:s30+$0x12050] =	vst v3;
	v1 =	vor.u32 v1, v2  }
0x1d8: {  	s2 =	sshra.s32 s11, $0x2;
	s12 =	sadd.s32 $0x12000, s30;
	s31 =	sadd.s32 $0x16000, s30;
	[tilespmem:s30+$0x12060] =	vst v0;
	v0 =	vxor.u32 $0x1, v1  }
0x1d9: {  	[tilespmem:s30+$0x12070] =	vst v0;
	[tilespmem:s31], [sflag:$0x2] =	stream.indirect.gather [hbm4b:s1+s25], $0x1, s12, s25, $0xb8  }
0x1da: {  	s30 =	smov.u32 s2;
	v0 =	vld [tilespmem:s2+$0xE000]  }
0x1db: {  	v4 =	vld [tilespmem:s30+$0xA000]  }
0x1dc: {  	v1 =	vld [tilespmem:s30+$0x8000]  }
0x1dd: {  	v2 =	vld [tilespmem:s30+$0xE010]  }
0x1de: {  	v3 =	vld [tilespmem:s30+$0x8010]  }
0x1df: {  	v5 =	vld [tilespmem:s30+$0xE020]  }
0x1e0: {  	v6 =	vld [tilespmem:s30+$0x8020]  }
0x1e1: {  	v7 =	vld [tilespmem:s30+$0xE030]  }
0x1e2: {  	v8 =	vmul.u32 $0x5795, v0;
	v0 =	vshll.u32 v1, $0x10;
	v1 =	vshll.u32 v1, $0x7;
	v9 =	vld [tilespmem:s30+$0x8030]  }
0x1e3: {  	v0 =	vand.u32 $0xFFF80000, v0;
	v10 =	vshll.u32 v3, $0x10;
	v3 =	vshll.u32 v3, $0x7;
	v11 =	vld [tilespmem:s30+$0xE040]  }
0x1e4: {  	v1 =	vand.u32 $0x380, v1;
	v10 =	vand.u32 $0xFFF80000, v10;
	v3 =	vand.u32 $0x380, v3;
	v12 =	vld [tilespmem:s30+$0x8040]  }
0x1e5: {  	v14 =	vmul.u32 $0x5795, v2;
	v13 =	vor.u32 v0, v1;
	v10 =	vor.u32 v10, v3;
	v0 =	vld [tilespmem:s30+$0xE050]  }
0x1e6: {  	v15 =	vmul.u32 $0x5795, v5;
	v1 =	vshll.u32 v6, $0x10;
	v2 =	vshll.u32 v6, $0x7;
	v3 =	vld [tilespmem:s30+$0x8050]  }
0x1e7: {  	v1 =	vand.u32 $0xFFF80000, v1;
	v5 =	vshll.u32 v9, $0x10;
	v6 =	vshll.u32 v9, $0x7;
	v9 =	vld [tilespmem:s30+$0xE060]  }
0x1e8: {  	v2 =	vand.u32 $0x380, v2;
	v5 =	vand.u32 $0xFFF80000, v5;
	v6 =	vand.u32 $0x380, v6;
	v16 =	vld [tilespmem:s30+$0x8060]  }
0x1e9: {  	v18 =	vmul.u32 $0x5795, v7;
	v17 =	vor.u32 v1, v2;
	v19 =	vor.u32 v5, v6;
	v2 =	vld [tilespmem:s30+$0xE070]  }
0x1ea: {  	v5 =	vmul.u32 $0x5795, v11;
	v1 =	vshll.u32 v12, $0x10;
	v6 =	vshll.u32 v12, $0x7;
	v20 =	vld [tilespmem:s30+$0xC000]  }
0x1eb: {  	v1 =	vand.u32 $0xFFF80000, v1;
	v7 =	vshll.u32 v3, $0x10;
	v3 =	vshll.u32 v3, $0x7;
	v11 =	vld [tilespmem:s30+$0x8070]  }
0x1ec: {  	v6 =	vand.u32 $0x380, v6;
	v12 =	vld [tilespmem:s30+$0xC010];
	v21 =	vand.u32 $0xFFF80000, v7;
	v3 =	vand.u32 $0x380, v3  }
0x1ed: {  	v6 =	vor.u32 v1, v6;
	v7 =	vmul.u32 $0x5795, v0;
	v3 =	vor.u32 v21, v3  }
0x1ee: {  	v1 =	vmul.u32 $0x5795, v9;
	v0 =	vshll.u32 v16, $0x10;
	v9 =	vshll.u32 v16, $0x7;
	v21 =	vld [tilespmem:s30+$0xA010]  }
0x1ef: {  	v0 =	vand.u32 $0xFFF80000, v0;
	v9 =	vand.u32 $0x380, v9;
	v16 =	vmul.u32 $0x79B1, v20  }
0x1f0: {  	v2 =	vmul.u32 $0x5795, v2;
	v0 =	vor.u32 v0, v9;
	v20 =	vld [tilespmem:s30+$0xC020];
	v9 =	vshll.u32 v11, $0x10  }
0x1f1: {  	v11 =	vshll.u32 v11, $0x7;
	v4 =	vxor.u32 v4, v16;
	v12 =	vmul.u32 $0x79B1, v12;
	v16 =	vld [tilespmem:s30+$0xA020]  }
0x1f2: {  	v8 =	vxor.u32 v8, v4;
	v22 =	vld [tilespmem:s30+$0xC030];
	v4 =	vand.u32 $0xFFF80000, v9;
	v9 =	vand.u32 $0x380, v11  }
0x1f3: {  	v11 =	vshll.u32 v8, $0x3;
	v12 =	vxor.u32 v21, v12;
	v4 =	vor.u32 v4, v9  }
0x1f4: {  	v8 =	vand.u32 $0x7F, v8;
	v9 =	vand.u32 $0x7FC00, v11;
	v11 =	vxor.u32 v14, v12;
	v12 =	vld [tilespmem:s30+$0xA030]  }
0x1f5: {  	v8 =	vor.u32 v8, v13;
	v13 =	vshll.u32 v11, $0x3;
	v14 =	vmul.u32 $0x79B1, v20  }
0x1f6: {  	v8 =	vor.u32 v9, v8;
	v11 =	vand.u32 $0x7F, v11;
	v9 =	vand.u32 $0x7FC00, v13;
	v13 =	vld [tilespmem:s30+$0xC040]  }
0x1f7: {  	v10 =	vor.u32 v11, v10;
	v11 =	vxor.u32 v16, v14;
	v14 =	vmul.u32 $0x79B1, v22;
	v20 =	vld [tilespmem:s30+$0xA040]  }
0x1f8: {  	v8 =	vxor.u32 $0x1, v8;
	v9 =	vor.u32 v9, v10;
	v10 =	vxor.u32 v15, v11;
	v15 =	vld [tilespmem:s30+$0xC050]  }
.Ltmp3:
0x1f9: {  	v9 =	vxor.u32 $0x1, v9;
	v11 =	vshll.u32 v10, $0x3;
	v12 =	vxor.u32 v12, v14;
	(pc) =	sbr.rel @p0 .LBB2_8-.Ltmp3, $4  }
0x1fa: {  	v10 =	vand.u32 $0x7F, v10;
	v14 =	vand.u32 $0x7FC00, v11;
	v12 =	vxor.u32 v18, v12;
	v11 =	vld [tilespmem:s30+$0xA050]  }
0x1fb: {  	v10 =	vor.u32 v10, v17;
	v16 =	vshll.u32 v12, $0x3;
	v17 =	vmul.u32 $0x79B1, v13  }
0x1fc: {  	v13 =	vor.u32 v14, v10;
	v10 =	vand.u32 $0x7F, v12;
	v14 =	vand.u32 $0x7FC00, v16;
	v12 =	vld [tilespmem:s30+$0xC060]  }
0x1fd: {  	s11 =	sadd.s32 $0x200, s11;
	v16 =	vor.u32 v10, v19;
	v17 =	vxor.u32 v20, v17;
	v15 =	vmul.u32 $0x79B1, v15;
	v10 =	vld [tilespmem:s30+$0xA060]  }
0x1fe: {  	v13 =	vxor.u32 $0x1, v13;
	v14 =	vor.u32 v14, v16;
	v5 =	vxor.u32 v5, v17;
	v54 =	vld [tilespmem:s30+$0xC070]  }
0x1ff: {  	v14 =	vxor.u32 $0x1, v14;
	v17 =	vshll.u32 v5, $0x3;
	v11 =	vxor.u32 v11, v15  }
0x200: {  	v56 =	vld [tilespmem:s30+$0xA070];
	v5 =	vand.u32 $0x7F, v5;
	v55 =	vand.u32 $0x7FC00, v17;
	v7 =	vxor.u32 v7, v11  }
0x201: {  	v5 =	vor.u32 v5, v6;
	v57 =	vshll.u32 v7, $0x3;
	v12 =	vmul.u32 $0x79B1, v12  }
0x202: {  	v5 =	vor.u32 v55, v5;
	v7 =	vand.u32 $0x7F, v7;
	v6 =	vand.u32 $0x7FC00, v57  }
0x203: {  	v3 =	vor.u32 v7, v3;
	v58 =	vxor.u32 v10, v12;
	v59 =	vmul.u32 $0x79B1, v54  }
0x204: {  	[tilespmem:s30+$0x12000] =	vst v8;
	v5 =	vxor.u32 $0x1, v5;
	v3 =	vor.u32 v6, v3;
	v1 =	vxor.u32 v1, v58  }
0x205: {  	[tilespmem:s30+$0x12010] =	vst v9;
	v3 =	vxor.u32 $0x1, v3;
	v60 =	vshll.u32 v1, $0x3;
	v61 =	vxor.u32 v56, v59  }
0x206: {  	[tilespmem:s30+$0x12020] =	vst v13;
	v1 =	vand.u32 $0x7F, v1;
	v6 =	vand.u32 $0x7FC00, v60;
	v2 =	vxor.u32 v2, v61  }
0x207: {  	[tilespmem:s30+$0x12030] =	vst v14;
	v0 =	vor.u32 v1, v0;
	v62 =	vshll.u32 v2, $0x3;
	v2 =	vand.u32 $0x7F, v2  }
0x208: {  	[tilespmem:s30+$0x12040] =	vst v5;
	v0 =	vor.u32 v6, v0;
	v1 =	vand.u32 $0x7FC00, v62;
	v2 =	vor.u32 v2, v4  }
0x209: {  	[tilespmem:s30+$0x12050] =	vst v3;
	v0 =	vxor.u32 $0x1, v0;
	v1 =	vor.u32 v1, v2  }
0x20a: {  	[tilespmem:s30+$0x12060] =	vst v0;
	v63 =	vxor.u32 $0x1, v1  }
0x20b: {  	s2 =	sadd.s32 $0x12000, s30;
	s11 =	sadd.s32 $0x16000, s30;
	[tilespmem:s30+$0x12070] =	vst v63  }
0x20c: {  	[tilespmem:s11], [sflag:$0x2] =	stream.indirect.gather [hbm4b:s1+s25], $0x1, s2, s25, $0xb8;
	[tilespmem:$0x18000] =	vst v63  }
0x20d: {  	_ =	swait.ge [sflag:s6], $0x2000  }
0x20e: {  	[sflag:s6] =	ssyncset.done $0x0  }
0x20f: {  	[sflag:s6] =	ssyncadd.s32 $0xFFFFE000  }
0x210: {  	[hbm4b:s22+s18] =	stream.linear.scatter [tilespmem:s7], [sflag:$0x5], $0x2000, $0x38;
	[tilespmem:$0x18000] =	vst v63  }
0x211: {  	_ =	swait.ge [sflag:s9], $0x2000  }
0x212: {  	[sflag:s9] =	ssyncset.done $0x0  }
0x213: {  	s29 =	sadd.s32 $0x1, s29;
	[sflag:s9] =	ssyncadd.s32 $0xFFFFE000  }
0x214: {  	[hbm4b:s23+s18] =	stream.linear.scatter [tilespmem:s10], [sflag:$0x6], $0x2000, $0x38;
	[tilespmem:$0x18000] =	vst v63  }
0x215: {  	p0 =	sne.s32 s29, s24;
	_ =	swait.ge [sflag:s8], $0x2000  }
.Ltmp4:
0x216: {  	[sflag:s8] =	ssyncset.done $0x0;
	(pc) =	sbr.rel @p0 .LBB2_1-.Ltmp4, $4  }
0x217: {  	[sflag:s8] =	ssyncadd.s32 $0xFFFFE000  }
0x218: {  	_ =	swait.ge [sflag:s28], $0x2000  }
0x219: {  	[sflag:s28] =	ssyncset.done $0x0  }
0x21a: {  	[sflag:s28] =	ssyncadd.s32 $0xFFFFE000  }
0x21b: {  	_ =	sfence.sel $0x180000  }
0x21c: {  	[bflag:$0x0] =	sbarrier.arrive $0xFFFF  }
0x21d: {  	_ =	strace $0x90000047  }
0x21e: {  	s0 =	stileid.u32;
	[bflag:$0x2] =	sbarrier.arrive $0xFFFF  }
0x21f: {  	p0 =	sne.s32 s0, $0x0;
	s0 =	rddreg [dreg:$0x3]  }
0x220: {  	s0 =	sadd.s32 @!p0 $0x100000, s0  }
0x221: {  	[sflag:s0] =	ssyncadd.tile.s32 @!p0 $0x1;
	_ =	shalt  }
.Lfunc_end2:
_tile_overlayer_lowered:
.L_overlay_start_2:
0x222: {  	(tag) =	ssettag $0x2  }
0x223: {  	s0 =	rddreg [dreg:$0x0];
	s2 =	stileid.u32  }
0x224: {  	s1 =	rddreg [dreg:$0x1];
	p0 =	sne.s32 s2, $0x0  }
0x225: {  	s3 =	rddreg [dreg:$0x2];
	[bflag:$0x3] =	sbarrier.arrive $0xFFFF;
	s2 =	simm.s32 @!p0 $0x1C07  }
0x226: {  	[timem:s3], [sflag:s2] =	dma.local @!p0 [hbm:s0], s1  }
0x227: {  	s0 =	simm.s32 @!p0 $0x7  }
0x228: {  	_ =	swait.ge @!p0 [sflag:s0], s1  }
0x229: {  	s1 =	ssub.s32 @!p0 $0x0, s1;
	[sflag:s0] =	ssyncset.done @!p0 $0x0  }
0x22a: {  	[sflag:s0] =	ssyncadd.s32 @!p0 s1  }
0x22b: {  	[bflag:$0x3] =	sbarrier.arrive $0xFFFF  }
0x22c: {  	_ =	shalt  }

</sc_bundles>
